<compile_context>
chip_gen: v7x
topology: tpu7x:2x2x1
jax: 0.10.2.dev20260603
libtpu: 0.0.44.dev20260713+nightly
codegen_flags: <defaults>
</compile_context>

<pallas_src>
import functools

import jax
import jax.numpy as jnp
from jax import lax
from jax.experimental import pallas as pl
from jax.experimental.pallas import tpu as pltpu, tpu_sc as plsc

N = 320000
D = 128
B = 2048
D_ADDUCT = 16

NBLK = N // 128
NW = 32
PER_W = NBLK // NW
EXTRA = NBLK - PER_W * NW
CHUNK = 384
PAIRS = PER_W // 6


def _sc_body(x_hbm, ids_hbm, z128_hbm,
             psum_hbm, pfirst_hbm,
             sums_sp, first_sp,
             xbuf, idbuf0, idbuf1, tidbuf,
             firstbuf, prevbuf, idx16,
             semx0, semx1, semi0, semi1, sems0, sems1):
    cid = lax.axis_index("c")
    sid = lax.axis_index("s")
    wid = sid * 2 + cid
    i32 = jnp.int32
    iota = lax.iota(i32, 16)

    def mrow(r):
        return pl.multiple_of(r, 128)

    pltpu.sync_copy(z128_hbm, sums_sp.at[pl.ds(sid * 128, 128)])

    @pl.when(sid == 0)
    def _():
        pltpu.sync_copy(z128_hbm.at[pl.ds(0, 16)], first_sp)

    pltpu.sync_copy(z128_hbm.at[pl.ds(0, 16)], firstbuf)
    idx16[...] = iota
    plsc.subcore_barrier()

    start_row = (wid * PER_W + jnp.minimum(wid, EXTRA)) * 128

    pltpu.sync_copy(
        ids_hbm.at[pl.ds(mrow(jnp.maximum(start_row - 128, 0)), 128)],
        prevbuf)
    pv = plsc.load_gather(prevbuf, [jnp.full((16,), 127, i32)])
    prev0 = jnp.where(wid == 0, jnp.full((16,), -1, i32), pv)

    def fill(buf, idb, sx, si, c):
        row = mrow(start_row + c * CHUNK)
        pltpu.async_copy(x_hbm.at[pl.ds(row, CHUNK)], xbuf.at[buf], sx)
        pltpu.async_copy(ids_hbm.at[pl.ds(row, CHUNK)], idb, si)

    def wait_fill(buf, idb, sx, si, c):
        row = mrow(start_row + c * CHUNK)
        pltpu.make_async_copy(x_hbm.at[pl.ds(row, CHUNK)],
                              xbuf.at[buf], sx).wait()
        pltpu.make_async_copy(ids_hbm.at[pl.ds(row, CHUNK)], idb, si).wait()

    def firsts(idb, base_row, ngroups, prev_last):
        nl = jnp.full((16,), ngroups * 16 - 1, i32)
        new_last = plsc.load_gather(idb, [nl])
        for v in range(ngroups):
            p = iota + v * 16
            ids16 = idb[pl.ds(v * 16, 16)]
            prv = plsc.load_gather(idb, [jnp.maximum(p - 1, 0)])
            pr = jnp.where(p == 0, prev_last, prv)
            first_m = ids16 != pr
            gpos1 = (base_row + p + 1).astype(jnp.float32)
            hi = lax.shift_right_logical(ids16, 7)
            lo = lax.bitwise_and(ids16, 127)
            plsc.store_scatter(firstbuf, [hi, lo], gpos1, mask=first_m)
        return new_last

    fill(0, idbuf0, semx0, semi0, 0)

    def pair(k, prev_last):
        c0 = 2 * k
        c1 = c0 + 1
        wait_fill(0, idbuf0, semx0, semi0, c0)
        fill(1, idbuf1, semx1, semi1, c1)
        ds0 = pltpu.async_copy(xbuf.at[0], sums_sp.at[idbuf0],
                               sems0, add=True)
        pl0 = firsts(idbuf0, start_row + c0 * CHUNK, CHUNK // 16, prev_last)
        wait_fill(1, idbuf1, semx1, semi1, c1)
        ds1 = pltpu.async_copy(xbuf.at[1], sums_sp.at[idbuf1],
                               sems1, add=True)
        pl1 = firsts(idbuf1, start_row + c1 * CHUNK, CHUNK // 16, pl0)
        ds0.wait()

        @pl.when(k + 1 < PAIRS)
        def _():
            fill(0, idbuf0, semx0, semi0, c0 + 2)

        ds1.wait()
        return pl1

    prev_last = lax.fori_loop(0, PAIRS, pair, prev0)

    @pl.when(wid < EXTRA)
    def _():
        row = mrow(start_row + PER_W * 128)
        pltpu.sync_copy(x_hbm.at[pl.ds(row, 128)], xbuf.at[0, pl.ds(0, 128)])
        pltpu.sync_copy(ids_hbm.at[pl.ds(row, 128)], tidbuf)
        pltpu.sync_copy(xbuf.at[0, pl.ds(0, 128)],
                        sums_sp.at[tidbuf], add=True)
        firsts(tidbuf, row, 8, prev_last)

    pltpu.sync_copy(firstbuf, first_sp.at[idx16], add=True)
    plsc.subcore_barrier()

    out_row = cid * B + sid * 128
    pltpu.sync_copy(sums_sp.at[pl.ds(sid * 128, 128)],
                    psum_hbm.at[pl.ds(out_row, 128)])

    @pl.when(sid == 0)
    def _():
        pltpu.sync_copy(first_sp, pfirst_hbm.at[cid])


_sc_call = functools.partial(
    pl.kernel,
    out_type=(
        jax.ShapeDtypeStruct((2 * B, D), jnp.float32),
        jax.ShapeDtypeStruct((2, 16, 128), jnp.float32),
    ),
    mesh=plsc.VectorSubcoreMesh(core_axis_name="c", subcore_axis_name="s"),
    compiler_params=pltpu.CompilerParams(needs_layout_passes=False),
    scratch_types=[
        pltpu.VMEM_SHARED((B, D), jnp.float32),
        pltpu.VMEM_SHARED((16, 128), jnp.float32),
        pltpu.VMEM((2, CHUNK, D), jnp.float32),
        pltpu.VMEM((CHUNK,), jnp.int32),
        pltpu.VMEM((CHUNK,), jnp.int32),
        pltpu.VMEM((128,), jnp.int32),
        pltpu.VMEM((16, 128), jnp.float32),
        pltpu.VMEM((128,), jnp.int32),
        pltpu.VMEM((16,), jnp.int32),
        pltpu.SemaphoreType.DMA,
        pltpu.SemaphoreType.DMA,
        pltpu.SemaphoreType.DMA,
        pltpu.SemaphoreType.DMA,
        pltpu.SemaphoreType.DMA,
        pltpu.SemaphoreType.DMA,
    ],
)(_sc_body)

_BIG = 1.0e9


def _combine_body(ps_ref, f0_ref, f1_ref, ad_ref, o_ref):
    s = ps_ref[0:B, :] + ps_ref[B:2 * B, :]
    fs = f0_ref[...] + f1_ref[...]
    present = fs > 0.5
    first = fs - 1.0
    g = jnp.where(present, first, _BIG)
    m = g
    k = 1
    while k < B:
        pad = jnp.full((k, 1), _BIG, jnp.float32)
        m = jnp.minimum(m, jnp.concatenate([m[k:], pad], axis=0))
        k *= 2
    nxt = jnp.concatenate([m[1:], jnp.full((1, 1), _BIG, jnp.float32)],
                          axis=0)
    cnt = jnp.where(present, jnp.minimum(nxt, float(N)) - first, 0.0)
    o_ref[...] = jnp.concatenate([s / jnp.maximum(cnt, 1.0), ad_ref[...]],
                                 axis=1)


_combine = pl.pallas_call(
    _combine_body,
    out_shape=jax.ShapeDtypeStruct((B, D + D_ADDUCT), jnp.float32),
)


def kernel(x, segment_ids, adduct):
    z128 = jnp.zeros((128, D), jnp.float32)
    psums, pfirst = _sc_call(x, segment_ids, z128)
    f0 = pfirst[0].reshape(B, 1)
    f1 = pfirst[1].reshape(B, 1)
    return _combine(psums, f0, f1, adduct.astype(jnp.float32))

# --- scband reference (transcript-rebuilt; emitter-appended) ---
"""Pipeline reference for scband-readout-and-concat-adduct-sequential-33612414058933 (READ-ONLY COPY).

The authoritative reference and input builder live on the scoring server;
editing this copy changes nothing except your own understanding.
"""

import jax, jax.numpy as jnp
import numpy as np

N = 320000
D = 128
B = 2048
D_ADDUCT = 16

def setup_inputs(seed: int = 0) -> dict:
    key = jax.random.key(seed)
    k1, k2, k3 = jax.random.split(key, 3)
    x = jax.random.normal(k1, (N, D), dtype=jnp.float32)
    segment_ids = jnp.sort(jax.random.randint(k2, (N,), 0, B, dtype=jnp.int32))
    adduct = jax.random.normal(k3, (B, D_ADDUCT), dtype=jnp.float32)
    return {"x": x, "segment_ids": segment_ids, "adduct": adduct}

def reference(x, segment_ids, adduct):
    num_segments = adduct.shape[0]
    # Readout(mode='mean'): per-graph mean over node features (segment mean)
    sums = jax.ops.segment_sum(x, segment_ids, num_segments=num_segments)
    counts = jax.ops.segment_sum(jnp.ones((x.shape[0],), dtype=x.dtype), segment_ids, num_segments=num_segments)
    mean = sums / jnp.maximum(counts, 1.0)[:, None]
    # Concatenate(axis=-1) with adduct features cast to float32
    return jnp.concatenate([mean, adduct.astype(jnp.float32)], axis=-1)

if __name__ == "__main__":
    import jax
    _d = setup_inputs()
    print(jax.jit(kernel)(*tuple(_d.values())))

</pallas_src>

<mosaic_0001>
#map = affine_map<(d0, d1) -> (0, 0)>
#map1 = affine_map<(d0, d1) -> (0)>
#map2 = affine_map<(d0, d1) -> (0, 0, 0)>
module attributes {stable_mosaic.version = 14 : i64} {
  func.func @_sc_body(%arg0: i32, %arg1: i32, %arg2: memref<320000x128xf32, #tpu.memory_space<hbm>>, %arg3: memref<320000xi32, #tpu.memory_space<hbm>>, %arg4: memref<128x128xf32, #tpu.memory_space<hbm>>, %arg5: memref<4096x128xf32, #tpu.memory_space<hbm>>, %arg6: memref<2x16x128xf32, #tpu.memory_space<hbm>>, %arg7: memref<2048x128xf32, #tpu.memory_space<vmem_shared>>, %arg8: memref<16x128xf32, #tpu.memory_space<vmem_shared>>, %arg9: memref<2x384x128xf32, #tpu.memory_space<vmem>>, %arg10: memref<384xi32, #tpu.memory_space<vmem>>, %arg11: memref<384xi32, #tpu.memory_space<vmem>>, %arg12: memref<128xi32, #tpu.memory_space<vmem>>, %arg13: memref<16x128xf32, #tpu.memory_space<vmem>>, %arg14: memref<128xi32, #tpu.memory_space<vmem>>, %arg15: memref<16xi32, #tpu.memory_space<vmem>>, %arg16: memref<!tpu.dma_semaphore, #tpu.memory_space<semaphore_mem>>, %arg17: memref<!tpu.dma_semaphore, #tpu.memory_space<semaphore_mem>>, %arg18: memref<!tpu.dma_semaphore, #tpu.memory_space<semaphore_mem>>, %arg19: memref<!tpu.dma_semaphore, #tpu.memory_space<semaphore_mem>>, %arg20: memref<!tpu.dma_semaphore, #tpu.memory_space<semaphore_mem>>, %arg21: memref<!tpu.dma_semaphore, #tpu.memory_space<semaphore_mem>>) attributes {dimension_semantics = [#tpu.dimension_semantics<core_parallel>, #tpu.dimension_semantics<subcore_parallel>], iteration_bounds = array<i64: 2, 16>, scalar_prefetch = 0 : i64, scratch_operands = 15 : i64, tpu.core_type = #tpu.core_type<sc_vector_subcore>, window_params = [{transform_indices = #map}, {transform_indices = #map1}, {transform_indices = #map}, {transform_indices = #map}, {transform_indices = #map2}]} {
    %mul3A = arith.constant 2 : i32
    %mul3A_0 = arith.muli %arg1, %mul3A : i32
    %add3A = arith.addi %mul3A_0, %arg0 : i32
    %iota3A = tpu.iota {dimensions = array<i32: 0>} : vector<16xi32>
    %mul3A_1 = arith.constant 128 : i32
    %mul3A_2 = arith.muli %arg1, %mul3A_1 : i32
    "tpu.region"() ({
      %run_scoped3A = tpu.sem_alloc : memref<!tpu.dma_semaphore, #tpu.memory_space<semaphore_mem>>
      %dma_start3A_58 = arith.constant 0 : i32
      %dma_start3A_59 = tpu.memref_slice %arg7[%mul3A_2, %dma_start3A_58] : memref<2048x128xf32, #tpu.memory_space<vmem_shared>> -> memref<128x128xf32, #tpu.memory_space<vmem_shared>>
      tpu.enqueue_dma source(%arg4 : memref<128x128xf32, #tpu.memory_space<hbm>>) target(%dma_start3A_59 : memref<128x128xf32, #tpu.memory_space<vmem_shared>>) target_semaphore(%run_scoped3A : memref<!tpu.dma_semaphore, #tpu.memory_space<semaphore_mem>>)
      %dma_wait3A = arith.constant 0 : i32
      %dma_wait3A_60 = tpu.memref_slice %arg7[%mul3A_2, %dma_wait3A] : memref<2048x128xf32, #tpu.memory_space<vmem_shared>> -> memref<128x128xf32, #tpu.memory_space<vmem_shared>>
      tpu.wait_dma2 semaphore(%run_scoped3A : memref<!tpu.dma_semaphore, #tpu.memory_space<semaphore_mem>>) src(%arg4 : memref<128x128xf32, #tpu.memory_space<hbm>>) dst(%dma_wait3A_60 : memref<128x128xf32, #tpu.memory_space<vmem_shared>>)
      tpu.yield
    }) : () -> ()
    %eq3A = arith.constant 0 : i32
    %eq3A_3 = arith.cmpi eq, %arg1, %eq3A : i32
    %convert_element_type3A = arith.extui %eq3A_3 : i1 to i32
    %cond3A = arith.constant 0 : i32
    %cond3A_4 = arith.cmpi ne, %convert_element_type3A, %cond3A : i32
    scf.if %cond3A_4 {
      "tpu.region"() ({
        %run_scoped3A = tpu.sem_alloc : memref<!tpu.dma_semaphore, #tpu.memory_space<semaphore_mem>>
        %dma_start3A_58 = arith.constant 0 : i32
        %dma_start3A_59 = arith.constant 0 : i32
        %dma_start3A_60 = tpu.memref_slice %arg4[%dma_start3A_58, %dma_start3A_59] : memref<128x128xf32, #tpu.memory_space<hbm>> -> memref<16x128xf32, #tpu.memory_space<hbm>>
        tpu.enqueue_dma source(%dma_start3A_60 : memref<16x128xf32, #tpu.memory_space<hbm>>) target(%arg8 : memref<16x128xf32, #tpu.memory_space<vmem_shared>>) target_semaphore(%run_scoped3A : memref<!tpu.dma_semaphore, #tpu.memory_space<semaphore_mem>>)
        %dma_wait3A = arith.constant 0 : i32
        %dma_wait3A_61 = arith.constant 0 : i32
        %dma_wait3A_62 = tpu.memref_slice %arg4[%dma_wait3A, %dma_wait3A_61] : memref<128x128xf32, #tpu.memory_space<hbm>> -> memref<16x128xf32, #tpu.memory_space<hbm>>
        tpu.wait_dma2 semaphore(%run_scoped3A : memref<!tpu.dma_semaphore, #tpu.memory_space<semaphore_mem>>) src(%dma_wait3A_62 : memref<16x128xf32, #tpu.memory_space<hbm>>) dst(%arg8 : memref<16x128xf32, #tpu.memory_space<vmem_shared>>)
        tpu.yield
      }) : () -> ()
    } else {
    }
    "tpu.region"() ({
      %run_scoped3A = tpu.sem_alloc : memref<!tpu.dma_semaphore, #tpu.memory_space<semaphore_mem>>
      %dma_start3A_58 = arith.constant 0 : i32
      %dma_start3A_59 = arith.constant 0 : i32
      %dma_start3A_60 = tpu.memref_slice %arg4[%dma_start3A_58, %dma_start3A_59] : memref<128x128xf32, #tpu.memory_space<hbm>> -> memref<16x128xf32, #tpu.memory_space<hbm>>
      %dma_start3A_61 = arith.constant 0 : i32
      %dma_start3A_62 = arith.constant 0 : i32
      %dma_start3A_63 = tpu.memref_slice %arg4[%dma_start3A_61, %dma_start3A_62] : memref<128x128xf32, #tpu.memory_space<hbm>> -> memref<16x128xf32, #tpu.memory_space<hbm>>
      tpu.enqueue_dma source(%dma_start3A_63 : memref<16x128xf32, #tpu.memory_space<hbm>>) target(%arg13 : memref<16x128xf32, #tpu.memory_space<vmem>>) target_semaphore(%run_scoped3A : memref<!tpu.dma_semaphore, #tpu.memory_space<semaphore_mem>>)
      %dma_wait3A = arith.constant 0 : i32
      %dma_wait3A_64 = arith.constant 0 : i32
      %dma_wait3A_65 = tpu.memref_slice %arg4[%dma_wait3A, %dma_wait3A_64] : memref<128x128xf32, #tpu.memory_space<hbm>> -> memref<16x128xf32, #tpu.memory_space<hbm>>
      %dma_wait3A_66 = arith.constant 0 : i32
      %dma_wait3A_67 = arith.constant 0 : i32
      %dma_wait3A_68 = tpu.memref_slice %arg4[%dma_wait3A_66, %dma_wait3A_67] : memref<128x128xf32, #tpu.memory_space<hbm>> -> memref<16x128xf32, #tpu.memory_space<hbm>>
      tpu.wait_dma2 semaphore(%run_scoped3A : memref<!tpu.dma_semaphore, #tpu.memory_space<semaphore_mem>>) src(%dma_wait3A_68 : memref<16x128xf32, #tpu.memory_space<hbm>>) dst(%arg13 : memref<16x128xf32, #tpu.memory_space<vmem>>)
      tpu.yield
    }) : () -> ()
    %swap3A = arith.constant 0 : index
    %swap3A_5 = tpu.vector_load %arg15[%swap3A] {strides = array<i32>} : memref<16xi32, #tpu.memory_space<vmem>>, vector<16xi32>,
    tpu.vector_store %arg15[%swap3A], %iota3A {strides = array<i32>} : memref<16xi32, #tpu.memory_space<vmem>>, vector<16xi32>,
    %barrier3A = arith.constant 0 : index
    tpu.barrier barrier_id(%barrier3A)
    %mul3A_6 = arith.constant 78 : i32
    %mul3A_7 = arith.muli %add3A, %mul3A_6 : i32
    %min3A = arith.constant 4 : i32
    %min3A_8 = arith.minsi %add3A, %min3A : i32
    %add3A_9 = arith.addi %mul3A_7, %min3A_8 : i32
    %mul3A_10 = arith.constant 128 : i32
    %mul3A_11 = arith.muli %add3A_9, %mul3A_10 : i32
    %sub3A = arith.constant 128 : i32
    %sub3A_12 = arith.subi %mul3A_11, %sub3A : i32
    %max3A = arith.constant 0 : i32
    %max3A_13 = arith.maxsi %sub3A_12, %max3A : i32
    %multiple_of3A = tpu.assume_multiple %max3A_13, 128 : i32
    "tpu.region"() ({
      %run_scoped3A = tpu.sem_alloc : memref<!tpu.dma_semaphore, #tpu.memory_space<semaphore_mem>>
      %dma_start3A_58 = tpu.memref_slice %arg3[%multiple_of3A] : memref<320000xi32, #tpu.memory_space<hbm>> -> memref<128xi32, #tpu.memory_space<hbm>>
      %dma_start3A_59 = tpu.memref_slice %arg3[%multiple_of3A] : memref<320000xi32, #tpu.memory_space<hbm>> -> memref<128xi32, #tpu.memory_space<hbm>>
      tpu.enqueue_dma source(%dma_start3A_59 : memref<128xi32, #tpu.memory_space<hbm>>) target(%arg14 : memref<128xi32, #tpu.memory_space<vmem>>) target_semaphore(%run_scoped3A : memref<!tpu.dma_semaphore, #tpu.memory_space<semaphore_mem>>)
      %dma_wait3A = tpu.memref_slice %arg3[%multiple_of3A] : memref<320000xi32, #tpu.memory_space<hbm>> -> memref<128xi32, #tpu.memory_space<hbm>>
      %dma_wait3A_60 = tpu.memref_slice %arg3[%multiple_of3A] : memref<320000xi32, #tpu.memory_space<hbm>> -> memref<128xi32, #tpu.memory_space<hbm>>
      tpu.wait_dma2 semaphore(%run_scoped3A : memref<!tpu.dma_semaphore, #tpu.memory_space<semaphore_mem>>) src(%dma_wait3A_60 : memref<128xi32, #tpu.memory_space<hbm>>) dst(%arg14 : memref<128xi32, #tpu.memory_space<vmem>>)
      tpu.yield
    }) : () -> ()
    %broadcast_in_dim3A = arith.constant 127 : i32
    %broadcast_in_dim3A_14 = vector.broadcast %broadcast_in_dim3A : i32 to vector<16xi32>
    %gather3A = tpu.vector_load_idx %arg14[%broadcast_in_dim3A_14] : memref<128xi32, #tpu.memory_space<vmem>>[vector<16xi32>], vector<16xi32>,
    %eq3A_15 = arith.constant 0 : i32
    %eq3A_16 = arith.cmpi eq, %add3A, %eq3A_15 : i32
    %broadcast_in_dim3A_17 = arith.constant -1 : i32
    %broadcast_in_dim3A_18 = vector.broadcast %broadcast_in_dim3A_17 : i32 to vector<16xi32>
    %select_n3A = arith.select %eq3A_16, %broadcast_in_dim3A_18, %gather3A : vector<16xi32>
    %add3A_19 = arith.constant 0 : i32
    %add3A_20 = arith.addi %mul3A_11, %add3A_19 : i32
    %multiple_of3A_21 = tpu.assume_multiple %add3A_20, 128 : i32
    %dma_start3A = arith.constant 0 : i32
    %dma_start3A_22 = arith.constant 0 : i32
    %dma_start3A_23 = arith.constant 0 : i32
    %dma_start3A_24 = tpu.memref_slice %arg9[%dma_start3A, %dma_start3A_22, %dma_start3A_23] : memref<2x384x128xf32, #tpu.memory_space<vmem>> -> memref<1x384x128xf32, #tpu.memory_space<vmem>>
    %dma_start3A_25 = tpu.memref_squeeze %dma_start3A_24 : memref<1x384x128xf32, #tpu.memory_space<vmem>> -> memref<384x128xf32, #tpu.memory_space<vmem>>
    %dma_start3A_26 = arith.constant 0 : i32
    %dma_start3A_27 = tpu.memref_slice %arg2[%multiple_of3A_21, %dma_start3A_26] : memref<320000x128xf32, #tpu.memory_space<hbm>> -> memref<384x128xf32, #tpu.memory_space<hbm>>
    %dma_start3A_28 = arith.constant 0 : i32
    %dma_start3A_29 = arith.constant 0 : i32
    %dma_start3A_30 = tpu.memref_slice %arg9[%dma_start3A, %dma_start3A_28, %dma_start3A_29] : memref<2x384x128xf32, #tpu.memory_space<vmem>> -> memref<1x384x128xf32, #tpu.memory_space<vmem>>
    %dma_start3A_31 = tpu.memref_squeeze %dma_start3A_30 : memref<1x384x128xf32, #tpu.memory_space<vmem>> -> memref<384x128xf32, #tpu.memory_space<vmem>>
    %dma_start3A_32 = arith.constant 0 : i32
    %dma_start3A_33 = tpu.memref_slice %arg2[%multiple_of3A_21, %dma_start3A_32] : memref<320000x128xf32, #tpu.memory_space<hbm>> -> memref<384x128xf32, #tpu.memory_space<hbm>>
    tpu.enqueue_dma source(%dma_start3A_33 : memref<384x128xf32, #tpu.memory_space<hbm>>) target(%dma_start3A_31 : memref<384x128xf32, #tpu.memory_space<vmem>>) target_semaphore(%arg16 : memref<!tpu.dma_semaphore, #tpu.memory_space<semaphore_mem>>)
    %dma_start3A_34 = tpu.memref_slice %arg3[%multiple_of3A_21] : memref<320000xi32, #tpu.memory_space<hbm>> -> memref<384xi32, #tpu.memory_space<hbm>>
    %dma_start3A_35 = tpu.memref_slice %arg3[%multiple_of3A_21] : memref<320000xi32, #tpu.memory_space<hbm>> -> memref<384xi32, #tpu.memory_space<hbm>>
    tpu.enqueue_dma source(%dma_start3A_35 : memref<384xi32, #tpu.memory_space<hbm>>) target(%arg10 : memref<384xi32, #tpu.memory_space<vmem>>) target_semaphore(%arg18 : memref<!tpu.dma_semaphore, #tpu.memory_space<semaphore_mem>>)
    %scan3A = arith.constant 0 : i32
    %scan3A_36 = arith.constant 13 : i32
    %scan3A_37 = arith.addi %scan3A, %scan3A_36 : i32
    %scan3A_38 = arith.constant 1 : i32
    %scan3A_39 = scf.for %scan3A_58 = %scan3A to %scan3A_37 step %scan3A_38 iter_args(%scan3A_59 = %select_n3A) -> (vector<16xi32>)  : i32 {
      %mul3A_60 = arith.constant 2 : i32
      %mul3A_61 = arith.muli %mul3A_60, %scan3A_58 : i32
      %add3A_62 = arith.constant 1 : i32
      %add3A_63 = arith.addi %mul3A_61, %add3A_62 : i32
      %mul3A_64 = arith.constant 384 : i32
      %mul3A_65 = arith.muli %mul3A_61, %mul3A_64 : i32
      %add3A_66 = arith.addi %mul3A_11, %mul3A_65 : i32
      %multiple_of3A_67 = tpu.assume_multiple %add3A_66, 128 : i32
      %dma_wait3A = arith.constant 0 : i32
      %dma_wait3A_68 = arith.constant 0 : i32
      %dma_wait3A_69 = arith.constant 0 : i32
      %dma_wait3A_70 = tpu.memref_slice %arg9[%dma_wait3A, %dma_wait3A_68, %dma_wait3A_69] : memref<2x384x128xf32, #tpu.memory_space<vmem>> -> memref<1x384x128xf32, #tpu.memory_space<vmem>>
      %dma_wait3A_71 = tpu.memref_squeeze %dma_wait3A_70 : memref<1x384x128xf32, #tpu.memory_space<vmem>> -> memref<384x128xf32, #tpu.memory_space<vmem>>
      %dma_wait3A_72 = arith.constant 0 : i32
      %dma_wait3A_73 = tpu.memref_slice %arg2[%multiple_of3A_67, %dma_wait3A_72] : memref<320000x128xf32, #tpu.memory_space<hbm>> -> memref<384x128xf32, #tpu.memory_space<hbm>>
      %dma_wait3A_74 = arith.constant 0 : i32
      %dma_wait3A_75 = arith.constant 0 : i32
      %dma_wait3A_76 = tpu.memref_slice %arg9[%dma_wait3A, %dma_wait3A_74, %dma_wait3A_75] : memref<2x384x128xf32, #tpu.memory_space<vmem>> -> memref<1x384x128xf32, #tpu.memory_space<vmem>>
      %dma_wait3A_77 = tpu.memref_squeeze %dma_wait3A_76 : memref<1x384x128xf32, #tpu.memory_space<vmem>> -> memref<384x128xf32, #tpu.memory_space<vmem>>
      %dma_wait3A_78 = arith.constant 0 : i32
      %dma_wait3A_79 = tpu.memref_slice %arg2[%multiple_of3A_67, %dma_wait3A_78] : memref<320000x128xf32, #tpu.memory_space<hbm>> -> memref<384x128xf32, #tpu.memory_space<hbm>>
      tpu.wait_dma2 semaphore(%arg16 : memref<!tpu.dma_semaphore, #tpu.memory_space<semaphore_mem>>) src(%dma_wait3A_79 : memref<384x128xf32, #tpu.memory_space<hbm>>) dst(%dma_wait3A_77 : memref<384x128xf32, #tpu.memory_space<vmem>>)
      %dma_wait3A_80 = tpu.memref_slice %arg3[%multiple_of3A_67] : memref<320000xi32, #tpu.memory_space<hbm>> -> memref<384xi32, #tpu.memory_space<hbm>>
      %dma_wait3A_81 = tpu.memref_slice %arg3[%multiple_of3A_67] : memref<320000xi32, #tpu.memory_space<hbm>> -> memref<384xi32, #tpu.memory_space<hbm>>
      tpu.wait_dma2 semaphore(%arg18 : memref<!tpu.dma_semaphore, #tpu.memory_space<semaphore_mem>>) src(%dma_wait3A_81 : memref<384xi32, #tpu.memory_space<hbm>>) dst(%arg10 : memref<384xi32, #tpu.memory_space<vmem>>)
      %mul3A_82 = arith.constant 384 : i32
      %mul3A_83 = arith.muli %add3A_63, %mul3A_82 : i32
      %add3A_84 = arith.addi %mul3A_11, %mul3A_83 : i32
      %multiple_of3A_85 = tpu.assume_multiple %add3A_84, 128 : i32
      %dma_start3A_86 = arith.constant 1 : i32
      %dma_start3A_87 = arith.constant 0 : i32
      %dma_start3A_88 = arith.constant 0 : i32
      %dma_start3A_89 = tpu.memref_slice %arg9[%dma_start3A_86, %dma_start3A_87, %dma_start3A_88] : memref<2x384x128xf32, #tpu.memory_space<vmem>> -> memref<1x384x128xf32, #tpu.memory_space<vmem>>
      %dma_start3A_90 = tpu.memref_squeeze %dma_start3A_89 : memref<1x384x128xf32, #tpu.memory_space<vmem>> -> memref<384x128xf32, #tpu.memory_space<vmem>>
      %dma_start3A_91 = arith.constant 0 : i32
      %dma_start3A_92 = tpu.memref_slice %arg2[%multiple_of3A_85, %dma_start3A_91] : memref<320000x128xf32, #tpu.memory_space<hbm>> -> memref<384x128xf32, #tpu.memory_space<hbm>>
      %dma_start3A_93 = arith.constant 0 : i32
      %dma_start3A_94 = arith.constant 0 : i32
      %dma_start3A_95 = tpu.memref_slice %arg9[%dma_start3A_86, %dma_start3A_93, %dma_start3A_94] : memref<2x384x128xf32, #tpu.memory_space<vmem>> -> memref<1x384x128xf32, #tpu.memory_space<vmem>>
      %dma_start3A_96 = tpu.memref_squeeze %dma_start3A_95 : memref<1x384x128xf32, #tpu.memory_space<vmem>> -> memref<384x128xf32, #tpu.memory_space<vmem>>
      %dma_start3A_97 = arith.constant 0 : i32
      %dma_start3A_98 = tpu.memref_slice %arg2[%multiple_of3A_85, %dma_start3A_97] : memref<320000x128xf32, #tpu.memory_space<hbm>> -> memref<384x128xf32, #tpu.memory_space<hbm>>
      tpu.enqueue_dma source(%dma_start3A_98 : memref<384x128xf32, #tpu.memory_space<hbm>>) target(%dma_start3A_96 : memref<384x128xf32, #tpu.memory_space<vmem>>) target_semaphore(%arg17 : memref<!tpu.dma_semaphore, #tpu.memory_space<semaphore_mem>>)
      %dma_start3A_99 = tpu.memref_slice %arg3[%multiple_of3A_85] : memref<320000xi32, #tpu.memory_space<hbm>> -> memref<384xi32, #tpu.memory_space<hbm>>
      %dma_start3A_100 = tpu.memref_slice %arg3[%multiple_of3A_85] : memref<320000xi32, #tpu.memory_space<hbm>> -> memref<384xi32, #tpu.memory_space<hbm>>
      tpu.enqueue_dma source(%dma_start3A_100 : memref<384xi32, #tpu.memory_space<hbm>>) target(%arg11 : memref<384xi32, #tpu.memory_space<vmem>>) target_semaphore(%arg19 : memref<!tpu.dma_semaphore, #tpu.memory_space<semaphore_mem>>)
      %dma_start3A_101 = arith.constant 0 : i32
      %dma_start3A_102 = arith.constant 0 : i32
      %dma_start3A_103 = arith.constant 0 : i32
      %dma_start3A_104 = tpu.memref_slice %arg9[%dma_start3A_101, %dma_start3A_102, %dma_start3A_103] : memref<2x384x128xf32, #tpu.memory_space<vmem>> -> memref<1x384x128xf32, #tpu.memory_space<vmem>>
      %dma_start3A_105 = tpu.memref_squeeze %dma_start3A_104 : memref<1x384x128xf32, #tpu.memory_space<vmem>> -> memref<384x128xf32, #tpu.memory_space<vmem>>
      %dma_start3A_106 = arith.constant 0 : i32
      %dma_start3A_107 = arith.constant 0 : i32
      %dma_start3A_108 = tpu.memref_slice %arg7[%dma_start3A_106, %dma_start3A_107] : memref<2048x128xf32, #tpu.memory_space<vmem_shared>> -> memref<2048x128xf32, #tpu.memory_space<vmem_shared>>
      tpu.enqueue_indirect_dma source(%dma_start3A_105 : memref<384x128xf32, #tpu.memory_space<vmem>>) target(%dma_start3A_108 : memref<2048x128xf32, #tpu.memory_space<vmem_shared>>) offsets(%arg10 : memref<384xi32, #tpu.memory_space<vmem>>) semaphore(%arg20 : memref<!tpu.dma_semaphore, #tpu.memory_space<semaphore_mem>>) {add = true}
      %mul3A_109 = arith.constant 384 : i32
      %mul3A_110 = arith.muli %mul3A_61, %mul3A_109 : i32
      %add3A_111 = arith.addi %mul3A_11, %mul3A_110 : i32
      %broadcast_in_dim3A_112 = arith.constant 383 : i32
      %broadcast_in_dim3A_113 = vector.broadcast %broadcast_in_dim3A_112 : i32 to vector<16xi32>
      %gather3A_114 = tpu.vector_load_idx %arg10[%broadcast_in_dim3A_113] : memref<384xi32, #tpu.memory_space<vmem>>[vector<16xi32>], vector<16xi32>,
      %add3A_115 = arith.constant 0 : i32
      %add3A_116 = vector.broadcast %add3A_115 : i32 to vector<16xi32>
      %add3A_117 = arith.addi %iota3A, %add3A_116 : vector<16xi32>
      %get3A = arith.constant 0 : index
      %get3A_118 = tpu.vector_load %arg10[%get3A] {strides = array<i32>} : memref<384xi32, #tpu.memory_space<vmem>>, vector<16xi32>,
      %sub3A_119 = arith.constant 1 : i32
      %sub3A_120 = vector.broadcast %sub3A_119 : i32 to vector<16xi32>
      %sub3A_121 = arith.subi %add3A_117, %sub3A_120 : vector<16xi32>
      %max3A_122 = arith.constant 0 : i32
      %max3A_123 = vector.broadcast %max3A_122 : i32 to vector<16xi32>
      %max3A_124 = arith.maxsi %sub3A_121, %max3A_123 : vector<16xi32>
      %gather3A_125 = tpu.vector_load_idx %arg10[%max3A_124] : memref<384xi32, #tpu.memory_space<vmem>>[vector<16xi32>], vector<16xi32>,
      %eq3A_126 = arith.constant 0 : i32
      %eq3A_127 = vector.broadcast %eq3A_126 : i32 to vector<16xi32>
      %eq3A_128 = arith.cmpi eq, %add3A_117, %eq3A_127 : vector<16xi32>
      %select_n3A_129 = arith.select %eq3A_128, %scan3A_59, %gather3A_125 : vector<16xi1>, vector<16xi32>
      %ne3A = arith.cmpi ne, %get3A_118, %select_n3A_129 : vector<16xi32>
      %add3A_130 = vector.broadcast %add3A_111 : i32 to vector<16xi32>
      %add3A_131 = arith.addi %add3A_130, %add3A_117 : vector<16xi32>
      %add3A_132 = arith.constant 1 : i32
      %add3A_133 = vector.broadcast %add3A_132 : i32 to vector<16xi32>
      %add3A_134 = arith.addi %add3A_131, %add3A_133 : vector<16xi32>
      %convert_element_type3A_135 = arith.sitofp %add3A_134 : vector<16xi32> to vector<16xf32>
      %shift_right_logical3A = arith.constant 7 : i32
      %shift_right_logical3A_136 = vector.broadcast %shift_right_logical3A : i32 to vector<16xi32>
      %shift_right_logical3A_137 = arith.shrui %get3A_118, %shift_right_logical3A_136 : vector<16xi32>
      %and3A = arith.constant 127 : i32
      %and3A_138 = vector.broadcast %and3A : i32 to vector<16xi32>
      %and3A_139 = arith.andi %get3A_118, %and3A_138 : vector<16xi32>
      tpu.vector_store_idx %arg13[%shift_right_logical3A_137, %and3A_139], %convert_element_type3A_135 masked %ne3A : memref<16x128xf32, #tpu.memory_space<vmem>>[vector<16xi32>, vector<16xi32>], vector<16xf32>, vector<16xi1>
      %add3A_140 = arith.constant 16 : i32
      %add3A_141 = vector.broadcast %add3A_140 : i32 to vector<16xi32>
      %add3A_142 = arith.addi %iota3A, %add3A_141 : vector<16xi32>
      %get3A_143 = arith.constant 16 : index
      %get3A_144 = tpu.vector_load %arg10[%get3A_143] {strides = array<i32>} : memref<384xi32, #tpu.memory_space<vmem>>, vector<16xi32>,
      %sub3A_145 = arith.constant 1 : i32
      %sub3A_146 = vector.broadcast %sub3A_145 : i32 to vector<16xi32>
      %sub3A_147 = arith.subi %add3A_142, %sub3A_146 : vector<16xi32>
      %max3A_148 = arith.constant 0 : i32
      %max3A_149 = vector.broadcast %max3A_148 : i32 to vector<16xi32>
      %max3A_150 = arith.maxsi %sub3A_147, %max3A_149 : vector<16xi32>
      %gather3A_151 = tpu.vector_load_idx %arg10[%max3A_150] : memref<384xi32, #tpu.memory_space<vmem>>[vector<16xi32>], vector<16xi32>,
      %eq3A_152 = arith.constant 0 : i32
      %eq3A_153 = vector.broadcast %eq3A_152 : i32 to vector<16xi32>
      %eq3A_154 = arith.cmpi eq, %add3A_142, %eq3A_153 : vector<16xi32>
      %select_n3A_155 = arith.select %eq3A_154, %scan3A_59, %gather3A_151 : vector<16xi1>, vector<16xi32>
      %ne3A_156 = arith.cmpi ne, %get3A_144, %select_n3A_155 : vector<16xi32>
      %add3A_157 = vector.broadcast %add3A_111 : i32 to vector<16xi32>
      %add3A_158 = arith.addi %add3A_157, %add3A_142 : vector<16xi32>
      %add3A_159 = arith.constant 1 : i32
      %add3A_160 = vector.broadcast %add3A_159 : i32 to vector<16xi32>
      %add3A_161 = arith.addi %add3A_158, %add3A_160 : vector<16xi32>
      %convert_element_type3A_162 = arith.sitofp %add3A_161 : vector<16xi32> to vector<16xf32>
      %shift_right_logical3A_163 = arith.constant 7 : i32
      %shift_right_logical3A_164 = vector.broadcast %shift_right_logical3A_163 : i32 to vector<16xi32>
      %shift_right_logical3A_165 = arith.shrui %get3A_144, %shift_right_logical3A_164 : vector<16xi32>
      %and3A_166 = arith.constant 127 : i32
      %and3A_167 = vector.broadcast %and3A_166 : i32 to vector<16xi32>
      %and3A_168 = arith.andi %get3A_144, %and3A_167 : vector<16xi32>
      tpu.vector_store_idx %arg13[%shift_right_logical3A_165, %and3A_168], %convert_element_type3A_162 masked %ne3A_156 : memref<16x128xf32, #tpu.memory_space<vmem>>[vector<16xi32>, vector<16xi32>], vector<16xf32>, vector<16xi1>
      %add3A_169 = arith.constant 32 : i32
      %add3A_170 = vector.broadcast %add3A_169 : i32 to vector<16xi32>
      %add3A_171 = arith.addi %iota3A, %add3A_170 : vector<16xi32>
      %get3A_172 = arith.constant 32 : index
      %get3A_173 = tpu.vector_load %arg10[%get3A_172] {strides = array<i32>} : memref<384xi32, #tpu.memory_space<vmem>>, vector<16xi32>,
      %sub3A_174 = arith.constant 1 : i32
      %sub3A_175 = vector.broadcast %sub3A_174 : i32 to vector<16xi32>
      %sub3A_176 = arith.subi %add3A_171, %sub3A_175 : vector<16xi32>
      %max3A_177 = arith.constant 0 : i32
      %max3A_178 = vector.broadcast %max3A_177 : i32 to vector<16xi32>
      %max3A_179 = arith.maxsi %sub3A_176, %max3A_178 : vector<16xi32>
      %gather3A_180 = tpu.vector_load_idx %arg10[%max3A_179] : memref<384xi32, #tpu.memory_space<vmem>>[vector<16xi32>], vector<16xi32>,
      %eq3A_181 = arith.constant 0 : i32
      %eq3A_182 = vector.broadcast %eq3A_181 : i32 to vector<16xi32>
      %eq3A_183 = arith.cmpi eq, %add3A_171, %eq3A_182 : vector<16xi32>
      %select_n3A_184 = arith.select %eq3A_183, %scan3A_59, %gather3A_180 : vector<16xi1>, vector<16xi32>
      %ne3A_185 = arith.cmpi ne, %get3A_173, %select_n3A_184 : vector<16xi32>
      %add3A_186 = vector.broadcast %add3A_111 : i32 to vector<16xi32>
      %add3A_187 = arith.addi %add3A_186, %add3A_171 : vector<16xi32>
      %add3A_188 = arith.constant 1 : i32
      %add3A_189 = vector.broadcast %add3A_188 : i32 to vector<16xi32>
      %add3A_190 = arith.addi %add3A_187, %add3A_189 : vector<16xi32>
      %convert_element_type3A_191 = arith.sitofp %add3A_190 : vector<16xi32> to vector<16xf32>
      %shift_right_logical3A_192 = arith.constant 7 : i32
      %shift_right_logical3A_193 = vector.broadcast %shift_right_logical3A_192 : i32 to vector<16xi32>
      %shift_right_logical3A_194 = arith.shrui %get3A_173, %shift_right_logical3A_193 : vector<16xi32>
      %and3A_195 = arith.constant 127 : i32
      %and3A_196 = vector.broadcast %and3A_195 : i32 to vector<16xi32>
      %and3A_197 = arith.andi %get3A_173, %and3A_196 : vector<16xi32>
      tpu.vector_store_idx %arg13[%shift_right_logical3A_194, %and3A_197], %convert_element_type3A_191 masked %ne3A_185 : memref<16x128xf32, #tpu.memory_space<vmem>>[vector<16xi32>, vector<16xi32>], vector<16xf32>, vector<16xi1>
      %add3A_198 = arith.constant 48 : i32
      %add3A_199 = vector.broadcast %add3A_198 : i32 to vector<16xi32>
      %add3A_200 = arith.addi %iota3A, %add3A_199 : vector<16xi32>
      %get3A_201 = arith.constant 48 : index
      %get3A_202 = tpu.vector_load %arg10[%get3A_201] {strides = array<i32>} : memref<384xi32, #tpu.memory_space<vmem>>, vector<16xi32>,
      %sub3A_203 = arith.constant 1 : i32
      %sub3A_204 = vector.broadcast %sub3A_203 : i32 to vector<16xi32>
      %sub3A_205 = arith.subi %add3A_200, %sub3A_204 : vector<16xi32>
      %max3A_206 = arith.constant 0 : i32
      %max3A_207 = vector.broadcast %max3A_206 : i32 to vector<16xi32>
      %max3A_208 = arith.maxsi %sub3A_205, %max3A_207 : vector<16xi32>
      %gather3A_209 = tpu.vector_load_idx %arg10[%max3A_208] : memref<384xi32, #tpu.memory_space<vmem>>[vector<16xi32>], vector<16xi32>,
      %eq3A_210 = arith.constant 0 : i32
      %eq3A_211 = vector.broadcast %eq3A_210 : i32 to vector<16xi32>
      %eq3A_212 = arith.cmpi eq, %add3A_200, %eq3A_211 : vector<16xi32>
      %select_n3A_213 = arith.select %eq3A_212, %scan3A_59, %gather3A_209 : vector<16xi1>, vector<16xi32>
      %ne3A_214 = arith.cmpi ne, %get3A_202, %select_n3A_213 : vector<16xi32>
      %add3A_215 = vector.broadcast %add3A_111 : i32 to vector<16xi32>
      %add3A_216 = arith.addi %add3A_215, %add3A_200 : vector<16xi32>
      %add3A_217 = arith.constant 1 : i32
      %add3A_218 = vector.broadcast %add3A_217 : i32 to vector<16xi32>
      %add3A_219 = arith.addi %add3A_216, %add3A_218 : vector<16xi32>
      %convert_element_type3A_220 = arith.sitofp %add3A_219 : vector<16xi32> to vector<16xf32>
      %shift_right_logical3A_221 = arith.constant 7 : i32
      %shift_right_logical3A_222 = vector.broadcast %shift_right_logical3A_221 : i32 to vector<16xi32>
      %shift_right_logical3A_223 = arith.shrui %get3A_202, %shift_right_logical3A_222 : vector<16xi32>
      %and3A_224 = arith.constant 127 : i32
      %and3A_225 = vector.broadcast %and3A_224 : i32 to vector<16xi32>
      %and3A_226 = arith.andi %get3A_202, %and3A_225 : vector<16xi32>
      tpu.vector_store_idx %arg13[%shift_right_logical3A_223, %and3A_226], %convert_element_type3A_220 masked %ne3A_214 : memref<16x128xf32, #tpu.memory_space<vmem>>[vector<16xi32>, vector<16xi32>], vector<16xf32>, vector<16xi1>
      %add3A_227 = arith.constant 64 : i32
      %add3A_228 = vector.broadcast %add3A_227 : i32 to vector<16xi32>
      %add3A_229 = arith.addi %iota3A, %add3A_228 : vector<16xi32>
      %get3A_230 = arith.constant 64 : index
      %get3A_231 = tpu.vector_load %arg10[%get3A_230] {strides = array<i32>} : memref<384xi32, #tpu.memory_space<vmem>>, vector<16xi32>,
      %sub3A_232 = arith.constant 1 : i32
      %sub3A_233 = vector.broadcast %sub3A_232 : i32 to vector<16xi32>
      %sub3A_234 = arith.subi %add3A_229, %sub3A_233 : vector<16xi32>
      %max3A_235 = arith.constant 0 : i32
      %max3A_236 = vector.broadcast %max3A_235 : i32 to vector<16xi32>
      %max3A_237 = arith.maxsi %sub3A_234, %max3A_236 : vector<16xi32>
      %gather3A_238 = tpu.vector_load_idx %arg10[%max3A_237] : memref<384xi32, #tpu.memory_space<vmem>>[vector<16xi32>], vector<16xi32>,
      %eq3A_239 = arith.constant 0 : i32
      %eq3A_240 = vector.broadcast %eq3A_239 : i32 to vector<16xi32>
      %eq3A_241 = arith.cmpi eq, %add3A_229, %eq3A_240 : vector<16xi32>
      %select_n3A_242 = arith.select %eq3A_241, %scan3A_59, %gather3A_238 : vector<16xi1>, vector<16xi32>
      %ne3A_243 = arith.cmpi ne, %get3A_231, %select_n3A_242 : vector<16xi32>
      %add3A_244 = vector.broadcast %add3A_111 : i32 to vector<16xi32>
      %add3A_245 = arith.addi %add3A_244, %add3A_229 : vector<16xi32>
      %add3A_246 = arith.constant 1 : i32
      %add3A_247 = vector.broadcast %add3A_246 : i32 to vector<16xi32>
      %add3A_248 = arith.addi %add3A_245, %add3A_247 : vector<16xi32>
      %convert_element_type3A_249 = arith.sitofp %add3A_248 : vector<16xi32> to vector<16xf32>
      %shift_right_logical3A_250 = arith.constant 7 : i32
      %shift_right_logical3A_251 = vector.broadcast %shift_right_logical3A_250 : i32 to vector<16xi32>
      %shift_right_logical3A_252 = arith.shrui %get3A_231, %shift_right_logical3A_251 : vector<16xi32>
      %and3A_253 = arith.constant 127 : i32
      %and3A_254 = vector.broadcast %and3A_253 : i32 to vector<16xi32>
      %and3A_255 = arith.andi %get3A_231, %and3A_254 : vector<16xi32>
      tpu.vector_store_idx %arg13[%shift_right_logical3A_252, %and3A_255], %convert_element_type3A_249 masked %ne3A_243 : memref<16x128xf32, #tpu.memory_space<vmem>>[vector<16xi32>, vector<16xi32>], vector<16xf32>, vector<16xi1>
      %add3A_256 = arith.constant 80 : i32
      %add3A_257 = vector.broadcast %add3A_256 : i32 to vector<16xi32>
      %add3A_258 = arith.addi %iota3A, %add3A_257 : vector<16xi32>
      %get3A_259 = arith.constant 80 : index
      %get3A_260 = tpu.vector_load %arg10[%get3A_259] {strides = array<i32>} : memref<384xi32, #tpu.memory_space<vmem>>, vector<16xi32>,
      %sub3A_261 = arith.constant 1 : i32
      %sub3A_262 = vector.broadcast %sub3A_261 : i32 to vector<16xi32>
      %sub3A_263 = arith.subi %add3A_258, %sub3A_262 : vector<16xi32>
      %max3A_264 = arith.constant 0 : i32
      %max3A_265 = vector.broadcast %max3A_264 : i32 to vector<16xi32>
      %max3A_266 = arith.maxsi %sub3A_263, %max3A_265 : vector<16xi32>
      %gather3A_267 = tpu.vector_load_idx %arg10[%max3A_266] : memref<384xi32, #tpu.memory_space<vmem>>[vector<16xi32>], vector<16xi32>,
      %eq3A_268 = arith.constant 0 : i32
      %eq3A_269 = vector.broadcast %eq3A_268 : i32 to vector<16xi32>
      %eq3A_270 = arith.cmpi eq, %add3A_258, %eq3A_269 : vector<16xi32>
      %select_n3A_271 = arith.select %eq3A_270, %scan3A_59, %gather3A_267 : vector<16xi1>, vector<16xi32>
      %ne3A_272 = arith.cmpi ne, %get3A_260, %select_n3A_271 : vector<16xi32>
      %add3A_273 = vector.broadcast %add3A_111 : i32 to vector<16xi32>
      %add3A_274 = arith.addi %add3A_273, %add3A_258 : vector<16xi32>
      %add3A_275 = arith.constant 1 : i32
      %add3A_276 = vector.broadcast %add3A_275 : i32 to vector<16xi32>
      %add3A_277 = arith.addi %add3A_274, %add3A_276 : vector<16xi32>
      %convert_element_type3A_278 = arith.sitofp %add3A_277 : vector<16xi32> to vector<16xf32>
      %shift_right_logical3A_279 = arith.constant 7 : i32
      %shift_right_logical3A_280 = vector.broadcast %shift_right_logical3A_279 : i32 to vector<16xi32>
      %shift_right_logical3A_281 = arith.shrui %get3A_260, %shift_right_logical3A_280 : vector<16xi32>
      %and3A_282 = arith.constant 127 : i32
      %and3A_283 = vector.broadcast %and3A_282 : i32 to vector<16xi32>
      %and3A_284 = arith.andi %get3A_260, %and3A_283 : vector<16xi32>
      tpu.vector_store_idx %arg13[%shift_right_logical3A_281, %and3A_284], %convert_element_type3A_278 masked %ne3A_272 : memref<16x128xf32, #tpu.memory_space<vmem>>[vector<16xi32>, vector<16xi32>], vector<16xf32>, vector<16xi1>
      %add3A_285 = arith.constant 96 : i32
      %add3A_286 = vector.broadcast %add3A_285 : i32 to vector<16xi32>
      %add3A_287 = arith.addi %iota3A, %add3A_286 : vector<16xi32>
      %get3A_288 = arith.constant 96 : index
      %get3A_289 = tpu.vector_load %arg10[%get3A_288] {strides = array<i32>} : memref<384xi32, #tpu.memory_space<vmem>>, vector<16xi32>,
      %sub3A_290 = arith.constant 1 : i32
      %sub3A_291 = vector.broadcast %sub3A_290 : i32 to vector<16xi32>
      %sub3A_292 = arith.subi %add3A_287, %sub3A_291 : vector<16xi32>
      %max3A_293 = arith.constant 0 : i32
      %max3A_294 = vector.broadcast %max3A_293 : i32 to vector<16xi32>
      %max3A_295 = arith.maxsi %sub3A_292, %max3A_294 : vector<16xi32>
      %gather3A_296 = tpu.vector_load_idx %arg10[%max3A_295] : memref<384xi32, #tpu.memory_space<vmem>>[vector<16xi32>], vector<16xi32>,
      %eq3A_297 = arith.constant 0 : i32
      %eq3A_298 = vector.broadcast %eq3A_297 : i32 to vector<16xi32>
      %eq3A_299 = arith.cmpi eq, %add3A_287, %eq3A_298 : vector<16xi32>
      %select_n3A_300 = arith.select %eq3A_299, %scan3A_59, %gather3A_296 : vector<16xi1>, vector<16xi32>
      %ne3A_301 = arith.cmpi ne, %get3A_289, %select_n3A_300 : vector<16xi32>
      %add3A_302 = vector.broadcast %add3A_111 : i32 to vector<16xi32>
      %add3A_303 = arith.addi %add3A_302, %add3A_287 : vector<16xi32>
      %add3A_304 = arith.constant 1 : i32
      %add3A_305 = vector.broadcast %add3A_304 : i32 to vector<16xi32>
      %add3A_306 = arith.addi %add3A_303, %add3A_305 : vector<16xi32>
      %convert_element_type3A_307 = arith.sitofp %add3A_306 : vector<16xi32> to vector<16xf32>
      %shift_right_logical3A_308 = arith.constant 7 : i32
      %shift_right_logical3A_309 = vector.broadcast %shift_right_logical3A_308 : i32 to vector<16xi32>
      %shift_right_logical3A_310 = arith.shrui %get3A_289, %shift_right_logical3A_309 : vector<16xi32>
      %and3A_311 = arith.constant 127 : i32
      %and3A_312 = vector.broadcast %and3A_311 : i32 to vector<16xi32>
      %and3A_313 = arith.andi %get3A_289, %and3A_312 : vector<16xi32>
      tpu.vector_store_idx %arg13[%shift_right_logical3A_310, %and3A_313], %convert_element_type3A_307 masked %ne3A_301 : memref<16x128xf32, #tpu.memory_space<vmem>>[vector<16xi32>, vector<16xi32>], vector<16xf32>, vector<16xi1>
      %add3A_314 = arith.constant 112 : i32
      %add3A_315 = vector.broadcast %add3A_314 : i32 to vector<16xi32>
      %add3A_316 = arith.addi %iota3A, %add3A_315 : vector<16xi32>
      %get3A_317 = arith.constant 112 : index
      %get3A_318 = tpu.vector_load %arg10[%get3A_317] {strides = array<i32>} : memref<384xi32, #tpu.memory_space<vmem>>, vector<16xi32>,
      %sub3A_319 = arith.constant 1 : i32
      %sub3A_320 = vector.broadcast %sub3A_319 : i32 to vector<16xi32>
      %sub3A_321 = arith.subi %add3A_316, %sub3A_320 : vector<16xi32>
      %max3A_322 = arith.constant 0 : i32
      %max3A_323 = vector.broadcast %max3A_322 : i32 to vector<16xi32>
      %max3A_324 = arith.maxsi %sub3A_321, %max3A_323 : vector<16xi32>
      %gather3A_325 = tpu.vector_load_idx %arg10[%max3A_324] : memref<384xi32, #tpu.memory_space<vmem>>[vector<16xi32>], vector<16xi32>,
      %eq3A_326 = arith.constant 0 : i32
      %eq3A_327 = vector.broadcast %eq3A_326 : i32 to vector<16xi32>
      %eq3A_328 = arith.cmpi eq, %add3A_316, %eq3A_327 : vector<16xi32>
      %select_n3A_329 = arith.select %eq3A_328, %scan3A_59, %gather3A_325 : vector<16xi1>, vector<16xi32>
      %ne3A_330 = arith.cmpi ne, %get3A_318, %select_n3A_329 : vector<16xi32>
      %add3A_331 = vector.broadcast %add3A_111 : i32 to vector<16xi32>
      %add3A_332 = arith.addi %add3A_331, %add3A_316 : vector<16xi32>
      %add3A_333 = arith.constant 1 : i32
      %add3A_334 = vector.broadcast %add3A_333 : i32 to vector<16xi32>
      %add3A_335 = arith.addi %add3A_332, %add3A_334 : vector<16xi32>
      %convert_element_type3A_336 = arith.sitofp %add3A_335 : vector<16xi32> to vector<16xf32>
      %shift_right_logical3A_337 = arith.constant 7 : i32
      %shift_right_logical3A_338 = vector.broadcast %shift_right_logical3A_337 : i32 to vector<16xi32>
      %shift_right_logical3A_339 = arith.shrui %get3A_318, %shift_right_logical3A_338 : vector<16xi32>
      %and3A_340 = arith.constant 127 : i32
      %and3A_341 = vector.broadcast %and3A_340 : i32 to vector<16xi32>
      %and3A_342 = arith.andi %get3A_318, %and3A_341 : vector<16xi32>
      tpu.vector_store_idx %arg13[%shift_right_logical3A_339, %and3A_342], %convert_element_type3A_336 masked %ne3A_330 : memref<16x128xf32, #tpu.memory_space<vmem>>[vector<16xi32>, vector<16xi32>], vector<16xf32>, vector<16xi1>
      %add3A_343 = arith.constant 128 : i32
      %add3A_344 = vector.broadcast %add3A_343 : i32 to vector<16xi32>
      %add3A_345 = arith.addi %iota3A, %add3A_344 : vector<16xi32>
      %get3A_346 = arith.constant 128 : index
      %get3A_347 = tpu.vector_load %arg10[%get3A_346] {strides = array<i32>} : memref<384xi32, #tpu.memory_space<vmem>>, vector<16xi32>,
      %sub3A_348 = arith.constant 1 : i32
      %sub3A_349 = vector.broadcast %sub3A_348 : i32 to vector<16xi32>
      %sub3A_350 = arith.subi %add3A_345, %sub3A_349 : vector<16xi32>
      %max3A_351 = arith.constant 0 : i32
      %max3A_352 = vector.broadcast %max3A_351 : i32 to vector<16xi32>
      %max3A_353 = arith.maxsi %sub3A_350, %max3A_352 : vector<16xi32>
      %gather3A_354 = tpu.vector_load_idx %arg10[%max3A_353] : memref<384xi32, #tpu.memory_space<vmem>>[vector<16xi32>], vector<16xi32>,
      %eq3A_355 = arith.constant 0 : i32
      %eq3A_356 = vector.broadcast %eq3A_355 : i32 to vector<16xi32>
      %eq3A_357 = arith.cmpi eq, %add3A_345, %eq3A_356 : vector<16xi32>
      %select_n3A_358 = arith.select %eq3A_357, %scan3A_59, %gather3A_354 : vector<16xi1>, vector<16xi32>
      %ne3A_359 = arith.cmpi ne, %get3A_347, %select_n3A_358 : vector<16xi32>
      %add3A_360 = vector.broadcast %add3A_111 : i32 to vector<16xi32>
      %add3A_361 = arith.addi %add3A_360, %add3A_345 : vector<16xi32>
      %add3A_362 = arith.constant 1 : i32
      %add3A_363 = vector.broadcast %add3A_362 : i32 to vector<16xi32>
      %add3A_364 = arith.addi %add3A_361, %add3A_363 : vector<16xi32>
      %convert_element_type3A_365 = arith.sitofp %add3A_364 : vector<16xi32> to vector<16xf32>
      %shift_right_logical3A_366 = arith.constant 7 : i32
      %shift_right_logical3A_367 = vector.broadcast %shift_right_logical3A_366 : i32 to vector<16xi32>
      %shift_right_logical3A_368 = arith.shrui %get3A_347, %shift_right_logical3A_367 : vector<16xi32>
      %and3A_369 = arith.constant 127 : i32
      %and3A_370 = vector.broadcast %and3A_369 : i32 to vector<16xi32>
      %and3A_371 = arith.andi %get3A_347, %and3A_370 : vector<16xi32>
      tpu.vector_store_idx %arg13[%shift_right_logical3A_368, %and3A_371], %convert_element_type3A_365 masked %ne3A_359 : memref<16x128xf32, #tpu.memory_space<vmem>>[vector<16xi32>, vector<16xi32>], vector<16xf32>, vector<16xi1>
      %add3A_372 = arith.constant 144 : i32
      %add3A_373 = vector.broadcast %add3A_372 : i32 to vector<16xi32>
      %add3A_374 = arith.addi %iota3A, %add3A_373 : vector<16xi32>
      %get3A_375 = arith.constant 144 : index
      %get3A_376 = tpu.vector_load %arg10[%get3A_375] {strides = array<i32>} : memref<384xi32, #tpu.memory_space<vmem>>, vector<16xi32>,
      %sub3A_377 = arith.constant 1 : i32
      %sub3A_378 = vector.broadcast %sub3A_377 : i32 to vector<16xi32>
      %sub3A_379 = arith.subi %add3A_374, %sub3A_378 : vector<16xi32>
      %max3A_380 = arith.constant 0 : i32
      %max3A_381 = vector.broadcast %max3A_380 : i32 to vector<16xi32>
      %max3A_382 = arith.maxsi %sub3A_379, %max3A_381 : vector<16xi32>
      %gather3A_383 = tpu.vector_load_idx %arg10[%max3A_382] : memref<384xi32, #tpu.memory_space<vmem>>[vector<16xi32>], vector<16xi32>,
      %eq3A_384 = arith.constant 0 : i32
      %eq3A_385 = vector.broadcast %eq3A_384 : i32 to vector<16xi32>
      %eq3A_386 = arith.cmpi eq, %add3A_374, %eq3A_385 : vector<16xi32>
      %select_n3A_387 = arith.select %eq3A_386, %scan3A_59, %gather3A_383 : vector<16xi1>, vector<16xi32>
      %ne3A_388 = arith.cmpi ne, %get3A_376, %select_n3A_387 : vector<16xi32>
      %add3A_389 = vector.broadcast %add3A_111 : i32 to vector<16xi32>
      %add3A_390 = arith.addi %add3A_389, %add3A_374 : vector<16xi32>
      %add3A_391 = arith.constant 1 : i32
      %add3A_392 = vector.broadcast %add3A_391 : i32 to vector<16xi32>
      %add3A_393 = arith.addi %add3A_390, %add3A_392 : vector<16xi32>
      %convert_element_type3A_394 = arith.sitofp %add3A_393 : vector<16xi32> to vector<16xf32>
      %shift_right_logical3A_395 = arith.constant 7 : i32
      %shift_right_logical3A_396 = vector.broadcast %shift_right_logical3A_395 : i32 to vector<16xi32>
      %shift_right_logical3A_397 = arith.shrui %get3A_376, %shift_right_logical3A_396 : vector<16xi32>
      %and3A_398 = arith.constant 127 : i32
      %and3A_399 = vector.broadcast %and3A_398 : i32 to vector<16xi32>
      %and3A_400 = arith.andi %get3A_376, %and3A_399 : vector<16xi32>
      tpu.vector_store_idx %arg13[%shift_right_logical3A_397, %and3A_400], %convert_element_type3A_394 masked %ne3A_388 : memref<16x128xf32, #tpu.memory_space<vmem>>[vector<16xi32>, vector<16xi32>], vector<16xf32>, vector<16xi1>
      %add3A_401 = arith.constant 160 : i32
      %add3A_402 = vector.broadcast %add3A_401 : i32 to vector<16xi32>
      %add3A_403 = arith.addi %iota3A, %add3A_402 : vector<16xi32>
      %get3A_404 = arith.constant 160 : index
      %get3A_405 = tpu.vector_load %arg10[%get3A_404] {strides = array<i32>} : memref<384xi32, #tpu.memory_space<vmem>>, vector<16xi32>,
      %sub3A_406 = arith.constant 1 : i32
      %sub3A_407 = vector.broadcast %sub3A_406 : i32 to vector<16xi32>
      %sub3A_408 = arith.subi %add3A_403, %sub3A_407 : vector<16xi32>
      %max3A_409 = arith.constant 0 : i32
      %max3A_410 = vector.broadcast %max3A_409 : i32 to vector<16xi32>
      %max3A_411 = arith.maxsi %sub3A_408, %max3A_410 : vector<16xi32>
      %gather3A_412 = tpu.vector_load_idx %arg10[%max3A_411] : memref<384xi32, #tpu.memory_space<vmem>>[vector<16xi32>], vector<16xi32>,
      %eq3A_413 = arith.constant 0 : i32
      %eq3A_414 = vector.broadcast %eq3A_413 : i32 to vector<16xi32>
      %eq3A_415 = arith.cmpi eq, %add3A_403, %eq3A_414 : vector<16xi32>
      %select_n3A_416 = arith.select %eq3A_415, %scan3A_59, %gather3A_412 : vector<16xi1>, vector<16xi32>
      %ne3A_417 = arith.cmpi ne, %get3A_405, %select_n3A_416 : vector<16xi32>
      %add3A_418 = vector.broadcast %add3A_111 : i32 to vector<16xi32>
      %add3A_419 = arith.addi %add3A_418, %add3A_403 : vector<16xi32>
      %add3A_420 = arith.constant 1 : i32
      %add3A_421 = vector.broadcast %add3A_420 : i32 to vector<16xi32>
      %add3A_422 = arith.addi %add3A_419, %add3A_421 : vector<16xi32>
      %convert_element_type3A_423 = arith.sitofp %add3A_422 : vector<16xi32> to vector<16xf32>
      %shift_right_logical3A_424 = arith.constant 7 : i32
      %shift_right_logical3A_425 = vector.broadcast %shift_right_logical3A_424 : i32 to vector<16xi32>
      %shift_right_logical3A_426 = arith.shrui %get3A_405, %shift_right_logical3A_425 : vector<16xi32>
      %and3A_427 = arith.constant 127 : i32
      %and3A_428 = vector.broadcast %and3A_427 : i32 to vector<16xi32>
      %and3A_429 = arith.andi %get3A_405, %and3A_428 : vector<16xi32>
      tpu.vector_store_idx %arg13[%shift_right_logical3A_426, %and3A_429], %convert_element_type3A_423 masked %ne3A_417 : memref<16x128xf32, #tpu.memory_space<vmem>>[vector<16xi32>, vector<16xi32>], vector<16xf32>, vector<16xi1>
      %add3A_430 = arith.constant 176 : i32
      %add3A_431 = vector.broadcast %add3A_430 : i32 to vector<16xi32>
      %add3A_432 = arith.addi %iota3A, %add3A_431 : vector<16xi32>
      %get3A_433 = arith.constant 176 : index
      %get3A_434 = tpu.vector_load %arg10[%get3A_433] {strides = array<i32>} : memref<384xi32, #tpu.memory_space<vmem>>, vector<16xi32>,
      %sub3A_435 = arith.constant 1 : i32
      %sub3A_436 = vector.broadcast %sub3A_435 : i32 to vector<16xi32>
      %sub3A_437 = arith.subi %add3A_432, %sub3A_436 : vector<16xi32>
      %max3A_438 = arith.constant 0 : i32
      %max3A_439 = vector.broadcast %max3A_438 : i32 to vector<16xi32>
      %max3A_440 = arith.maxsi %sub3A_437, %max3A_439 : vector<16xi32>
      %gather3A_441 = tpu.vector_load_idx %arg10[%max3A_440] : memref<384xi32, #tpu.memory_space<vmem>>[vector<16xi32>], vector<16xi32>,
      %eq3A_442 = arith.constant 0 : i32
      %eq3A_443 = vector.broadcast %eq3A_442 : i32 to vector<16xi32>
      %eq3A_444 = arith.cmpi eq, %add3A_432, %eq3A_443 : vector<16xi32>
      %select_n3A_445 = arith.select %eq3A_444, %scan3A_59, %gather3A_441 : vector<16xi1>, vector<16xi32>
      %ne3A_446 = arith.cmpi ne, %get3A_434, %select_n3A_445 : vector<16xi32>
      %add3A_447 = vector.broadcast %add3A_111 : i32 to vector<16xi32>
      %add3A_448 = arith.addi %add3A_447, %add3A_432 : vector<16xi32>
      %add3A_449 = arith.constant 1 : i32
      %add3A_450 = vector.broadcast %add3A_449 : i32 to vector<16xi32>
      %add3A_451 = arith.addi %add3A_448, %add3A_450 : vector<16xi32>
      %convert_element_type3A_452 = arith.sitofp %add3A_451 : vector<16xi32> to vector<16xf32>
      %shift_right_logical3A_453 = arith.constant 7 : i32
      %shift_right_logical3A_454 = vector.broadcast %shift_right_logical3A_453 : i32 to vector<16xi32>
      %shift_right_logical3A_455 = arith.shrui %get3A_434, %shift_right_logical3A_454 : vector<16xi32>
      %and3A_456 = arith.constant 127 : i32
      %and3A_457 = vector.broadcast %and3A_456 : i32 to vector<16xi32>
      %and3A_458 = arith.andi %get3A_434, %and3A_457 : vector<16xi32>
      tpu.vector_store_idx %arg13[%shift_right_logical3A_455, %and3A_458], %convert_element_type3A_452 masked %ne3A_446 : memref<16x128xf32, #tpu.memory_space<vmem>>[vector<16xi32>, vector<16xi32>], vector<16xf32>, vector<16xi1>
      %add3A_459 = arith.constant 192 : i32
      %add3A_460 = vector.broadcast %add3A_459 : i32 to vector<16xi32>
      %add3A_461 = arith.addi %iota3A, %add3A_460 : vector<16xi32>
      %get3A_462 = arith.constant 192 : index
      %get3A_463 = tpu.vector_load %arg10[%get3A_462] {strides = array<i32>} : memref<384xi32, #tpu.memory_space<vmem>>, vector<16xi32>,
      %sub3A_464 = arith.constant 1 : i32
      %sub3A_465 = vector.broadcast %sub3A_464 : i32 to vector<16xi32>
      %sub3A_466 = arith.subi %add3A_461, %sub3A_465 : vector<16xi32>
      %max3A_467 = arith.constant 0 : i32
      %max3A_468 = vector.broadcast %max3A_467 : i32 to vector<16xi32>
      %max3A_469 = arith.maxsi %sub3A_466, %max3A_468 : vector<16xi32>
      %gather3A_470 = tpu.vector_load_idx %arg10[%max3A_469] : memref<384xi32, #tpu.memory_space<vmem>>[vector<16xi32>], vector<16xi32>,
      %eq3A_471 = arith.constant 0 : i32
      %eq3A_472 = vector.broadcast %eq3A_471 : i32 to vector<16xi32>
      %eq3A_473 = arith.cmpi eq, %add3A_461, %eq3A_472 : vector<16xi32>
      %select_n3A_474 = arith.select %eq3A_473, %scan3A_59, %gather3A_470 : vector<16xi1>, vector<16xi32>
      %ne3A_475 = arith.cmpi ne, %get3A_463, %select_n3A_474 : vector<16xi32>
      %add3A_476 = vector.broadcast %add3A_111 : i32 to vector<16xi32>
      %add3A_477 = arith.addi %add3A_476, %add3A_461 : vector<16xi32>
      %add3A_478 = arith.constant 1 : i32
      %add3A_479 = vector.broadcast %add3A_478 : i32 to vector<16xi32>
      %add3A_480 = arith.addi %add3A_477, %add3A_479 : vector<16xi32>
      %convert_element_type3A_481 = arith.sitofp %add3A_480 : vector<16xi32> to vector<16xf32>
      %shift_right_logical3A_482 = arith.constant 7 : i32
      %shift_right_logical3A_483 = vector.broadcast %shift_right_logical3A_482 : i32 to vector<16xi32>
      %shift_right_logical3A_484 = arith.shrui %get3A_463, %shift_right_logical3A_483 : vector<16xi32>
      %and3A_485 = arith.constant 127 : i32
      %and3A_486 = vector.broadcast %and3A_485 : i32 to vector<16xi32>
      %and3A_487 = arith.andi %get3A_463, %and3A_486 : vector<16xi32>
      tpu.vector_store_idx %arg13[%shift_right_logical3A_484, %and3A_487], %convert_element_type3A_481 masked %ne3A_475 : memref<16x128xf32, #tpu.memory_space<vmem>>[vector<16xi32>, vector<16xi32>], vector<16xf32>, vector<16xi1>
      %add3A_488 = arith.constant 208 : i32
      %add3A_489 = vector.broadcast %add3A_488 : i32 to vector<16xi32>
      %add3A_490 = arith.addi %iota3A, %add3A_489 : vector<16xi32>
      %get3A_491 = arith.constant 208 : index
      %get3A_492 = tpu.vector_load %arg10[%get3A_491] {strides = array<i32>} : memref<384xi32, #tpu.memory_space<vmem>>, vector<16xi32>,
      %sub3A_493 = arith.constant 1 : i32
      %sub3A_494 = vector.broadcast %sub3A_493 : i32 to vector<16xi32>
      %sub3A_495 = arith.subi %add3A_490, %sub3A_494 : vector<16xi32>
      %max3A_496 = arith.constant 0 : i32
      %max3A_497 = vector.broadcast %max3A_496 : i32 to vector<16xi32>
      %max3A_498 = arith.maxsi %sub3A_495, %max3A_497 : vector<16xi32>
      %gather3A_499 = tpu.vector_load_idx %arg10[%max3A_498] : memref<384xi32, #tpu.memory_space<vmem>>[vector<16xi32>], vector<16xi32>,
      %eq3A_500 = arith.constant 0 : i32
      %eq3A_501 = vector.broadcast %eq3A_500 : i32 to vector<16xi32>
      %eq3A_502 = arith.cmpi eq, %add3A_490, %eq3A_501 : vector<16xi32>
      %select_n3A_503 = arith.select %eq3A_502, %scan3A_59, %gather3A_499 : vector<16xi1>, vector<16xi32>
      %ne3A_504 = arith.cmpi ne, %get3A_492, %select_n3A_503 : vector<16xi32>
      %add3A_505 = vector.broadcast %add3A_111 : i32 to vector<16xi32>
      %add3A_506 = arith.addi %add3A_505, %add3A_490 : vector<16xi32>
      %add3A_507 = arith.constant 1 : i32
      %add3A_508 = vector.broadcast %add3A_507 : i32 to vector<16xi32>
      %add3A_509 = arith.addi %add3A_506, %add3A_508 : vector<16xi32>
      %convert_element_type3A_510 = arith.sitofp %add3A_509 : vector<16xi32> to vector<16xf32>
      %shift_right_logical3A_511 = arith.constant 7 : i32
      %shift_right_logical3A_512 = vector.broadcast %shift_right_logical3A_511 : i32 to vector<16xi32>
      %shift_right_logical3A_513 = arith.shrui %get3A_492, %shift_right_logical3A_512 : vector<16xi32>
      %and3A_514 = arith.constant 127 : i32
      %and3A_515 = vector.broadcast %and3A_514 : i32 to vector<16xi32>
      %and3A_516 = arith.andi %get3A_492, %and3A_515 : vector<16xi32>
      tpu.vector_store_idx %arg13[%shift_right_logical3A_513, %and3A_516], %convert_element_type3A_510 masked %ne3A_504 : memref<16x128xf32, #tpu.memory_space<vmem>>[vector<16xi32>, vector<16xi32>], vector<16xf32>, vector<16xi1>
      %add3A_517 = arith.constant 224 : i32
      %add3A_518 = vector.broadcast %add3A_517 : i32 to vector<16xi32>
      %add3A_519 = arith.addi %iota3A, %add3A_518 : vector<16xi32>
      %get3A_520 = arith.constant 224 : index
      %get3A_521 = tpu.vector_load %arg10[%get3A_520] {strides = array<i32>} : memref<384xi32, #tpu.memory_space<vmem>>, vector<16xi32>,
      %sub3A_522 = arith.constant 1 : i32
      %sub3A_523 = vector.broadcast %sub3A_522 : i32 to vector<16xi32>
      %sub3A_524 = arith.subi %add3A_519, %sub3A_523 : vector<16xi32>
      %max3A_525 = arith.constant 0 : i32
      %max3A_526 = vector.broadcast %max3A_525 : i32 to vector<16xi32>
      %max3A_527 = arith.maxsi %sub3A_524, %max3A_526 : vector<16xi32>
      %gather3A_528 = tpu.vector_load_idx %arg10[%max3A_527] : memref<384xi32, #tpu.memory_space<vmem>>[vector<16xi32>], vector<16xi32>,
      %eq3A_529 = arith.constant 0 : i32
      %eq3A_530 = vector.broadcast %eq3A_529 : i32 to vector<16xi32>
      %eq3A_531 = arith.cmpi eq, %add3A_519, %eq3A_530 : vector<16xi32>
      %select_n3A_532 = arith.select %eq3A_531, %scan3A_59, %gather3A_528 : vector<16xi1>, vector<16xi32>
      %ne3A_533 = arith.cmpi ne, %get3A_521, %select_n3A_532 : vector<16xi32>
      %add3A_534 = vector.broadcast %add3A_111 : i32 to vector<16xi32>
      %add3A_535 = arith.addi %add3A_534, %add3A_519 : vector<16xi32>
      %add3A_536 = arith.constant 1 : i32
      %add3A_537 = vector.broadcast %add3A_536 : i32 to vector<16xi32>
      %add3A_538 = arith.addi %add3A_535, %add3A_537 : vector<16xi32>
      %convert_element_type3A_539 = arith.sitofp %add3A_538 : vector<16xi32> to vector<16xf32>
      %shift_right_logical3A_540 = arith.constant 7 : i32
      %shift_right_logical3A_541 = vector.broadcast %shift_right_logical3A_540 : i32 to vector<16xi32>
      %shift_right_logical3A_542 = arith.shrui %get3A_521, %shift_right_logical3A_541 : vector<16xi32>
      %and3A_543 = arith.constant 127 : i32
      %and3A_544 = vector.broadcast %and3A_543 : i32 to vector<16xi32>
      %and3A_545 = arith.andi %get3A_521, %and3A_544 : vector<16xi32>
      tpu.vector_store_idx %arg13[%shift_right_logical3A_542, %and3A_545], %convert_element_type3A_539 masked %ne3A_533 : memref<16x128xf32, #tpu.memory_space<vmem>>[vector<16xi32>, vector<16xi32>], vector<16xf32>, vector<16xi1>
      %add3A_546 = arith.constant 240 : i32
      %add3A_547 = vector.broadcast %add3A_546 : i32 to vector<16xi32>
      %add3A_548 = arith.addi %iota3A, %add3A_547 : vector<16xi32>
      %get3A_549 = arith.constant 240 : index
      %get3A_550 = tpu.vector_load %arg10[%get3A_549] {strides = array<i32>} : memref<384xi32, #tpu.memory_space<vmem>>, vector<16xi32>,
      %sub3A_551 = arith.constant 1 : i32
      %sub3A_552 = vector.broadcast %sub3A_551 : i32 to vector<16xi32>
      %sub3A_553 = arith.subi %add3A_548, %sub3A_552 : vector<16xi32>
      %max3A_554 = arith.constant 0 : i32
      %max3A_555 = vector.broadcast %max3A_554 : i32 to vector<16xi32>
      %max3A_556 = arith.maxsi %sub3A_553, %max3A_555 : vector<16xi32>
      %gather3A_557 = tpu.vector_load_idx %arg10[%max3A_556] : memref<384xi32, #tpu.memory_space<vmem>>[vector<16xi32>], vector<16xi32>,
      %eq3A_558 = arith.constant 0 : i32
      %eq3A_559 = vector.broadcast %eq3A_558 : i32 to vector<16xi32>
      %eq3A_560 = arith.cmpi eq, %add3A_548, %eq3A_559 : vector<16xi32>
      %select_n3A_561 = arith.select %eq3A_560, %scan3A_59, %gather3A_557 : vector<16xi1>, vector<16xi32>
      %ne3A_562 = arith.cmpi ne, %get3A_550, %select_n3A_561 : vector<16xi32>
      %add3A_563 = vector.broadcast %add3A_111 : i32 to vector<16xi32>
      %add3A_564 = arith.addi %add3A_563, %add3A_548 : vector<16xi32>
      %add3A_565 = arith.constant 1 : i32
      %add3A_566 = vector.broadcast %add3A_565 : i32 to vector<16xi32>
      %add3A_567 = arith.addi %add3A_564, %add3A_566 : vector<16xi32>
      %convert_element_type3A_568 = arith.sitofp %add3A_567 : vector<16xi32> to vector<16xf32>
      %shift_right_logical3A_569 = arith.constant 7 : i32
      %shift_right_logical3A_570 = vector.broadcast %shift_right_logical3A_569 : i32 to vector<16xi32>
      %shift_right_logical3A_571 = arith.shrui %get3A_550, %shift_right_logical3A_570 : vector<16xi32>
      %and3A_572 = arith.constant 127 : i32
      %and3A_573 = vector.broadcast %and3A_572 : i32 to vector<16xi32>
      %and3A_574 = arith.andi %get3A_550, %and3A_573 : vector<16xi32>
      tpu.vector_store_idx %arg13[%shift_right_logical3A_571, %and3A_574], %convert_element_type3A_568 masked %ne3A_562 : memref<16x128xf32, #tpu.memory_space<vmem>>[vector<16xi32>, vector<16xi32>], vector<16xf32>, vector<16xi1>
      %add3A_575 = arith.constant 256 : i32
      %add3A_576 = vector.broadcast %add3A_575 : i32 to vector<16xi32>
      %add3A_577 = arith.addi %iota3A, %add3A_576 : vector<16xi32>
      %get3A_578 = arith.constant 256 : index
      %get3A_579 = tpu.vector_load %arg10[%get3A_578] {strides = array<i32>} : memref<384xi32, #tpu.memory_space<vmem>>, vector<16xi32>,
      %sub3A_580 = arith.constant 1 : i32
      %sub3A_581 = vector.broadcast %sub3A_580 : i32 to vector<16xi32>
      %sub3A_582 = arith.subi %add3A_577, %sub3A_581 : vector<16xi32>
      %max3A_583 = arith.constant 0 : i32
      %max3A_584 = vector.broadcast %max3A_583 : i32 to vector<16xi32>
      %max3A_585 = arith.maxsi %sub3A_582, %max3A_584 : vector<16xi32>
      %gather3A_586 = tpu.vector_load_idx %arg10[%max3A_585] : memref<384xi32, #tpu.memory_space<vmem>>[vector<16xi32>], vector<16xi32>,
      %eq3A_587 = arith.constant 0 : i32
      %eq3A_588 = vector.broadcast %eq3A_587 : i32 to vector<16xi32>
      %eq3A_589 = arith.cmpi eq, %add3A_577, %eq3A_588 : vector<16xi32>
      %select_n3A_590 = arith.select %eq3A_589, %scan3A_59, %gather3A_586 : vector<16xi1>, vector<16xi32>
      %ne3A_591 = arith.cmpi ne, %get3A_579, %select_n3A_590 : vector<16xi32>
      %add3A_592 = vector.broadcast %add3A_111 : i32 to vector<16xi32>
      %add3A_593 = arith.addi %add3A_592, %add3A_577 : vector<16xi32>
      %add3A_594 = arith.constant 1 : i32
      %add3A_595 = vector.broadcast %add3A_594 : i32 to vector<16xi32>
      %add3A_596 = arith.addi %add3A_593, %add3A_595 : vector<16xi32>
      %convert_element_type3A_597 = arith.sitofp %add3A_596 : vector<16xi32> to vector<16xf32>
      %shift_right_logical3A_598 = arith.constant 7 : i32
      %shift_right_logical3A_599 = vector.broadcast %shift_right_logical3A_598 : i32 to vector<16xi32>
      %shift_right_logical3A_600 = arith.shrui %get3A_579, %shift_right_logical3A_599 : vector<16xi32>
      %and3A_601 = arith.constant 127 : i32
      %and3A_602 = vector.broadcast %and3A_601 : i32 to vector<16xi32>
      %and3A_603 = arith.andi %get3A_579, %and3A_602 : vector<16xi32>
      tpu.vector_store_idx %arg13[%shift_right_logical3A_600, %and3A_603], %convert_element_type3A_597 masked %ne3A_591 : memref<16x128xf32, #tpu.memory_space<vmem>>[vector<16xi32>, vector<16xi32>], vector<16xf32>, vector<16xi1>
      %add3A_604 = arith.constant 272 : i32
      %add3A_605 = vector.broadcast %add3A_604 : i32 to vector<16xi32>
      %add3A_606 = arith.addi %iota3A, %add3A_605 : vector<16xi32>
      %get3A_607 = arith.constant 272 : index
      %get3A_608 = tpu.vector_load %arg10[%get3A_607] {strides = array<i32>} : memref<384xi32, #tpu.memory_space<vmem>>, vector<16xi32>,
      %sub3A_609 = arith.constant 1 : i32
      %sub3A_610 = vector.broadcast %sub3A_609 : i32 to vector<16xi32>
      %sub3A_611 = arith.subi %add3A_606, %sub3A_610 : vector<16xi32>
      %max3A_612 = arith.constant 0 : i32
      %max3A_613 = vector.broadcast %max3A_612 : i32 to vector<16xi32>
      %max3A_614 = arith.maxsi %sub3A_611, %max3A_613 : vector<16xi32>
      %gather3A_615 = tpu.vector_load_idx %arg10[%max3A_614] : memref<384xi32, #tpu.memory_space<vmem>>[vector<16xi32>], vector<16xi32>,
      %eq3A_616 = arith.constant 0 : i32
      %eq3A_617 = vector.broadcast %eq3A_616 : i32 to vector<16xi32>
      %eq3A_618 = arith.cmpi eq, %add3A_606, %eq3A_617 : vector<16xi32>
      %select_n3A_619 = arith.select %eq3A_618, %scan3A_59, %gather3A_615 : vector<16xi1>, vector<16xi32>
      %ne3A_620 = arith.cmpi ne, %get3A_608, %select_n3A_619 : vector<16xi32>
      %add3A_621 = vector.broadcast %add3A_111 : i32 to vector<16xi32>
      %add3A_622 = arith.addi %add3A_621, %add3A_606 : vector<16xi32>
      %add3A_623 = arith.constant 1 : i32
      %add3A_624 = vector.broadcast %add3A_623 : i32 to vector<16xi32>
      %add3A_625 = arith.addi %add3A_622, %add3A_624 : vector<16xi32>
      %convert_element_type3A_626 = arith.sitofp %add3A_625 : vector<16xi32> to vector<16xf32>
      %shift_right_logical3A_627 = arith.constant 7 : i32
      %shift_right_logical3A_628 = vector.broadcast %shift_right_logical3A_627 : i32 to vector<16xi32>
      %shift_right_logical3A_629 = arith.shrui %get3A_608, %shift_right_logical3A_628 : vector<16xi32>
      %and3A_630 = arith.constant 127 : i32
      %and3A_631 = vector.broadcast %and3A_630 : i32 to vector<16xi32>
      %and3A_632 = arith.andi %get3A_608, %and3A_631 : vector<16xi32>
      tpu.vector_store_idx %arg13[%shift_right_logical3A_629, %and3A_632], %convert_element_type3A_626 masked %ne3A_620 : memref<16x128xf32, #tpu.memory_space<vmem>>[vector<16xi32>, vector<16xi32>], vector<16xf32>, vector<16xi1>
      %add3A_633 = arith.constant 288 : i32
      %add3A_634 = vector.broadcast %add3A_633 : i32 to vector<16xi32>
      %add3A_635 = arith.addi %iota3A, %add3A_634 : vector<16xi32>
      %get3A_636 = arith.constant 288 : index
      %get3A_637 = tpu.vector_load %arg10[%get3A_636] {strides = array<i32>} : memref<384xi32, #tpu.memory_space<vmem>>, vector<16xi32>,
      %sub3A_638 = arith.constant 1 : i32
      %sub3A_639 = vector.broadcast %sub3A_638 : i32 to vector<16xi32>
      %sub3A_640 = arith.subi %add3A_635, %sub3A_639 : vector<16xi32>
      %max3A_641 = arith.constant 0 : i32
      %max3A_642 = vector.broadcast %max3A_641 : i32 to vector<16xi32>
      %max3A_643 = arith.maxsi %sub3A_640, %max3A_642 : vector<16xi32>
      %gather3A_644 = tpu.vector_load_idx %arg10[%max3A_643] : memref<384xi32, #tpu.memory_space<vmem>>[vector<16xi32>], vector<16xi32>,
      %eq3A_645 = arith.constant 0 : i32
      %eq3A_646 = vector.broadcast %eq3A_645 : i32 to vector<16xi32>
      %eq3A_647 = arith.cmpi eq, %add3A_635, %eq3A_646 : vector<16xi32>
      %select_n3A_648 = arith.select %eq3A_647, %scan3A_59, %gather3A_644 : vector<16xi1>, vector<16xi32>
      %ne3A_649 = arith.cmpi ne, %get3A_637, %select_n3A_648 : vector<16xi32>
      %add3A_650 = vector.broadcast %add3A_111 : i32 to vector<16xi32>
      %add3A_651 = arith.addi %add3A_650, %add3A_635 : vector<16xi32>
      %add3A_652 = arith.constant 1 : i32
      %add3A_653 = vector.broadcast %add3A_652 : i32 to vector<16xi32>
      %add3A_654 = arith.addi %add3A_651, %add3A_653 : vector<16xi32>
      %convert_element_type3A_655 = arith.sitofp %add3A_654 : vector<16xi32> to vector<16xf32>
      %shift_right_logical3A_656 = arith.constant 7 : i32
      %shift_right_logical3A_657 = vector.broadcast %shift_right_logical3A_656 : i32 to vector<16xi32>
      %shift_right_logical3A_658 = arith.shrui %get3A_637, %shift_right_logical3A_657 : vector<16xi32>
      %and3A_659 = arith.constant 127 : i32
      %and3A_660 = vector.broadcast %and3A_659 : i32 to vector<16xi32>
      %and3A_661 = arith.andi %get3A_637, %and3A_660 : vector<16xi32>
      tpu.vector_store_idx %arg13[%shift_right_logical3A_658, %and3A_661], %convert_element_type3A_655 masked %ne3A_649 : memref<16x128xf32, #tpu.memory_space<vmem>>[vector<16xi32>, vector<16xi32>], vector<16xf32>, vector<16xi1>
      %add3A_662 = arith.constant 304 : i32
      %add3A_663 = vector.broadcast %add3A_662 : i32 to vector<16xi32>
      %add3A_664 = arith.addi %iota3A, %add3A_663 : vector<16xi32>
      %get3A_665 = arith.constant 304 : index
      %get3A_666 = tpu.vector_load %arg10[%get3A_665] {strides = array<i32>} : memref<384xi32, #tpu.memory_space<vmem>>, vector<16xi32>,
      %sub3A_667 = arith.constant 1 : i32
      %sub3A_668 = vector.broadcast %sub3A_667 : i32 to vector<16xi32>
      %sub3A_669 = arith.subi %add3A_664, %sub3A_668 : vector<16xi32>
      %max3A_670 = arith.constant 0 : i32
      %max3A_671 = vector.broadcast %max3A_670 : i32 to vector<16xi32>
      %max3A_672 = arith.maxsi %sub3A_669, %max3A_671 : vector<16xi32>
      %gather3A_673 = tpu.vector_load_idx %arg10[%max3A_672] : memref<384xi32, #tpu.memory_space<vmem>>[vector<16xi32>], vector<16xi32>,
      %eq3A_674 = arith.constant 0 : i32
      %eq3A_675 = vector.broadcast %eq3A_674 : i32 to vector<16xi32>
      %eq3A_676 = arith.cmpi eq, %add3A_664, %eq3A_675 : vector<16xi32>
      %select_n3A_677 = arith.select %eq3A_676, %scan3A_59, %gather3A_673 : vector<16xi1>, vector<16xi32>
      %ne3A_678 = arith.cmpi ne, %get3A_666, %select_n3A_677 : vector<16xi32>
      %add3A_679 = vector.broadcast %add3A_111 : i32 to vector<16xi32>
      %add3A_680 = arith.addi %add3A_679, %add3A_664 : vector<16xi32>
      %add3A_681 = arith.constant 1 : i32
      %add3A_682 = vector.broadcast %add3A_681 : i32 to vector<16xi32>
      %add3A_683 = arith.addi %add3A_680, %add3A_682 : vector<16xi32>
      %convert_element_type3A_684 = arith.sitofp %add3A_683 : vector<16xi32> to vector<16xf32>
      %shift_right_logical3A_685 = arith.constant 7 : i32
      %shift_right_logical3A_686 = vector.broadcast %shift_right_logical3A_685 : i32 to vector<16xi32>
      %shift_right_logical3A_687 = arith.shrui %get3A_666, %shift_right_logical3A_686 : vector<16xi32>
      %and3A_688 = arith.constant 127 : i32
      %and3A_689 = vector.broadcast %and3A_688 : i32 to vector<16xi32>
      %and3A_690 = arith.andi %get3A_666, %and3A_689 : vector<16xi32>
      tpu.vector_store_idx %arg13[%shift_right_logical3A_687, %and3A_690], %convert_element_type3A_684 masked %ne3A_678 : memref<16x128xf32, #tpu.memory_space<vmem>>[vector<16xi32>, vector<16xi32>], vector<16xf32>, vector<16xi1>
      %add3A_691 = arith.constant 320 : i32
      %add3A_692 = vector.broadcast %add3A_691 : i32 to vector<16xi32>
      %add3A_693 = arith.addi %iota3A, %add3A_692 : vector<16xi32>
      %get3A_694 = arith.constant 320 : index
      %get3A_695 = tpu.vector_load %arg10[%get3A_694] {strides = array<i32>} : memref<384xi32, #tpu.memory_space<vmem>>, vector<16xi32>,
      %sub3A_696 = arith.constant 1 : i32
      %sub3A_697 = vector.broadcast %sub3A_696 : i32 to vector<16xi32>
      %sub3A_698 = arith.subi %add3A_693, %sub3A_697 : vector<16xi32>
      %max3A_699 = arith.constant 0 : i32
      %max3A_700 = vector.broadcast %max3A_699 : i32 to vector<16xi32>
      %max3A_701 = arith.maxsi %sub3A_698, %max3A_700 : vector<16xi32>
      %gather3A_702 = tpu.vector_load_idx %arg10[%max3A_701] : memref<384xi32, #tpu.memory_space<vmem>>[vector<16xi32>], vector<16xi32>,
      %eq3A_703 = arith.constant 0 : i32
      %eq3A_704 = vector.broadcast %eq3A_703 : i32 to vector<16xi32>
      %eq3A_705 = arith.cmpi eq, %add3A_693, %eq3A_704 : vector<16xi32>
      %select_n3A_706 = arith.select %eq3A_705, %scan3A_59, %gather3A_702 : vector<16xi1>, vector<16xi32>
      %ne3A_707 = arith.cmpi ne, %get3A_695, %select_n3A_706 : vector<16xi32>
      %add3A_708 = vector.broadcast %add3A_111 : i32 to vector<16xi32>
      %add3A_709 = arith.addi %add3A_708, %add3A_693 : vector<16xi32>
      %add3A_710 = arith.constant 1 : i32
      %add3A_711 = vector.broadcast %add3A_710 : i32 to vector<16xi32>
      %add3A_712 = arith.addi %add3A_709, %add3A_711 : vector<16xi32>
      %convert_element_type3A_713 = arith.sitofp %add3A_712 : vector<16xi32> to vector<16xf32>
      %shift_right_logical3A_714 = arith.constant 7 : i32
      %shift_right_logical3A_715 = vector.broadcast %shift_right_logical3A_714 : i32 to vector<16xi32>
      %shift_right_logical3A_716 = arith.shrui %get3A_695, %shift_right_logical3A_715 : vector<16xi32>
      %and3A_717 = arith.constant 127 : i32
      %and3A_718 = vector.broadcast %and3A_717 : i32 to vector<16xi32>
      %and3A_719 = arith.andi %get3A_695, %and3A_718 : vector<16xi32>
      tpu.vector_store_idx %arg13[%shift_right_logical3A_716, %and3A_719], %convert_element_type3A_713 masked %ne3A_707 : memref<16x128xf32, #tpu.memory_space<vmem>>[vector<16xi32>, vector<16xi32>], vector<16xf32>, vector<16xi1>
      %add3A_720 = arith.constant 336 : i32
      %add3A_721 = vector.broadcast %add3A_720 : i32 to vector<16xi32>
      %add3A_722 = arith.addi %iota3A, %add3A_721 : vector<16xi32>
      %get3A_723 = arith.constant 336 : index
      %get3A_724 = tpu.vector_load %arg10[%get3A_723] {strides = array<i32>} : memref<384xi32, #tpu.memory_space<vmem>>, vector<16xi32>,
      %sub3A_725 = arith.constant 1 : i32
      %sub3A_726 = vector.broadcast %sub3A_725 : i32 to vector<16xi32>
      %sub3A_727 = arith.subi %add3A_722, %sub3A_726 : vector<16xi32>
      %max3A_728 = arith.constant 0 : i32
      %max3A_729 = vector.broadcast %max3A_728 : i32 to vector<16xi32>
      %max3A_730 = arith.maxsi %sub3A_727, %max3A_729 : vector<16xi32>
      %gather3A_731 = tpu.vector_load_idx %arg10[%max3A_730] : memref<384xi32, #tpu.memory_space<vmem>>[vector<16xi32>], vector<16xi32>,
      %eq3A_732 = arith.constant 0 : i32
      %eq3A_733 = vector.broadcast %eq3A_732 : i32 to vector<16xi32>
      %eq3A_734 = arith.cmpi eq, %add3A_722, %eq3A_733 : vector<16xi32>
      %select_n3A_735 = arith.select %eq3A_734, %scan3A_59, %gather3A_731 : vector<16xi1>, vector<16xi32>
      %ne3A_736 = arith.cmpi ne, %get3A_724, %select_n3A_735 : vector<16xi32>
      %add3A_737 = vector.broadcast %add3A_111 : i32 to vector<16xi32>
      %add3A_738 = arith.addi %add3A_737, %add3A_722 : vector<16xi32>
      %add3A_739 = arith.constant 1 : i32
      %add3A_740 = vector.broadcast %add3A_739 : i32 to vector<16xi32>
      %add3A_741 = arith.addi %add3A_738, %add3A_740 : vector<16xi32>
      %convert_element_type3A_742 = arith.sitofp %add3A_741 : vector<16xi32> to vector<16xf32>
      %shift_right_logical3A_743 = arith.constant 7 : i32
      %shift_right_logical3A_744 = vector.broadcast %shift_right_logical3A_743 : i32 to vector<16xi32>
      %shift_right_logical3A_745 = arith.shrui %get3A_724, %shift_right_logical3A_744 : vector<16xi32>
      %and3A_746 = arith.constant 127 : i32
      %and3A_747 = vector.broadcast %and3A_746 : i32 to vector<16xi32>
      %and3A_748 = arith.andi %get3A_724, %and3A_747 : vector<16xi32>
      tpu.vector_store_idx %arg13[%shift_right_logical3A_745, %and3A_748], %convert_element_type3A_742 masked %ne3A_736 : memref<16x128xf32, #tpu.memory_space<vmem>>[vector<16xi32>, vector<16xi32>], vector<16xf32>, vector<16xi1>
      %add3A_749 = arith.constant 352 : i32
      %add3A_750 = vector.broadcast %add3A_749 : i32 to vector<16xi32>
      %add3A_751 = arith.addi %iota3A, %add3A_750 : vector<16xi32>
      %get3A_752 = arith.constant 352 : index
      %get3A_753 = tpu.vector_load %arg10[%get3A_752] {strides = array<i32>} : memref<384xi32, #tpu.memory_space<vmem>>, vector<16xi32>,
      %sub3A_754 = arith.constant 1 : i32
      %sub3A_755 = vector.broadcast %sub3A_754 : i32 to vector<16xi32>
      %sub3A_756 = arith.subi %add3A_751, %sub3A_755 : vector<16xi32>
      %max3A_757 = arith.constant 0 : i32
      %max3A_758 = vector.broadcast %max3A_757 : i32 to vector<16xi32>
      %max3A_759 = arith.maxsi %sub3A_756, %max3A_758 : vector<16xi32>
      %gather3A_760 = tpu.vector_load_idx %arg10[%max3A_759] : memref<384xi32, #tpu.memory_space<vmem>>[vector<16xi32>], vector<16xi32>,
      %eq3A_761 = arith.constant 0 : i32
      %eq3A_762 = vector.broadcast %eq3A_761 : i32 to vector<16xi32>
      %eq3A_763 = arith.cmpi eq, %add3A_751, %eq3A_762 : vector<16xi32>
      %select_n3A_764 = arith.select %eq3A_763, %scan3A_59, %gather3A_760 : vector<16xi1>, vector<16xi32>
      %ne3A_765 = arith.cmpi ne, %get3A_753, %select_n3A_764 : vector<16xi32>
      %add3A_766 = vector.broadcast %add3A_111 : i32 to vector<16xi32>
      %add3A_767 = arith.addi %add3A_766, %add3A_751 : vector<16xi32>
      %add3A_768 = arith.constant 1 : i32
      %add3A_769 = vector.broadcast %add3A_768 : i32 to vector<16xi32>
      %add3A_770 = arith.addi %add3A_767, %add3A_769 : vector<16xi32>
      %convert_element_type3A_771 = arith.sitofp %add3A_770 : vector<16xi32> to vector<16xf32>
      %shift_right_logical3A_772 = arith.constant 7 : i32
      %shift_right_logical3A_773 = vector.broadcast %shift_right_logical3A_772 : i32 to vector<16xi32>
      %shift_right_logical3A_774 = arith.shrui %get3A_753, %shift_right_logical3A_773 : vector<16xi32>
      %and3A_775 = arith.constant 127 : i32
      %and3A_776 = vector.broadcast %and3A_775 : i32 to vector<16xi32>
      %and3A_777 = arith.andi %get3A_753, %and3A_776 : vector<16xi32>
      tpu.vector_store_idx %arg13[%shift_right_logical3A_774, %and3A_777], %convert_element_type3A_771 masked %ne3A_765 : memref<16x128xf32, #tpu.memory_space<vmem>>[vector<16xi32>, vector<16xi32>], vector<16xf32>, vector<16xi1>
      %add3A_778 = arith.constant 368 : i32
      %add3A_779 = vector.broadcast %add3A_778 : i32 to vector<16xi32>
      %add3A_780 = arith.addi %iota3A, %add3A_779 : vector<16xi32>
      %get3A_781 = arith.constant 368 : index
      %get3A_782 = tpu.vector_load %arg10[%get3A_781] {strides = array<i32>} : memref<384xi32, #tpu.memory_space<vmem>>, vector<16xi32>,
      %sub3A_783 = arith.constant 1 : i32
      %sub3A_784 = vector.broadcast %sub3A_783 : i32 to vector<16xi32>
      %sub3A_785 = arith.subi %add3A_780, %sub3A_784 : vector<16xi32>
      %max3A_786 = arith.constant 0 : i32
      %max3A_787 = vector.broadcast %max3A_786 : i32 to vector<16xi32>
      %max3A_788 = arith.maxsi %sub3A_785, %max3A_787 : vector<16xi32>
      %gather3A_789 = tpu.vector_load_idx %arg10[%max3A_788] : memref<384xi32, #tpu.memory_space<vmem>>[vector<16xi32>], vector<16xi32>,
      %eq3A_790 = arith.constant 0 : i32
      %eq3A_791 = vector.broadcast %eq3A_790 : i32 to vector<16xi32>
      %eq3A_792 = arith.cmpi eq, %add3A_780, %eq3A_791 : vector<16xi32>
      %select_n3A_793 = arith.select %eq3A_792, %scan3A_59, %gather3A_789 : vector<16xi1>, vector<16xi32>
      %ne3A_794 = arith.cmpi ne, %get3A_782, %select_n3A_793 : vector<16xi32>
      %add3A_795 = vector.broadcast %add3A_111 : i32 to vector<16xi32>
      %add3A_796 = arith.addi %add3A_795, %add3A_780 : vector<16xi32>
      %add3A_797 = arith.constant 1 : i32
      %add3A_798 = vector.broadcast %add3A_797 : i32 to vector<16xi32>
      %add3A_799 = arith.addi %add3A_796, %add3A_798 : vector<16xi32>
      %convert_element_type3A_800 = arith.sitofp %add3A_799 : vector<16xi32> to vector<16xf32>
      %shift_right_logical3A_801 = arith.constant 7 : i32
      %shift_right_logical3A_802 = vector.broadcast %shift_right_logical3A_801 : i32 to vector<16xi32>
      %shift_right_logical3A_803 = arith.shrui %get3A_782, %shift_right_logical3A_802 : vector<16xi32>
      %and3A_804 = arith.constant 127 : i32
      %and3A_805 = vector.broadcast %and3A_804 : i32 to vector<16xi32>
      %and3A_806 = arith.andi %get3A_782, %and3A_805 : vector<16xi32>
      tpu.vector_store_idx %arg13[%shift_right_logical3A_803, %and3A_806], %convert_element_type3A_800 masked %ne3A_794 : memref<16x128xf32, #tpu.memory_space<vmem>>[vector<16xi32>, vector<16xi32>], vector<16xf32>, vector<16xi1>
      %mul3A_807 = arith.constant 384 : i32
      %mul3A_808 = arith.muli %add3A_63, %mul3A_807 : i32
      %add3A_809 = arith.addi %mul3A_11, %mul3A_808 : i32
      %multiple_of3A_810 = tpu.assume_multiple %add3A_809, 128 : i32
      %dma_wait3A_811 = arith.constant 1 : i32
      %dma_wait3A_812 = arith.constant 0 : i32
      %dma_wait3A_813 = arith.constant 0 : i32
      %dma_wait3A_814 = tpu.memref_slice %arg9[%dma_wait3A_811, %dma_wait3A_812, %dma_wait3A_813] : memref<2x384x128xf32, #tpu.memory_space<vmem>> -> memref<1x384x128xf32, #tpu.memory_space<vmem>>
      %dma_wait3A_815 = tpu.memref_squeeze %dma_wait3A_814 : memref<1x384x128xf32, #tpu.memory_space<vmem>> -> memref<384x128xf32, #tpu.memory_space<vmem>>
      %dma_wait3A_816 = arith.constant 0 : i32
      %dma_wait3A_817 = tpu.memref_slice %arg2[%multiple_of3A_810, %dma_wait3A_816] : memref<320000x128xf32, #tpu.memory_space<hbm>> -> memref<384x128xf32, #tpu.memory_space<hbm>>
      %dma_wait3A_818 = arith.constant 0 : i32
      %dma_wait3A_819 = arith.constant 0 : i32
      %dma_wait3A_820 = tpu.memref_slice %arg9[%dma_wait3A_811, %dma_wait3A_818, %dma_wait3A_819] : memref<2x384x128xf32, #tpu.memory_space<vmem>> -> memref<1x384x128xf32, #tpu.memory_space<vmem>>
      %dma_wait3A_821 = tpu.memref_squeeze %dma_wait3A_820 : memref<1x384x128xf32, #tpu.memory_space<vmem>> -> memref<384x128xf32, #tpu.memory_space<vmem>>
      %dma_wait3A_822 = arith.constant 0 : i32
      %dma_wait3A_823 = tpu.memref_slice %arg2[%multiple_of3A_810, %dma_wait3A_822] : memref<320000x128xf32, #tpu.memory_space<hbm>> -> memref<384x128xf32, #tpu.memory_space<hbm>>
      tpu.wait_dma2 semaphore(%arg17 : memref<!tpu.dma_semaphore, #tpu.memory_space<semaphore_mem>>) src(%dma_wait3A_823 : memref<384x128xf32, #tpu.memory_space<hbm>>) dst(%dma_wait3A_821 : memref<384x128xf32, #tpu.memory_space<vmem>>)
      %dma_wait3A_824 = tpu.memref_slice %arg3[%multiple_of3A_810] : memref<320000xi32, #tpu.memory_space<hbm>> -> memref<384xi32, #tpu.memory_space<hbm>>
      %dma_wait3A_825 = tpu.memref_slice %arg3[%multiple_of3A_810] : memref<320000xi32, #tpu.memory_space<hbm>> -> memref<384xi32, #tpu.memory_space<hbm>>
      tpu.wait_dma2 semaphore(%arg19 : memref<!tpu.dma_semaphore, #tpu.memory_space<semaphore_mem>>) src(%dma_wait3A_825 : memref<384xi32, #tpu.memory_space<hbm>>) dst(%arg11 : memref<384xi32, #tpu.memory_space<vmem>>)
      %dma_start3A_826 = arith.constant 1 : i32
      %dma_start3A_827 = arith.constant 0 : i32
      %dma_start3A_828 = arith.constant 0 : i32
      %dma_start3A_829 = tpu.memref_slice %arg9[%dma_start3A_826, %dma_start3A_827, %dma_start3A_828] : memref<2x384x128xf32, #tpu.memory_space<vmem>> -> memref<1x384x128xf32, #tpu.memory_space<vmem>>
      %dma_start3A_830 = tpu.memref_squeeze %dma_start3A_829 : memref<1x384x128xf32, #tpu.memory_space<vmem>> -> memref<384x128xf32, #tpu.memory_space<vmem>>
      %dma_start3A_831 = arith.constant 0 : i32
      %dma_start3A_832 = arith.constant 0 : i32
      %dma_start3A_833 = tpu.memref_slice %arg7[%dma_start3A_831, %dma_start3A_832] : memref<2048x128xf32, #tpu.memory_space<vmem_shared>> -> memref<2048x128xf32, #tpu.memory_space<vmem_shared>>
      tpu.enqueue_indirect_dma source(%dma_start3A_830 : memref<384x128xf32, #tpu.memory_space<vmem>>) target(%dma_start3A_833 : memref<2048x128xf32, #tpu.memory_space<vmem_shared>>) offsets(%arg11 : memref<384xi32, #tpu.memory_space<vmem>>) semaphore(%arg21 : memref<!tpu.dma_semaphore, #tpu.memory_space<semaphore_mem>>) {add = true}
      %mul3A_834 = arith.constant 384 : i32
      %mul3A_835 = arith.muli %add3A_63, %mul3A_834 : i32
      %add3A_836 = arith.addi %mul3A_11, %mul3A_835 : i32
      %broadcast_in_dim3A_837 = arith.constant 383 : i32
      %broadcast_in_dim3A_838 = vector.broadcast %broadcast_in_dim3A_837 : i32 to vector<16xi32>
      %gather3A_839 = tpu.vector_load_idx %arg11[%broadcast_in_dim3A_838] : memref<384xi32, #tpu.memory_space<vmem>>[vector<16xi32>], vector<16xi32>,
      %add3A_840 = arith.constant 0 : i32
      %add3A_841 = vector.broadcast %add3A_840 : i32 to vector<16xi32>
      %add3A_842 = arith.addi %iota3A, %add3A_841 : vector<16xi32>
      %get3A_843 = arith.constant 0 : index
      %get3A_844 = tpu.vector_load %arg11[%get3A_843] {strides = array<i32>} : memref<384xi32, #tpu.memory_space<vmem>>, vector<16xi32>,
      %sub3A_845 = arith.constant 1 : i32
      %sub3A_846 = vector.broadcast %sub3A_845 : i32 to vector<16xi32>
      %sub3A_847 = arith.subi %add3A_842, %sub3A_846 : vector<16xi32>
      %max3A_848 = arith.constant 0 : i32
      %max3A_849 = vector.broadcast %max3A_848 : i32 to vector<16xi32>
      %max3A_850 = arith.maxsi %sub3A_847, %max3A_849 : vector<16xi32>
      %gather3A_851 = tpu.vector_load_idx %arg11[%max3A_850] : memref<384xi32, #tpu.memory_space<vmem>>[vector<16xi32>], vector<16xi32>,
      %eq3A_852 = arith.constant 0 : i32
      %eq3A_853 = vector.broadcast %eq3A_852 : i32 to vector<16xi32>
      %eq3A_854 = arith.cmpi eq, %add3A_842, %eq3A_853 : vector<16xi32>
      %select_n3A_855 = arith.select %eq3A_854, %gather3A_114, %gather3A_851 : vector<16xi1>, vector<16xi32>
      %ne3A_856 = arith.cmpi ne, %get3A_844, %select_n3A_855 : vector<16xi32>
      %add3A_857 = vector.broadcast %add3A_836 : i32 to vector<16xi32>
      %add3A_858 = arith.addi %add3A_857, %add3A_842 : vector<16xi32>
      %add3A_859 = arith.constant 1 : i32
      %add3A_860 = vector.broadcast %add3A_859 : i32 to vector<16xi32>
      %add3A_861 = arith.addi %add3A_858, %add3A_860 : vector<16xi32>
      %convert_element_type3A_862 = arith.sitofp %add3A_861 : vector<16xi32> to vector<16xf32>
      %shift_right_logical3A_863 = arith.constant 7 : i32
      %shift_right_logical3A_864 = vector.broadcast %shift_right_logical3A_863 : i32 to vector<16xi32>
      %shift_right_logical3A_865 = arith.shrui %get3A_844, %shift_right_logical3A_864 : vector<16xi32>
      %and3A_866 = arith.constant 127 : i32
      %and3A_867 = vector.broadcast %and3A_866 : i32 to vector<16xi32>
      %and3A_868 = arith.andi %get3A_844, %and3A_867 : vector<16xi32>
      tpu.vector_store_idx %arg13[%shift_right_logical3A_865, %and3A_868], %convert_element_type3A_862 masked %ne3A_856 : memref<16x128xf32, #tpu.memory_space<vmem>>[vector<16xi32>, vector<16xi32>], vector<16xf32>, vector<16xi1>
      %add3A_869 = arith.constant 16 : i32
      %add3A_870 = vector.broadcast %add3A_869 : i32 to vector<16xi32>
      %add3A_871 = arith.addi %iota3A, %add3A_870 : vector<16xi32>
      %get3A_872 = arith.constant 16 : index
      %get3A_873 = tpu.vector_load %arg11[%get3A_872] {strides = array<i32>} : memref<384xi32, #tpu.memory_space<vmem>>, vector<16xi32>,
      %sub3A_874 = arith.constant 1 : i32
      %sub3A_875 = vector.broadcast %sub3A_874 : i32 to vector<16xi32>
      %sub3A_876 = arith.subi %add3A_871, %sub3A_875 : vector<16xi32>
      %max3A_877 = arith.constant 0 : i32
      %max3A_878 = vector.broadcast %max3A_877 : i32 to vector<16xi32>
      %max3A_879 = arith.maxsi %sub3A_876, %max3A_878 : vector<16xi32>
      %gather3A_880 = tpu.vector_load_idx %arg11[%max3A_879] : memref<384xi32, #tpu.memory_space<vmem>>[vector<16xi32>], vector<16xi32>,
      %eq3A_881 = arith.constant 0 : i32
      %eq3A_882 = vector.broadcast %eq3A_881 : i32 to vector<16xi32>
      %eq3A_883 = arith.cmpi eq, %add3A_871, %eq3A_882 : vector<16xi32>
      %select_n3A_884 = arith.select %eq3A_883, %gather3A_114, %gather3A_880 : vector<16xi1>, vector<16xi32>
      %ne3A_885 = arith.cmpi ne, %get3A_873, %select_n3A_884 : vector<16xi32>
      %add3A_886 = vector.broadcast %add3A_836 : i32 to vector<16xi32>
      %add3A_887 = arith.addi %add3A_886, %add3A_871 : vector<16xi32>
      %add3A_888 = arith.constant 1 : i32
      %add3A_889 = vector.broadcast %add3A_888 : i32 to vector<16xi32>
      %add3A_890 = arith.addi %add3A_887, %add3A_889 : vector<16xi32>
      %convert_element_type3A_891 = arith.sitofp %add3A_890 : vector<16xi32> to vector<16xf32>
      %shift_right_logical3A_892 = arith.constant 7 : i32
      %shift_right_logical3A_893 = vector.broadcast %shift_right_logical3A_892 : i32 to vector<16xi32>
      %shift_right_logical3A_894 = arith.shrui %get3A_873, %shift_right_logical3A_893 : vector<16xi32>
      %and3A_895 = arith.constant 127 : i32
      %and3A_896 = vector.broadcast %and3A_895 : i32 to vector<16xi32>
      %and3A_897 = arith.andi %get3A_873, %and3A_896 : vector<16xi32>
      tpu.vector_store_idx %arg13[%shift_right_logical3A_894, %and3A_897], %convert_element_type3A_891 masked %ne3A_885 : memref<16x128xf32, #tpu.memory_space<vmem>>[vector<16xi32>, vector<16xi32>], vector<16xf32>, vector<16xi1>
      %add3A_898 = arith.constant 32 : i32
      %add3A_899 = vector.broadcast %add3A_898 : i32 to vector<16xi32>
      %add3A_900 = arith.addi %iota3A, %add3A_899 : vector<16xi32>
      %get3A_901 = arith.constant 32 : index
      %get3A_902 = tpu.vector_load %arg11[%get3A_901] {strides = array<i32>} : memref<384xi32, #tpu.memory_space<vmem>>, vector<16xi32>,
      %sub3A_903 = arith.constant 1 : i32
      %sub3A_904 = vector.broadcast %sub3A_903 : i32 to vector<16xi32>
      %sub3A_905 = arith.subi %add3A_900, %sub3A_904 : vector<16xi32>
      %max3A_906 = arith.constant 0 : i32
      %max3A_907 = vector.broadcast %max3A_906 : i32 to vector<16xi32>
      %max3A_908 = arith.maxsi %sub3A_905, %max3A_907 : vector<16xi32>
      %gather3A_909 = tpu.vector_load_idx %arg11[%max3A_908] : memref<384xi32, #tpu.memory_space<vmem>>[vector<16xi32>], vector<16xi32>,
      %eq3A_910 = arith.constant 0 : i32
      %eq3A_911 = vector.broadcast %eq3A_910 : i32 to vector<16xi32>
      %eq3A_912 = arith.cmpi eq, %add3A_900, %eq3A_911 : vector<16xi32>
      %select_n3A_913 = arith.select %eq3A_912, %gather3A_114, %gather3A_909 : vector<16xi1>, vector<16xi32>
      %ne3A_914 = arith.cmpi ne, %get3A_902, %select_n3A_913 : vector<16xi32>
      %add3A_915 = vector.broadcast %add3A_836 : i32 to vector<16xi32>
      %add3A_916 = arith.addi %add3A_915, %add3A_900 : vector<16xi32>
      %add3A_917 = arith.constant 1 : i32
      %add3A_918 = vector.broadcast %add3A_917 : i32 to vector<16xi32>
      %add3A_919 = arith.addi %add3A_916, %add3A_918 : vector<16xi32>
      %convert_element_type3A_920 = arith.sitofp %add3A_919 : vector<16xi32> to vector<16xf32>
      %shift_right_logical3A_921 = arith.constant 7 : i32
      %shift_right_logical3A_922 = vector.broadcast %shift_right_logical3A_921 : i32 to vector<16xi32>
      %shift_right_logical3A_923 = arith.shrui %get3A_902, %shift_right_logical3A_922 : vector<16xi32>
      %and3A_924 = arith.constant 127 : i32
      %and3A_925 = vector.broadcast %and3A_924 : i32 to vector<16xi32>
      %and3A_926 = arith.andi %get3A_902, %and3A_925 : vector<16xi32>
      tpu.vector_store_idx %arg13[%shift_right_logical3A_923, %and3A_926], %convert_element_type3A_920 masked %ne3A_914 : memref<16x128xf32, #tpu.memory_space<vmem>>[vector<16xi32>, vector<16xi32>], vector<16xf32>, vector<16xi1>
      %add3A_927 = arith.constant 48 : i32
      %add3A_928 = vector.broadcast %add3A_927 : i32 to vector<16xi32>
      %add3A_929 = arith.addi %iota3A, %add3A_928 : vector<16xi32>
      %get3A_930 = arith.constant 48 : index
      %get3A_931 = tpu.vector_load %arg11[%get3A_930] {strides = array<i32>} : memref<384xi32, #tpu.memory_space<vmem>>, vector<16xi32>,
      %sub3A_932 = arith.constant 1 : i32
      %sub3A_933 = vector.broadcast %sub3A_932 : i32 to vector<16xi32>
      %sub3A_934 = arith.subi %add3A_929, %sub3A_933 : vector<16xi32>
      %max3A_935 = arith.constant 0 : i32
      %max3A_936 = vector.broadcast %max3A_935 : i32 to vector<16xi32>
      %max3A_937 = arith.maxsi %sub3A_934, %max3A_936 : vector<16xi32>
      %gather3A_938 = tpu.vector_load_idx %arg11[%max3A_937] : memref<384xi32, #tpu.memory_space<vmem>>[vector<16xi32>], vector<16xi32>,
      %eq3A_939 = arith.constant 0 : i32
      %eq3A_940 = vector.broadcast %eq3A_939 : i32 to vector<16xi32>
      %eq3A_941 = arith.cmpi eq, %add3A_929, %eq3A_940 : vector<16xi32>
      %select_n3A_942 = arith.select %eq3A_941, %gather3A_114, %gather3A_938 : vector<16xi1>, vector<16xi32>
      %ne3A_943 = arith.cmpi ne, %get3A_931, %select_n3A_942 : vector<16xi32>
      %add3A_944 = vector.broadcast %add3A_836 : i32 to vector<16xi32>
      %add3A_945 = arith.addi %add3A_944, %add3A_929 : vector<16xi32>
      %add3A_946 = arith.constant 1 : i32
      %add3A_947 = vector.broadcast %add3A_946 : i32 to vector<16xi32>
      %add3A_948 = arith.addi %add3A_945, %add3A_947 : vector<16xi32>
      %convert_element_type3A_949 = arith.sitofp %add3A_948 : vector<16xi32> to vector<16xf32>
      %shift_right_logical3A_950 = arith.constant 7 : i32
      %shift_right_logical3A_951 = vector.broadcast %shift_right_logical3A_950 : i32 to vector<16xi32>
      %shift_right_logical3A_952 = arith.shrui %get3A_931, %shift_right_logical3A_951 : vector<16xi32>
      %and3A_953 = arith.constant 127 : i32
      %and3A_954 = vector.broadcast %and3A_953 : i32 to vector<16xi32>
      %and3A_955 = arith.andi %get3A_931, %and3A_954 : vector<16xi32>
      tpu.vector_store_idx %arg13[%shift_right_logical3A_952, %and3A_955], %convert_element_type3A_949 masked %ne3A_943 : memref<16x128xf32, #tpu.memory_space<vmem>>[vector<16xi32>, vector<16xi32>], vector<16xf32>, vector<16xi1>
      %add3A_956 = arith.constant 64 : i32
      %add3A_957 = vector.broadcast %add3A_956 : i32 to vector<16xi32>
      %add3A_958 = arith.addi %iota3A, %add3A_957 : vector<16xi32>
      %get3A_959 = arith.constant 64 : index
      %get3A_960 = tpu.vector_load %arg11[%get3A_959] {strides = array<i32>} : memref<384xi32, #tpu.memory_space<vmem>>, vector<16xi32>,
      %sub3A_961 = arith.constant 1 : i32
      %sub3A_962 = vector.broadcast %sub3A_961 : i32 to vector<16xi32>
      %sub3A_963 = arith.subi %add3A_958, %sub3A_962 : vector<16xi32>
      %max3A_964 = arith.constant 0 : i32
      %max3A_965 = vector.broadcast %max3A_964 : i32 to vector<16xi32>
      %max3A_966 = arith.maxsi %sub3A_963, %max3A_965 : vector<16xi32>
      %gather3A_967 = tpu.vector_load_idx %arg11[%max3A_966] : memref<384xi32, #tpu.memory_space<vmem>>[vector<16xi32>], vector<16xi32>,
      %eq3A_968 = arith.constant 0 : i32
      %eq3A_969 = vector.broadcast %eq3A_968 : i32 to vector<16xi32>
      %eq3A_970 = arith.cmpi eq, %add3A_958, %eq3A_969 : vector<16xi32>
      %select_n3A_971 = arith.select %eq3A_970, %gather3A_114, %gather3A_967 : vector<16xi1>, vector<16xi32>
      %ne3A_972 = arith.cmpi ne, %get3A_960, %select_n3A_971 : vector<16xi32>
      %add3A_973 = vector.broadcast %add3A_836 : i32 to vector<16xi32>
      %add3A_974 = arith.addi %add3A_973, %add3A_958 : vector<16xi32>
      %add3A_975 = arith.constant 1 : i32
      %add3A_976 = vector.broadcast %add3A_975 : i32 to vector<16xi32>
      %add3A_977 = arith.addi %add3A_974, %add3A_976 : vector<16xi32>
      %convert_element_type3A_978 = arith.sitofp %add3A_977 : vector<16xi32> to vector<16xf32>
      %shift_right_logical3A_979 = arith.constant 7 : i32
      %shift_right_logical3A_980 = vector.broadcast %shift_right_logical3A_979 : i32 to vector<16xi32>
      %shift_right_logical3A_981 = arith.shrui %get3A_960, %shift_right_logical3A_980 : vector<16xi32>
      %and3A_982 = arith.constant 127 : i32
      %and3A_983 = vector.broadcast %and3A_982 : i32 to vector<16xi32>
      %and3A_984 = arith.andi %get3A_960, %and3A_983 : vector<16xi32>
      tpu.vector_store_idx %arg13[%shift_right_logical3A_981, %and3A_984], %convert_element_type3A_978 masked %ne3A_972 : memref<16x128xf32, #tpu.memory_space<vmem>>[vector<16xi32>, vector<16xi32>], vector<16xf32>, vector<16xi1>
      %add3A_985 = arith.constant 80 : i32
      %add3A_986 = vector.broadcast %add3A_985 : i32 to vector<16xi32>
      %add3A_987 = arith.addi %iota3A, %add3A_986 : vector<16xi32>
      %get3A_988 = arith.constant 80 : index
      %get3A_989 = tpu.vector_load %arg11[%get3A_988] {strides = array<i32>} : memref<384xi32, #tpu.memory_space<vmem>>, vector<16xi32>,
      %sub3A_990 = arith.constant 1 : i32
      %sub3A_991 = vector.broadcast %sub3A_990 : i32 to vector<16xi32>
      %sub3A_992 = arith.subi %add3A_987, %sub3A_991 : vector<16xi32>
      %max3A_993 = arith.constant 0 : i32
      %max3A_994 = vector.broadcast %max3A_993 : i32 to vector<16xi32>
      %max3A_995 = arith.maxsi %sub3A_992, %max3A_994 : vector<16xi32>
      %gather3A_996 = tpu.vector_load_idx %arg11[%max3A_995] : memref<384xi32, #tpu.memory_space<vmem>>[vector<16xi32>], vector<16xi32>,
      %eq3A_997 = arith.constant 0 : i32
      %eq3A_998 = vector.broadcast %eq3A_997 : i32 to vector<16xi32>
      %eq3A_999 = arith.cmpi eq, %add3A_987, %eq3A_998 : vector<16xi32>
      %select_n3A_1000 = arith.select %eq3A_999, %gather3A_114, %gather3A_996 : vector<16xi1>, vector<16xi32>
      %ne3A_1001 = arith.cmpi ne, %get3A_989, %select_n3A_1000 : vector<16xi32>
      %add3A_1002 = vector.broadcast %add3A_836 : i32 to vector<16xi32>
      %add3A_1003 = arith.addi %add3A_1002, %add3A_987 : vector<16xi32>
      %add3A_1004 = arith.constant 1 : i32
      %add3A_1005 = vector.broadcast %add3A_1004 : i32 to vector<16xi32>
      %add3A_1006 = arith.addi %add3A_1003, %add3A_1005 : vector<16xi32>
      %convert_element_type3A_1007 = arith.sitofp %add3A_1006 : vector<16xi32> to vector<16xf32>
      %shift_right_logical3A_1008 = arith.constant 7 : i32
      %shift_right_logical3A_1009 = vector.broadcast %shift_right_logical3A_1008 : i32 to vector<16xi32>
      %shift_right_logical3A_1010 = arith.shrui %get3A_989, %shift_right_logical3A_1009 : vector<16xi32>
      %and3A_1011 = arith.constant 127 : i32
      %and3A_1012 = vector.broadcast %and3A_1011 : i32 to vector<16xi32>
      %and3A_1013 = arith.andi %get3A_989, %and3A_1012 : vector<16xi32>
      tpu.vector_store_idx %arg13[%shift_right_logical3A_1010, %and3A_1013], %convert_element_type3A_1007 masked %ne3A_1001 : memref<16x128xf32, #tpu.memory_space<vmem>>[vector<16xi32>, vector<16xi32>], vector<16xf32>, vector<16xi1>
      %add3A_1014 = arith.constant 96 : i32
      %add3A_1015 = vector.broadcast %add3A_1014 : i32 to vector<16xi32>
      %add3A_1016 = arith.addi %iota3A, %add3A_1015 : vector<16xi32>
      %get3A_1017 = arith.constant 96 : index
      %get3A_1018 = tpu.vector_load %arg11[%get3A_1017] {strides = array<i32>} : memref<384xi32, #tpu.memory_space<vmem>>, vector<16xi32>,
      %sub3A_1019 = arith.constant 1 : i32
      %sub3A_1020 = vector.broadcast %sub3A_1019 : i32 to vector<16xi32>
      %sub3A_1021 = arith.subi %add3A_1016, %sub3A_1020 : vector<16xi32>
      %max3A_1022 = arith.constant 0 : i32
      %max3A_1023 = vector.broadcast %max3A_1022 : i32 to vector<16xi32>
      %max3A_1024 = arith.maxsi %sub3A_1021, %max3A_1023 : vector<16xi32>
      %gather3A_1025 = tpu.vector_load_idx %arg11[%max3A_1024] : memref<384xi32, #tpu.memory_space<vmem>>[vector<16xi32>], vector<16xi32>,
      %eq3A_1026 = arith.constant 0 : i32
      %eq3A_1027 = vector.broadcast %eq3A_1026 : i32 to vector<16xi32>
      %eq3A_1028 = arith.cmpi eq, %add3A_1016, %eq3A_1027 : vector<16xi32>
      %select_n3A_1029 = arith.select %eq3A_1028, %gather3A_114, %gather3A_1025 : vector<16xi1>, vector<16xi32>
      %ne3A_1030 = arith.cmpi ne, %get3A_1018, %select_n3A_1029 : vector<16xi32>
      %add3A_1031 = vector.broadcast %add3A_836 : i32 to vector<16xi32>
      %add3A_1032 = arith.addi %add3A_1031, %add3A_1016 : vector<16xi32>
      %add3A_1033 = arith.constant 1 : i32
      %add3A_1034 = vector.broadcast %add3A_1033 : i32 to vector<16xi32>
      %add3A_1035 = arith.addi %add3A_1032, %add3A_1034 : vector<16xi32>
      %convert_element_type3A_1036 = arith.sitofp %add3A_1035 : vector<16xi32> to vector<16xf32>
      %shift_right_logical3A_1037 = arith.constant 7 : i32
      %shift_right_logical3A_1038 = vector.broadcast %shift_right_logical3A_1037 : i32 to vector<16xi32>
      %shift_right_logical3A_1039 = arith.shrui %get3A_1018, %shift_right_logical3A_1038 : vector<16xi32>
      %and3A_1040 = arith.constant 127 : i32
      %and3A_1041 = vector.broadcast %and3A_1040 : i32 to vector<16xi32>
      %and3A_1042 = arith.andi %get3A_1018, %and3A_1041 : vector<16xi32>
      tpu.vector_store_idx %arg13[%shift_right_logical3A_1039, %and3A_1042], %convert_element_type3A_1036 masked %ne3A_1030 : memref<16x128xf32, #tpu.memory_space<vmem>>[vector<16xi32>, vector<16xi32>], vector<16xf32>, vector<16xi1>
      %add3A_1043 = arith.constant 112 : i32
      %add3A_1044 = vector.broadcast %add3A_1043 : i32 to vector<16xi32>
      %add3A_1045 = arith.addi %iota3A, %add3A_1044 : vector<16xi32>
      %get3A_1046 = arith.constant 112 : index
      %get3A_1047 = tpu.vector_load %arg11[%get3A_1046] {strides = array<i32>} : memref<384xi32, #tpu.memory_space<vmem>>, vector<16xi32>,
      %sub3A_1048 = arith.constant 1 : i32
      %sub3A_1049 = vector.broadcast %sub3A_1048 : i32 to vector<16xi32>
      %sub3A_1050 = arith.subi %add3A_1045, %sub3A_1049 : vector<16xi32>
      %max3A_1051 = arith.constant 0 : i32
      %max3A_1052 = vector.broadcast %max3A_1051 : i32 to vector<16xi32>
      %max3A_1053 = arith.maxsi %sub3A_1050, %max3A_1052 : vector<16xi32>
      %gather3A_1054 = tpu.vector_load_idx %arg11[%max3A_1053] : memref<384xi32, #tpu.memory_space<vmem>>[vector<16xi32>], vector<16xi32>,
      %eq3A_1055 = arith.constant 0 : i32
      %eq3A_1056 = vector.broadcast %eq3A_1055 : i32 to vector<16xi32>
      %eq3A_1057 = arith.cmpi eq, %add3A_1045, %eq3A_1056 : vector<16xi32>
      %select_n3A_1058 = arith.select %eq3A_1057, %gather3A_114, %gather3A_1054 : vector<16xi1>, vector<16xi32>
      %ne3A_1059 = arith.cmpi ne, %get3A_1047, %select_n3A_1058 : vector<16xi32>
      %add3A_1060 = vector.broadcast %add3A_836 : i32 to vector<16xi32>
      %add3A_1061 = arith.addi %add3A_1060, %add3A_1045 : vector<16xi32>
      %add3A_1062 = arith.constant 1 : i32
      %add3A_1063 = vector.broadcast %add3A_1062 : i32 to vector<16xi32>
      %add3A_1064 = arith.addi %add3A_1061, %add3A_1063 : vector<16xi32>
      %convert_element_type3A_1065 = arith.sitofp %add3A_1064 : vector<16xi32> to vector<16xf32>
      %shift_right_logical3A_1066 = arith.constant 7 : i32
      %shift_right_logical3A_1067 = vector.broadcast %shift_right_logical3A_1066 : i32 to vector<16xi32>
      %shift_right_logical3A_1068 = arith.shrui %get3A_1047, %shift_right_logical3A_1067 : vector<16xi32>
      %and3A_1069 = arith.constant 127 : i32
      %and3A_1070 = vector.broadcast %and3A_1069 : i32 to vector<16xi32>
      %and3A_1071 = arith.andi %get3A_1047, %and3A_1070 : vector<16xi32>
      tpu.vector_store_idx %arg13[%shift_right_logical3A_1068, %and3A_1071], %convert_element_type3A_1065 masked %ne3A_1059 : memref<16x128xf32, #tpu.memory_space<vmem>>[vector<16xi32>, vector<16xi32>], vector<16xf32>, vector<16xi1>
      %add3A_1072 = arith.constant 128 : i32
      %add3A_1073 = vector.broadcast %add3A_1072 : i32 to vector<16xi32>
      %add3A_1074 = arith.addi %iota3A, %add3A_1073 : vector<16xi32>
      %get3A_1075 = arith.constant 128 : index
      %get3A_1076 = tpu.vector_load %arg11[%get3A_1075] {strides = array<i32>} : memref<384xi32, #tpu.memory_space<vmem>>, vector<16xi32>,
      %sub3A_1077 = arith.constant 1 : i32
      %sub3A_1078 = vector.broadcast %sub3A_1077 : i32 to vector<16xi32>
      %sub3A_1079 = arith.subi %add3A_1074, %sub3A_1078 : vector<16xi32>
      %max3A_1080 = arith.constant 0 : i32
      %max3A_1081 = vector.broadcast %max3A_1080 : i32 to vector<16xi32>
      %max3A_1082 = arith.maxsi %sub3A_1079, %max3A_1081 : vector<16xi32>
      %gather3A_1083 = tpu.vector_load_idx %arg11[%max3A_1082] : memref<384xi32, #tpu.memory_space<vmem>>[vector<16xi32>], vector<16xi32>,
      %eq3A_1084 = arith.constant 0 : i32
      %eq3A_1085 = vector.broadcast %eq3A_1084 : i32 to vector<16xi32>
      %eq3A_1086 = arith.cmpi eq, %add3A_1074, %eq3A_1085 : vector<16xi32>
      %select_n3A_1087 = arith.select %eq3A_1086, %gather3A_114, %gather3A_1083 : vector<16xi1>, vector<16xi32>
      %ne3A_1088 = arith.cmpi ne, %get3A_1076, %select_n3A_1087 : vector<16xi32>
      %add3A_1089 = vector.broadcast %add3A_836 : i32 to vector<16xi32>
      %add3A_1090 = arith.addi %add3A_1089, %add3A_1074 : vector<16xi32>
      %add3A_1091 = arith.constant 1 : i32
      %add3A_1092 = vector.broadcast %add3A_1091 : i32 to vector<16xi32>
      %add3A_1093 = arith.addi %add3A_1090, %add3A_1092 : vector<16xi32>
      %convert_element_type3A_1094 = arith.sitofp %add3A_1093 : vector<16xi32> to vector<16xf32>
      %shift_right_logical3A_1095 = arith.constant 7 : i32
      %shift_right_logical3A_1096 = vector.broadcast %shift_right_logical3A_1095 : i32 to vector<16xi32>
      %shift_right_logical3A_1097 = arith.shrui %get3A_1076, %shift_right_logical3A_1096 : vector<16xi32>
      %and3A_1098 = arith.constant 127 : i32
      %and3A_1099 = vector.broadcast %and3A_1098 : i32 to vector<16xi32>
      %and3A_1100 = arith.andi %get3A_1076, %and3A_1099 : vector<16xi32>
      tpu.vector_store_idx %arg13[%shift_right_logical3A_1097, %and3A_1100], %convert_element_type3A_1094 masked %ne3A_1088 : memref<16x128xf32, #tpu.memory_space<vmem>>[vector<16xi32>, vector<16xi32>], vector<16xf32>, vector<16xi1>
      %add3A_1101 = arith.constant 144 : i32
      %add3A_1102 = vector.broadcast %add3A_1101 : i32 to vector<16xi32>
      %add3A_1103 = arith.addi %iota3A, %add3A_1102 : vector<16xi32>
      %get3A_1104 = arith.constant 144 : index
      %get3A_1105 = tpu.vector_load %arg11[%get3A_1104] {strides = array<i32>} : memref<384xi32, #tpu.memory_space<vmem>>, vector<16xi32>,
      %sub3A_1106 = arith.constant 1 : i32
      %sub3A_1107 = vector.broadcast %sub3A_1106 : i32 to vector<16xi32>
      %sub3A_1108 = arith.subi %add3A_1103, %sub3A_1107 : vector<16xi32>
      %max3A_1109 = arith.constant 0 : i32
      %max3A_1110 = vector.broadcast %max3A_1109 : i32 to vector<16xi32>
      %max3A_1111 = arith.maxsi %sub3A_1108, %max3A_1110 : vector<16xi32>
      %gather3A_1112 = tpu.vector_load_idx %arg11[%max3A_1111] : memref<384xi32, #tpu.memory_space<vmem>>[vector<16xi32>], vector<16xi32>,
      %eq3A_1113 = arith.constant 0 : i32
      %eq3A_1114 = vector.broadcast %eq3A_1113 : i32 to vector<16xi32>
      %eq3A_1115 = arith.cmpi eq, %add3A_1103, %eq3A_1114 : vector<16xi32>
      %select_n3A_1116 = arith.select %eq3A_1115, %gather3A_114, %gather3A_1112 : vector<16xi1>, vector<16xi32>
      %ne3A_1117 = arith.cmpi ne, %get3A_1105, %select_n3A_1116 : vector<16xi32>
      %add3A_1118 = vector.broadcast %add3A_836 : i32 to vector<16xi32>
      %add3A_1119 = arith.addi %add3A_1118, %add3A_1103 : vector<16xi32>
      %add3A_1120 = arith.constant 1 : i32
      %add3A_1121 = vector.broadcast %add3A_1120 : i32 to vector<16xi32>
      %add3A_1122 = arith.addi %add3A_1119, %add3A_1121 : vector<16xi32>
      %convert_element_type3A_1123 = arith.sitofp %add3A_1122 : vector<16xi32> to vector<16xf32>
      %shift_right_logical3A_1124 = arith.constant 7 : i32
      %shift_right_logical3A_1125 = vector.broadcast %shift_right_logical3A_1124 : i32 to vector<16xi32>
      %shift_right_logical3A_1126 = arith.shrui %get3A_1105, %shift_right_logical3A_1125 : vector<16xi32>
      %and3A_1127 = arith.constant 127 : i32
      %and3A_1128 = vector.broadcast %and3A_1127 : i32 to vector<16xi32>
      %and3A_1129 = arith.andi %get3A_1105, %and3A_1128 : vector<16xi32>
      tpu.vector_store_idx %arg13[%shift_right_logical3A_1126, %and3A_1129], %convert_element_type3A_1123 masked %ne3A_1117 : memref<16x128xf32, #tpu.memory_space<vmem>>[vector<16xi32>, vector<16xi32>], vector<16xf32>, vector<16xi1>
      %add3A_1130 = arith.constant 160 : i32
      %add3A_1131 = vector.broadcast %add3A_1130 : i32 to vector<16xi32>
      %add3A_1132 = arith.addi %iota3A, %add3A_1131 : vector<16xi32>
      %get3A_1133 = arith.constant 160 : index
      %get3A_1134 = tpu.vector_load %arg11[%get3A_1133] {strides = array<i32>} : memref<384xi32, #tpu.memory_space<vmem>>, vector<16xi32>,
      %sub3A_1135 = arith.constant 1 : i32
      %sub3A_1136 = vector.broadcast %sub3A_1135 : i32 to vector<16xi32>
      %sub3A_1137 = arith.subi %add3A_1132, %sub3A_1136 : vector<16xi32>
      %max3A_1138 = arith.constant 0 : i32
      %max3A_1139 = vector.broadcast %max3A_1138 : i32 to vector<16xi32>
      %max3A_1140 = arith.maxsi %sub3A_1137, %max3A_1139 : vector<16xi32>
      %gather3A_1141 = tpu.vector_load_idx %arg11[%max3A_1140] : memref<384xi32, #tpu.memory_space<vmem>>[vector<16xi32>], vector<16xi32>,
      %eq3A_1142 = arith.constant 0 : i32
      %eq3A_1143 = vector.broadcast %eq3A_1142 : i32 to vector<16xi32>
      %eq3A_1144 = arith.cmpi eq, %add3A_1132, %eq3A_1143 : vector<16xi32>
      %select_n3A_1145 = arith.select %eq3A_1144, %gather3A_114, %gather3A_1141 : vector<16xi1>, vector<16xi32>
      %ne3A_1146 = arith.cmpi ne, %get3A_1134, %select_n3A_1145 : vector<16xi32>
      %add3A_1147 = vector.broadcast %add3A_836 : i32 to vector<16xi32>
      %add3A_1148 = arith.addi %add3A_1147, %add3A_1132 : vector<16xi32>
      %add3A_1149 = arith.constant 1 : i32
      %add3A_1150 = vector.broadcast %add3A_1149 : i32 to vector<16xi32>
      %add3A_1151 = arith.addi %add3A_1148, %add3A_1150 : vector<16xi32>
      %convert_element_type3A_1152 = arith.sitofp %add3A_1151 : vector<16xi32> to vector<16xf32>
      %shift_right_logical3A_1153 = arith.constant 7 : i32
      %shift_right_logical3A_1154 = vector.broadcast %shift_right_logical3A_1153 : i32 to vector<16xi32>
      %shift_right_logical3A_1155 = arith.shrui %get3A_1134, %shift_right_logical3A_1154 : vector<16xi32>
      %and3A_1156 = arith.constant 127 : i32
      %and3A_1157 = vector.broadcast %and3A_1156 : i32 to vector<16xi32>
      %and3A_1158 = arith.andi %get3A_1134, %and3A_1157 : vector<16xi32>
      tpu.vector_store_idx %arg13[%shift_right_logical3A_1155, %and3A_1158], %convert_element_type3A_1152 masked %ne3A_1146 : memref<16x128xf32, #tpu.memory_space<vmem>>[vector<16xi32>, vector<16xi32>], vector<16xf32>, vector<16xi1>
      %add3A_1159 = arith.constant 176 : i32
      %add3A_1160 = vector.broadcast %add3A_1159 : i32 to vector<16xi32>
      %add3A_1161 = arith.addi %iota3A, %add3A_1160 : vector<16xi32>
      %get3A_1162 = arith.constant 176 : index
      %get3A_1163 = tpu.vector_load %arg11[%get3A_1162] {strides = array<i32>} : memref<384xi32, #tpu.memory_space<vmem>>, vector<16xi32>,
      %sub3A_1164 = arith.constant 1 : i32
      %sub3A_1165 = vector.broadcast %sub3A_1164 : i32 to vector<16xi32>
      %sub3A_1166 = arith.subi %add3A_1161, %sub3A_1165 : vector<16xi32>
      %max3A_1167 = arith.constant 0 : i32
      %max3A_1168 = vector.broadcast %max3A_1167 : i32 to vector<16xi32>
      %max3A_1169 = arith.maxsi %sub3A_1166, %max3A_1168 : vector<16xi32>
      %gather3A_1170 = tpu.vector_load_idx %arg11[%max3A_1169] : memref<384xi32, #tpu.memory_space<vmem>>[vector<16xi32>], vector<16xi32>,
      %eq3A_1171 = arith.constant 0 : i32
      %eq3A_1172 = vector.broadcast %eq3A_1171 : i32 to vector<16xi32>
      %eq3A_1173 = arith.cmpi eq, %add3A_1161, %eq3A_1172 : vector<16xi32>
      %select_n3A_1174 = arith.select %eq3A_1173, %gather3A_114, %gather3A_1170 : vector<16xi1>, vector<16xi32>
      %ne3A_1175 = arith.cmpi ne, %get3A_1163, %select_n3A_1174 : vector<16xi32>
      %add3A_1176 = vector.broadcast %add3A_836 : i32 to vector<16xi32>
      %add3A_1177 = arith.addi %add3A_1176, %add3A_1161 : vector<16xi32>
      %add3A_1178 = arith.constant 1 : i32
      %add3A_1179 = vector.broadcast %add3A_1178 : i32 to vector<16xi32>
      %add3A_1180 = arith.addi %add3A_1177, %add3A_1179 : vector<16xi32>
      %convert_element_type3A_1181 = arith.sitofp %add3A_1180 : vector<16xi32> to vector<16xf32>
      %shift_right_logical3A_1182 = arith.constant 7 : i32
      %shift_right_logical3A_1183 = vector.broadcast %shift_right_logical3A_1182 : i32 to vector<16xi32>
      %shift_right_logical3A_1184 = arith.shrui %get3A_1163, %shift_right_logical3A_1183 : vector<16xi32>
      %and3A_1185 = arith.constant 127 : i32
      %and3A_1186 = vector.broadcast %and3A_1185 : i32 to vector<16xi32>
      %and3A_1187 = arith.andi %get3A_1163, %and3A_1186 : vector<16xi32>
      tpu.vector_store_idx %arg13[%shift_right_logical3A_1184, %and3A_1187], %convert_element_type3A_1181 masked %ne3A_1175 : memref<16x128xf32, #tpu.memory_space<vmem>>[vector<16xi32>, vector<16xi32>], vector<16xf32>, vector<16xi1>
      %add3A_1188 = arith.constant 192 : i32
      %add3A_1189 = vector.broadcast %add3A_1188 : i32 to vector<16xi32>
      %add3A_1190 = arith.addi %iota3A, %add3A_1189 : vector<16xi32>
      %get3A_1191 = arith.constant 192 : index
      %get3A_1192 = tpu.vector_load %arg11[%get3A_1191] {strides = array<i32>} : memref<384xi32, #tpu.memory_space<vmem>>, vector<16xi32>,
      %sub3A_1193 = arith.constant 1 : i32
      %sub3A_1194 = vector.broadcast %sub3A_1193 : i32 to vector<16xi32>
      %sub3A_1195 = arith.subi %add3A_1190, %sub3A_1194 : vector<16xi32>
      %max3A_1196 = arith.constant 0 : i32
      %max3A_1197 = vector.broadcast %max3A_1196 : i32 to vector<16xi32>
      %max3A_1198 = arith.maxsi %sub3A_1195, %max3A_1197 : vector<16xi32>
      %gather3A_1199 = tpu.vector_load_idx %arg11[%max3A_1198] : memref<384xi32, #tpu.memory_space<vmem>>[vector<16xi32>], vector<16xi32>,
      %eq3A_1200 = arith.constant 0 : i32
      %eq3A_1201 = vector.broadcast %eq3A_1200 : i32 to vector<16xi32>
      %eq3A_1202 = arith.cmpi eq, %add3A_1190, %eq3A_1201 : vector<16xi32>
      %select_n3A_1203 = arith.select %eq3A_1202, %gather3A_114, %gather3A_1199 : vector<16xi1>, vector<16xi32>
      %ne3A_1204 = arith.cmpi ne, %get3A_1192, %select_n3A_1203 : vector<16xi32>
      %add3A_1205 = vector.broadcast %add3A_836 : i32 to vector<16xi32>
      %add3A_1206 = arith.addi %add3A_1205, %add3A_1190 : vector<16xi32>
      %add3A_1207 = arith.constant 1 : i32
      %add3A_1208 = vector.broadcast %add3A_1207 : i32 to vector<16xi32>
      %add3A_1209 = arith.addi %add3A_1206, %add3A_1208 : vector<16xi32>
      %convert_element_type3A_1210 = arith.sitofp %add3A_1209 : vector<16xi32> to vector<16xf32>
      %shift_right_logical3A_1211 = arith.constant 7 : i32
      %shift_right_logical3A_1212 = vector.broadcast %shift_right_logical3A_1211 : i32 to vector<16xi32>
      %shift_right_logical3A_1213 = arith.shrui %get3A_1192, %shift_right_logical3A_1212 : vector<16xi32>
      %and3A_1214 = arith.constant 127 : i32
      %and3A_1215 = vector.broadcast %and3A_1214 : i32 to vector<16xi32>
      %and3A_1216 = arith.andi %get3A_1192, %and3A_1215 : vector<16xi32>
      tpu.vector_store_idx %arg13[%shift_right_logical3A_1213, %and3A_1216], %convert_element_type3A_1210 masked %ne3A_1204 : memref<16x128xf32, #tpu.memory_space<vmem>>[vector<16xi32>, vector<16xi32>], vector<16xf32>, vector<16xi1>
      %add3A_1217 = arith.constant 208 : i32
      %add3A_1218 = vector.broadcast %add3A_1217 : i32 to vector<16xi32>
      %add3A_1219 = arith.addi %iota3A, %add3A_1218 : vector<16xi32>
      %get3A_1220 = arith.constant 208 : index
      %get3A_1221 = tpu.vector_load %arg11[%get3A_1220] {strides = array<i32>} : memref<384xi32, #tpu.memory_space<vmem>>, vector<16xi32>,
      %sub3A_1222 = arith.constant 1 : i32
      %sub3A_1223 = vector.broadcast %sub3A_1222 : i32 to vector<16xi32>
      %sub3A_1224 = arith.subi %add3A_1219, %sub3A_1223 : vector<16xi32>
      %max3A_1225 = arith.constant 0 : i32
      %max3A_1226 = vector.broadcast %max3A_1225 : i32 to vector<16xi32>
      %max3A_1227 = arith.maxsi %sub3A_1224, %max3A_1226 : vector<16xi32>
      %gather3A_1228 = tpu.vector_load_idx %arg11[%max3A_1227] : memref<384xi32, #tpu.memory_space<vmem>>[vector<16xi32>], vector<16xi32>,
      %eq3A_1229 = arith.constant 0 : i32
      %eq3A_1230 = vector.broadcast %eq3A_1229 : i32 to vector<16xi32>
      %eq3A_1231 = arith.cmpi eq, %add3A_1219, %eq3A_1230 : vector<16xi32>
      %select_n3A_1232 = arith.select %eq3A_1231, %gather3A_114, %gather3A_1228 : vector<16xi1>, vector<16xi32>
      %ne3A_1233 = arith.cmpi ne, %get3A_1221, %select_n3A_1232 : vector<16xi32>
      %add3A_1234 = vector.broadcast %add3A_836 : i32 to vector<16xi32>
      %add3A_1235 = arith.addi %add3A_1234, %add3A_1219 : vector<16xi32>
      %add3A_1236 = arith.constant 1 : i32
      %add3A_1237 = vector.broadcast %add3A_1236 : i32 to vector<16xi32>
      %add3A_1238 = arith.addi %add3A_1235, %add3A_1237 : vector<16xi32>
      %convert_element_type3A_1239 = arith.sitofp %add3A_1238 : vector<16xi32> to vector<16xf32>
      %shift_right_logical3A_1240 = arith.constant 7 : i32
      %shift_right_logical3A_1241 = vector.broadcast %shift_right_logical3A_1240 : i32 to vector<16xi32>
      %shift_right_logical3A_1242 = arith.shrui %get3A_1221, %shift_right_logical3A_1241 : vector<16xi32>
      %and3A_1243 = arith.constant 127 : i32
      %and3A_1244 = vector.broadcast %and3A_1243 : i32 to vector<16xi32>
      %and3A_1245 = arith.andi %get3A_1221, %and3A_1244 : vector<16xi32>
      tpu.vector_store_idx %arg13[%shift_right_logical3A_1242, %and3A_1245], %convert_element_type3A_1239 masked %ne3A_1233 : memref<16x128xf32, #tpu.memory_space<vmem>>[vector<16xi32>, vector<16xi32>], vector<16xf32>, vector<16xi1>
      %add3A_1246 = arith.constant 224 : i32
      %add3A_1247 = vector.broadcast %add3A_1246 : i32 to vector<16xi32>
      %add3A_1248 = arith.addi %iota3A, %add3A_1247 : vector<16xi32>
      %get3A_1249 = arith.constant 224 : index
      %get3A_1250 = tpu.vector_load %arg11[%get3A_1249] {strides = array<i32>} : memref<384xi32, #tpu.memory_space<vmem>>, vector<16xi32>,
      %sub3A_1251 = arith.constant 1 : i32
      %sub3A_1252 = vector.broadcast %sub3A_1251 : i32 to vector<16xi32>
      %sub3A_1253 = arith.subi %add3A_1248, %sub3A_1252 : vector<16xi32>
      %max3A_1254 = arith.constant 0 : i32
      %max3A_1255 = vector.broadcast %max3A_1254 : i32 to vector<16xi32>
      %max3A_1256 = arith.maxsi %sub3A_1253, %max3A_1255 : vector<16xi32>
      %gather3A_1257 = tpu.vector_load_idx %arg11[%max3A_1256] : memref<384xi32, #tpu.memory_space<vmem>>[vector<16xi32>], vector<16xi32>,
      %eq3A_1258 = arith.constant 0 : i32
      %eq3A_1259 = vector.broadcast %eq3A_1258 : i32 to vector<16xi32>
      %eq3A_1260 = arith.cmpi eq, %add3A_1248, %eq3A_1259 : vector<16xi32>
      %select_n3A_1261 = arith.select %eq3A_1260, %gather3A_114, %gather3A_1257 : vector<16xi1>, vector<16xi32>
      %ne3A_1262 = arith.cmpi ne, %get3A_1250, %select_n3A_1261 : vector<16xi32>
      %add3A_1263 = vector.broadcast %add3A_836 : i32 to vector<16xi32>
      %add3A_1264 = arith.addi %add3A_1263, %add3A_1248 : vector<16xi32>
      %add3A_1265 = arith.constant 1 : i32
      %add3A_1266 = vector.broadcast %add3A_1265 : i32 to vector<16xi32>
      %add3A_1267 = arith.addi %add3A_1264, %add3A_1266 : vector<16xi32>
      %convert_element_type3A_1268 = arith.sitofp %add3A_1267 : vector<16xi32> to vector<16xf32>
      %shift_right_logical3A_1269 = arith.constant 7 : i32
      %shift_right_logical3A_1270 = vector.broadcast %shift_right_logical3A_1269 : i32 to vector<16xi32>
      %shift_right_logical3A_1271 = arith.shrui %get3A_1250, %shift_right_logical3A_1270 : vector<16xi32>
      %and3A_1272 = arith.constant 127 : i32
      %and3A_1273 = vector.broadcast %and3A_1272 : i32 to vector<16xi32>
      %and3A_1274 = arith.andi %get3A_1250, %and3A_1273 : vector<16xi32>
      tpu.vector_store_idx %arg13[%shift_right_logical3A_1271, %and3A_1274], %convert_element_type3A_1268 masked %ne3A_1262 : memref<16x128xf32, #tpu.memory_space<vmem>>[vector<16xi32>, vector<16xi32>], vector<16xf32>, vector<16xi1>
      %add3A_1275 = arith.constant 240 : i32
      %add3A_1276 = vector.broadcast %add3A_1275 : i32 to vector<16xi32>
      %add3A_1277 = arith.addi %iota3A, %add3A_1276 : vector<16xi32>
      %get3A_1278 = arith.constant 240 : index
      %get3A_1279 = tpu.vector_load %arg11[%get3A_1278] {strides = array<i32>} : memref<384xi32, #tpu.memory_space<vmem>>, vector<16xi32>,
      %sub3A_1280 = arith.constant 1 : i32
      %sub3A_1281 = vector.broadcast %sub3A_1280 : i32 to vector<16xi32>
      %sub3A_1282 = arith.subi %add3A_1277, %sub3A_1281 : vector<16xi32>
      %max3A_1283 = arith.constant 0 : i32
      %max3A_1284 = vector.broadcast %max3A_1283 : i32 to vector<16xi32>
      %max3A_1285 = arith.maxsi %sub3A_1282, %max3A_1284 : vector<16xi32>
      %gather3A_1286 = tpu.vector_load_idx %arg11[%max3A_1285] : memref<384xi32, #tpu.memory_space<vmem>>[vector<16xi32>], vector<16xi32>,
      %eq3A_1287 = arith.constant 0 : i32
      %eq3A_1288 = vector.broadcast %eq3A_1287 : i32 to vector<16xi32>
      %eq3A_1289 = arith.cmpi eq, %add3A_1277, %eq3A_1288 : vector<16xi32>
      %select_n3A_1290 = arith.select %eq3A_1289, %gather3A_114, %gather3A_1286 : vector<16xi1>, vector<16xi32>
      %ne3A_1291 = arith.cmpi ne, %get3A_1279, %select_n3A_1290 : vector<16xi32>
      %add3A_1292 = vector.broadcast %add3A_836 : i32 to vector<16xi32>
      %add3A_1293 = arith.addi %add3A_1292, %add3A_1277 : vector<16xi32>
      %add3A_1294 = arith.constant 1 : i32
      %add3A_1295 = vector.broadcast %add3A_1294 : i32 to vector<16xi32>
      %add3A_1296 = arith.addi %add3A_1293, %add3A_1295 : vector<16xi32>
      %convert_element_type3A_1297 = arith.sitofp %add3A_1296 : vector<16xi32> to vector<16xf32>
      %shift_right_logical3A_1298 = arith.constant 7 : i32
      %shift_right_logical3A_1299 = vector.broadcast %shift_right_logical3A_1298 : i32 to vector<16xi32>
      %shift_right_logical3A_1300 = arith.shrui %get3A_1279, %shift_right_logical3A_1299 : vector<16xi32>
      %and3A_1301 = arith.constant 127 : i32
      %and3A_1302 = vector.broadcast %and3A_1301 : i32 to vector<16xi32>
      %and3A_1303 = arith.andi %get3A_1279, %and3A_1302 : vector<16xi32>
      tpu.vector_store_idx %arg13[%shift_right_logical3A_1300, %and3A_1303], %convert_element_type3A_1297 masked %ne3A_1291 : memref<16x128xf32, #tpu.memory_space<vmem>>[vector<16xi32>, vector<16xi32>], vector<16xf32>, vector<16xi1>
      %add3A_1304 = arith.constant 256 : i32
      %add3A_1305 = vector.broadcast %add3A_1304 : i32 to vector<16xi32>
      %add3A_1306 = arith.addi %iota3A, %add3A_1305 : vector<16xi32>
      %get3A_1307 = arith.constant 256 : index
      %get3A_1308 = tpu.vector_load %arg11[%get3A_1307] {strides = array<i32>} : memref<384xi32, #tpu.memory_space<vmem>>, vector<16xi32>,
      %sub3A_1309 = arith.constant 1 : i32
      %sub3A_1310 = vector.broadcast %sub3A_1309 : i32 to vector<16xi32>
      %sub3A_1311 = arith.subi %add3A_1306, %sub3A_1310 : vector<16xi32>
      %max3A_1312 = arith.constant 0 : i32
      %max3A_1313 = vector.broadcast %max3A_1312 : i32 to vector<16xi32>
      %max3A_1314 = arith.maxsi %sub3A_1311, %max3A_1313 : vector<16xi32>
      %gather3A_1315 = tpu.vector_load_idx %arg11[%max3A_1314] : memref<384xi32, #tpu.memory_space<vmem>>[vector<16xi32>], vector<16xi32>,
      %eq3A_1316 = arith.constant 0 : i32
      %eq3A_1317 = vector.broadcast %eq3A_1316 : i32 to vector<16xi32>
      %eq3A_1318 = arith.cmpi eq, %add3A_1306, %eq3A_1317 : vector<16xi32>
      %select_n3A_1319 = arith.select %eq3A_1318, %gather3A_114, %gather3A_1315 : vector<16xi1>, vector<16xi32>
      %ne3A_1320 = arith.cmpi ne, %get3A_1308, %select_n3A_1319 : vector<16xi32>
      %add3A_1321 = vector.broadcast %add3A_836 : i32 to vector<16xi32>
      %add3A_1322 = arith.addi %add3A_1321, %add3A_1306 : vector<16xi32>
      %add3A_1323 = arith.constant 1 : i32
      %add3A_1324 = vector.broadcast %add3A_1323 : i32 to vector<16xi32>
      %add3A_1325 = arith.addi %add3A_1322, %add3A_1324 : vector<16xi32>
      %convert_element_type3A_1326 = arith.sitofp %add3A_1325 : vector<16xi32> to vector<16xf32>
      %shift_right_logical3A_1327 = arith.constant 7 : i32
      %shift_right_logical3A_1328 = vector.broadcast %shift_right_logical3A_1327 : i32 to vector<16xi32>
      %shift_right_logical3A_1329 = arith.shrui %get3A_1308, %shift_right_logical3A_1328 : vector<16xi32>
      %and3A_1330 = arith.constant 127 : i32
      %and3A_1331 = vector.broadcast %and3A_1330 : i32 to vector<16xi32>
      %and3A_1332 = arith.andi %get3A_1308, %and3A_1331 : vector<16xi32>
      tpu.vector_store_idx %arg13[%shift_right_logical3A_1329, %and3A_1332], %convert_element_type3A_1326 masked %ne3A_1320 : memref<16x128xf32, #tpu.memory_space<vmem>>[vector<16xi32>, vector<16xi32>], vector<16xf32>, vector<16xi1>
      %add3A_1333 = arith.constant 272 : i32
      %add3A_1334 = vector.broadcast %add3A_1333 : i32 to vector<16xi32>
      %add3A_1335 = arith.addi %iota3A, %add3A_1334 : vector<16xi32>
      %get3A_1336 = arith.constant 272 : index
      %get3A_1337 = tpu.vector_load %arg11[%get3A_1336] {strides = array<i32>} : memref<384xi32, #tpu.memory_space<vmem>>, vector<16xi32>,
      %sub3A_1338 = arith.constant 1 : i32
      %sub3A_1339 = vector.broadcast %sub3A_1338 : i32 to vector<16xi32>
      %sub3A_1340 = arith.subi %add3A_1335, %sub3A_1339 : vector<16xi32>
      %max3A_1341 = arith.constant 0 : i32
      %max3A_1342 = vector.broadcast %max3A_1341 : i32 to vector<16xi32>
      %max3A_1343 = arith.maxsi %sub3A_1340, %max3A_1342 : vector<16xi32>
      %gather3A_1344 = tpu.vector_load_idx %arg11[%max3A_1343] : memref<384xi32, #tpu.memory_space<vmem>>[vector<16xi32>], vector<16xi32>,
      %eq3A_1345 = arith.constant 0 : i32
      %eq3A_1346 = vector.broadcast %eq3A_1345 : i32 to vector<16xi32>
      %eq3A_1347 = arith.cmpi eq, %add3A_1335, %eq3A_1346 : vector<16xi32>
      %select_n3A_1348 = arith.select %eq3A_1347, %gather3A_114, %gather3A_1344 : vector<16xi1>, vector<16xi32>
      %ne3A_1349 = arith.cmpi ne, %get3A_1337, %select_n3A_1348 : vector<16xi32>
      %add3A_1350 = vector.broadcast %add3A_836 : i32 to vector<16xi32>
      %add3A_1351 = arith.addi %add3A_1350, %add3A_1335 : vector<16xi32>
      %add3A_1352 = arith.constant 1 : i32
      %add3A_1353 = vector.broadcast %add3A_1352 : i32 to vector<16xi32>
      %add3A_1354 = arith.addi %add3A_1351, %add3A_1353 : vector<16xi32>
      %convert_element_type3A_1355 = arith.sitofp %add3A_1354 : vector<16xi32> to vector<16xf32>
      %shift_right_logical3A_1356 = arith.constant 7 : i32
      %shift_right_logical3A_1357 = vector.broadcast %shift_right_logical3A_1356 : i32 to vector<16xi32>
      %shift_right_logical3A_1358 = arith.shrui %get3A_1337, %shift_right_logical3A_1357 : vector<16xi32>
      %and3A_1359 = arith.constant 127 : i32
      %and3A_1360 = vector.broadcast %and3A_1359 : i32 to vector<16xi32>
      %and3A_1361 = arith.andi %get3A_1337, %and3A_1360 : vector<16xi32>
      tpu.vector_store_idx %arg13[%shift_right_logical3A_1358, %and3A_1361], %convert_element_type3A_1355 masked %ne3A_1349 : memref<16x128xf32, #tpu.memory_space<vmem>>[vector<16xi32>, vector<16xi32>], vector<16xf32>, vector<16xi1>
      %add3A_1362 = arith.constant 288 : i32
      %add3A_1363 = vector.broadcast %add3A_1362 : i32 to vector<16xi32>
      %add3A_1364 = arith.addi %iota3A, %add3A_1363 : vector<16xi32>
      %get3A_1365 = arith.constant 288 : index
      %get3A_1366 = tpu.vector_load %arg11[%get3A_1365] {strides = array<i32>} : memref<384xi32, #tpu.memory_space<vmem>>, vector<16xi32>,
      %sub3A_1367 = arith.constant 1 : i32
      %sub3A_1368 = vector.broadcast %sub3A_1367 : i32 to vector<16xi32>
      %sub3A_1369 = arith.subi %add3A_1364, %sub3A_1368 : vector<16xi32>
      %max3A_1370 = arith.constant 0 : i32
      %max3A_1371 = vector.broadcast %max3A_1370 : i32 to vector<16xi32>
      %max3A_1372 = arith.maxsi %sub3A_1369, %max3A_1371 : vector<16xi32>
      %gather3A_1373 = tpu.vector_load_idx %arg11[%max3A_1372] : memref<384xi32, #tpu.memory_space<vmem>>[vector<16xi32>], vector<16xi32>,
      %eq3A_1374 = arith.constant 0 : i32
      %eq3A_1375 = vector.broadcast %eq3A_1374 : i32 to vector<16xi32>
      %eq3A_1376 = arith.cmpi eq, %add3A_1364, %eq3A_1375 : vector<16xi32>
      %select_n3A_1377 = arith.select %eq3A_1376, %gather3A_114, %gather3A_1373 : vector<16xi1>, vector<16xi32>
      %ne3A_1378 = arith.cmpi ne, %get3A_1366, %select_n3A_1377 : vector<16xi32>
      %add3A_1379 = vector.broadcast %add3A_836 : i32 to vector<16xi32>
      %add3A_1380 = arith.addi %add3A_1379, %add3A_1364 : vector<16xi32>
      %add3A_1381 = arith.constant 1 : i32
      %add3A_1382 = vector.broadcast %add3A_1381 : i32 to vector<16xi32>
      %add3A_1383 = arith.addi %add3A_1380, %add3A_1382 : vector<16xi32>
      %convert_element_type3A_1384 = arith.sitofp %add3A_1383 : vector<16xi32> to vector<16xf32>
      %shift_right_logical3A_1385 = arith.constant 7 : i32
      %shift_right_logical3A_1386 = vector.broadcast %shift_right_logical3A_1385 : i32 to vector<16xi32>
      %shift_right_logical3A_1387 = arith.shrui %get3A_1366, %shift_right_logical3A_1386 : vector<16xi32>
      %and3A_1388 = arith.constant 127 : i32
      %and3A_1389 = vector.broadcast %and3A_1388 : i32 to vector<16xi32>
      %and3A_1390 = arith.andi %get3A_1366, %and3A_1389 : vector<16xi32>
      tpu.vector_store_idx %arg13[%shift_right_logical3A_1387, %and3A_1390], %convert_element_type3A_1384 masked %ne3A_1378 : memref<16x128xf32, #tpu.memory_space<vmem>>[vector<16xi32>, vector<16xi32>], vector<16xf32>, vector<16xi1>
      %add3A_1391 = arith.constant 304 : i32
      %add3A_1392 = vector.broadcast %add3A_1391 : i32 to vector<16xi32>
      %add3A_1393 = arith.addi %iota3A, %add3A_1392 : vector<16xi32>
      %get3A_1394 = arith.constant 304 : index
      %get3A_1395 = tpu.vector_load %arg11[%get3A_1394] {strides = array<i32>} : memref<384xi32, #tpu.memory_space<vmem>>, vector<16xi32>,
      %sub3A_1396 = arith.constant 1 : i32
      %sub3A_1397 = vector.broadcast %sub3A_1396 : i32 to vector<16xi32>
      %sub3A_1398 = arith.subi %add3A_1393, %sub3A_1397 : vector<16xi32>
      %max3A_1399 = arith.constant 0 : i32
      %max3A_1400 = vector.broadcast %max3A_1399 : i32 to vector<16xi32>
      %max3A_1401 = arith.maxsi %sub3A_1398, %max3A_1400 : vector<16xi32>
      %gather3A_1402 = tpu.vector_load_idx %arg11[%max3A_1401] : memref<384xi32, #tpu.memory_space<vmem>>[vector<16xi32>], vector<16xi32>,
      %eq3A_1403 = arith.constant 0 : i32
      %eq3A_1404 = vector.broadcast %eq3A_1403 : i32 to vector<16xi32>
      %eq3A_1405 = arith.cmpi eq, %add3A_1393, %eq3A_1404 : vector<16xi32>
      %select_n3A_1406 = arith.select %eq3A_1405, %gather3A_114, %gather3A_1402 : vector<16xi1>, vector<16xi32>
      %ne3A_1407 = arith.cmpi ne, %get3A_1395, %select_n3A_1406 : vector<16xi32>
      %add3A_1408 = vector.broadcast %add3A_836 : i32 to vector<16xi32>
      %add3A_1409 = arith.addi %add3A_1408, %add3A_1393 : vector<16xi32>
      %add3A_1410 = arith.constant 1 : i32
      %add3A_1411 = vector.broadcast %add3A_1410 : i32 to vector<16xi32>
      %add3A_1412 = arith.addi %add3A_1409, %add3A_1411 : vector<16xi32>
      %convert_element_type3A_1413 = arith.sitofp %add3A_1412 : vector<16xi32> to vector<16xf32>
      %shift_right_logical3A_1414 = arith.constant 7 : i32
      %shift_right_logical3A_1415 = vector.broadcast %shift_right_logical3A_1414 : i32 to vector<16xi32>
      %shift_right_logical3A_1416 = arith.shrui %get3A_1395, %shift_right_logical3A_1415 : vector<16xi32>
      %and3A_1417 = arith.constant 127 : i32
      %and3A_1418 = vector.broadcast %and3A_1417 : i32 to vector<16xi32>
      %and3A_1419 = arith.andi %get3A_1395, %and3A_1418 : vector<16xi32>
      tpu.vector_store_idx %arg13[%shift_right_logical3A_1416, %and3A_1419], %convert_element_type3A_1413 masked %ne3A_1407 : memref<16x128xf32, #tpu.memory_space<vmem>>[vector<16xi32>, vector<16xi32>], vector<16xf32>, vector<16xi1>
      %add3A_1420 = arith.constant 320 : i32
      %add3A_1421 = vector.broadcast %add3A_1420 : i32 to vector<16xi32>
      %add3A_1422 = arith.addi %iota3A, %add3A_1421 : vector<16xi32>
      %get3A_1423 = arith.constant 320 : index
      %get3A_1424 = tpu.vector_load %arg11[%get3A_1423] {strides = array<i32>} : memref<384xi32, #tpu.memory_space<vmem>>, vector<16xi32>,
      %sub3A_1425 = arith.constant 1 : i32
      %sub3A_1426 = vector.broadcast %sub3A_1425 : i32 to vector<16xi32>
      %sub3A_1427 = arith.subi %add3A_1422, %sub3A_1426 : vector<16xi32>
      %max3A_1428 = arith.constant 0 : i32
      %max3A_1429 = vector.broadcast %max3A_1428 : i32 to vector<16xi32>
      %max3A_1430 = arith.maxsi %sub3A_1427, %max3A_1429 : vector<16xi32>
      %gather3A_1431 = tpu.vector_load_idx %arg11[%max3A_1430] : memref<384xi32, #tpu.memory_space<vmem>>[vector<16xi32>], vector<16xi32>,
      %eq3A_1432 = arith.constant 0 : i32
      %eq3A_1433 = vector.broadcast %eq3A_1432 : i32 to vector<16xi32>
      %eq3A_1434 = arith.cmpi eq, %add3A_1422, %eq3A_1433 : vector<16xi32>
      %select_n3A_1435 = arith.select %eq3A_1434, %gather3A_114, %gather3A_1431 : vector<16xi1>, vector<16xi32>
      %ne3A_1436 = arith.cmpi ne, %get3A_1424, %select_n3A_1435 : vector<16xi32>
      %add3A_1437 = vector.broadcast %add3A_836 : i32 to vector<16xi32>
      %add3A_1438 = arith.addi %add3A_1437, %add3A_1422 : vector<16xi32>
      %add3A_1439 = arith.constant 1 : i32
      %add3A_1440 = vector.broadcast %add3A_1439 : i32 to vector<16xi32>
      %add3A_1441 = arith.addi %add3A_1438, %add3A_1440 : vector<16xi32>
      %convert_element_type3A_1442 = arith.sitofp %add3A_1441 : vector<16xi32> to vector<16xf32>
      %shift_right_logical3A_1443 = arith.constant 7 : i32
      %shift_right_logical3A_1444 = vector.broadcast %shift_right_logical3A_1443 : i32 to vector<16xi32>
      %shift_right_logical3A_1445 = arith.shrui %get3A_1424, %shift_right_logical3A_1444 : vector<16xi32>
      %and3A_1446 = arith.constant 127 : i32
      %and3A_1447 = vector.broadcast %and3A_1446 : i32 to vector<16xi32>
      %and3A_1448 = arith.andi %get3A_1424, %and3A_1447 : vector<16xi32>
      tpu.vector_store_idx %arg13[%shift_right_logical3A_1445, %and3A_1448], %convert_element_type3A_1442 masked %ne3A_1436 : memref<16x128xf32, #tpu.memory_space<vmem>>[vector<16xi32>, vector<16xi32>], vector<16xf32>, vector<16xi1>
      %add3A_1449 = arith.constant 336 : i32
      %add3A_1450 = vector.broadcast %add3A_1449 : i32 to vector<16xi32>
      %add3A_1451 = arith.addi %iota3A, %add3A_1450 : vector<16xi32>
      %get3A_1452 = arith.constant 336 : index
      %get3A_1453 = tpu.vector_load %arg11[%get3A_1452] {strides = array<i32>} : memref<384xi32, #tpu.memory_space<vmem>>, vector<16xi32>,
      %sub3A_1454 = arith.constant 1 : i32
      %sub3A_1455 = vector.broadcast %sub3A_1454 : i32 to vector<16xi32>
      %sub3A_1456 = arith.subi %add3A_1451, %sub3A_1455 : vector<16xi32>
      %max3A_1457 = arith.constant 0 : i32
      %max3A_1458 = vector.broadcast %max3A_1457 : i32 to vector<16xi32>
      %max3A_1459 = arith.maxsi %sub3A_1456, %max3A_1458 : vector<16xi32>
      %gather3A_1460 = tpu.vector_load_idx %arg11[%max3A_1459] : memref<384xi32, #tpu.memory_space<vmem>>[vector<16xi32>], vector<16xi32>,
      %eq3A_1461 = arith.constant 0 : i32
      %eq3A_1462 = vector.broadcast %eq3A_1461 : i32 to vector<16xi32>
      %eq3A_1463 = arith.cmpi eq, %add3A_1451, %eq3A_1462 : vector<16xi32>
      %select_n3A_1464 = arith.select %eq3A_1463, %gather3A_114, %gather3A_1460 : vector<16xi1>, vector<16xi32>
      %ne3A_1465 = arith.cmpi ne, %get3A_1453, %select_n3A_1464 : vector<16xi32>
      %add3A_1466 = vector.broadcast %add3A_836 : i32 to vector<16xi32>
      %add3A_1467 = arith.addi %add3A_1466, %add3A_1451 : vector<16xi32>
      %add3A_1468 = arith.constant 1 : i32
      %add3A_1469 = vector.broadcast %add3A_1468 : i32 to vector<16xi32>
      %add3A_1470 = arith.addi %add3A_1467, %add3A_1469 : vector<16xi32>
      %convert_element_type3A_1471 = arith.sitofp %add3A_1470 : vector<16xi32> to vector<16xf32>
      %shift_right_logical3A_1472 = arith.constant 7 : i32
      %shift_right_logical3A_1473 = vector.broadcast %shift_right_logical3A_1472 : i32 to vector<16xi32>
      %shift_right_logical3A_1474 = arith.shrui %get3A_1453, %shift_right_logical3A_1473 : vector<16xi32>
      %and3A_1475 = arith.constant 127 : i32
      %and3A_1476 = vector.broadcast %and3A_1475 : i32 to vector<16xi32>
      %and3A_1477 = arith.andi %get3A_1453, %and3A_1476 : vector<16xi32>
      tpu.vector_store_idx %arg13[%shift_right_logical3A_1474, %and3A_1477], %convert_element_type3A_1471 masked %ne3A_1465 : memref<16x128xf32, #tpu.memory_space<vmem>>[vector<16xi32>, vector<16xi32>], vector<16xf32>, vector<16xi1>
      %add3A_1478 = arith.constant 352 : i32
      %add3A_1479 = vector.broadcast %add3A_1478 : i32 to vector<16xi32>
      %add3A_1480 = arith.addi %iota3A, %add3A_1479 : vector<16xi32>
      %get3A_1481 = arith.constant 352 : index
      %get3A_1482 = tpu.vector_load %arg11[%get3A_1481] {strides = array<i32>} : memref<384xi32, #tpu.memory_space<vmem>>, vector<16xi32>,
      %sub3A_1483 = arith.constant 1 : i32
      %sub3A_1484 = vector.broadcast %sub3A_1483 : i32 to vector<16xi32>
      %sub3A_1485 = arith.subi %add3A_1480, %sub3A_1484 : vector<16xi32>
      %max3A_1486 = arith.constant 0 : i32
      %max3A_1487 = vector.broadcast %max3A_1486 : i32 to vector<16xi32>
      %max3A_1488 = arith.maxsi %sub3A_1485, %max3A_1487 : vector<16xi32>
      %gather3A_1489 = tpu.vector_load_idx %arg11[%max3A_1488] : memref<384xi32, #tpu.memory_space<vmem>>[vector<16xi32>], vector<16xi32>,
      %eq3A_1490 = arith.constant 0 : i32
      %eq3A_1491 = vector.broadcast %eq3A_1490 : i32 to vector<16xi32>
      %eq3A_1492 = arith.cmpi eq, %add3A_1480, %eq3A_1491 : vector<16xi32>
      %select_n3A_1493 = arith.select %eq3A_1492, %gather3A_114, %gather3A_1489 : vector<16xi1>, vector<16xi32>
      %ne3A_1494 = arith.cmpi ne, %get3A_1482, %select_n3A_1493 : vector<16xi32>
      %add3A_1495 = vector.broadcast %add3A_836 : i32 to vector<16xi32>
      %add3A_1496 = arith.addi %add3A_1495, %add3A_1480 : vector<16xi32>
      %add3A_1497 = arith.constant 1 : i32
      %add3A_1498 = vector.broadcast %add3A_1497 : i32 to vector<16xi32>
      %add3A_1499 = arith.addi %add3A_1496, %add3A_1498 : vector<16xi32>
      %convert_element_type3A_1500 = arith.sitofp %add3A_1499 : vector<16xi32> to vector<16xf32>
      %shift_right_logical3A_1501 = arith.constant 7 : i32
      %shift_right_logical3A_1502 = vector.broadcast %shift_right_logical3A_1501 : i32 to vector<16xi32>
      %shift_right_logical3A_1503 = arith.shrui %get3A_1482, %shift_right_logical3A_1502 : vector<16xi32>
      %and3A_1504 = arith.constant 127 : i32
      %and3A_1505 = vector.broadcast %and3A_1504 : i32 to vector<16xi32>
      %and3A_1506 = arith.andi %get3A_1482, %and3A_1505 : vector<16xi32>
      tpu.vector_store_idx %arg13[%shift_right_logical3A_1503, %and3A_1506], %convert_element_type3A_1500 masked %ne3A_1494 : memref<16x128xf32, #tpu.memory_space<vmem>>[vector<16xi32>, vector<16xi32>], vector<16xf32>, vector<16xi1>
      %add3A_1507 = arith.constant 368 : i32
      %add3A_1508 = vector.broadcast %add3A_1507 : i32 to vector<16xi32>
      %add3A_1509 = arith.addi %iota3A, %add3A_1508 : vector<16xi32>
      %get3A_1510 = arith.constant 368 : index
      %get3A_1511 = tpu.vector_load %arg11[%get3A_1510] {strides = array<i32>} : memref<384xi32, #tpu.memory_space<vmem>>, vector<16xi32>,
      %sub3A_1512 = arith.constant 1 : i32
      %sub3A_1513 = vector.broadcast %sub3A_1512 : i32 to vector<16xi32>
      %sub3A_1514 = arith.subi %add3A_1509, %sub3A_1513 : vector<16xi32>
      %max3A_1515 = arith.constant 0 : i32
      %max3A_1516 = vector.broadcast %max3A_1515 : i32 to vector<16xi32>
      %max3A_1517 = arith.maxsi %sub3A_1514, %max3A_1516 : vector<16xi32>
      %gather3A_1518 = tpu.vector_load_idx %arg11[%max3A_1517] : memref<384xi32, #tpu.memory_space<vmem>>[vector<16xi32>], vector<16xi32>,
      %eq3A_1519 = arith.constant 0 : i32
      %eq3A_1520 = vector.broadcast %eq3A_1519 : i32 to vector<16xi32>
      %eq3A_1521 = arith.cmpi eq, %add3A_1509, %eq3A_1520 : vector<16xi32>
      %select_n3A_1522 = arith.select %eq3A_1521, %gather3A_114, %gather3A_1518 : vector<16xi1>, vector<16xi32>
      %ne3A_1523 = arith.cmpi ne, %get3A_1511, %select_n3A_1522 : vector<16xi32>
      %add3A_1524 = vector.broadcast %add3A_836 : i32 to vector<16xi32>
      %add3A_1525 = arith.addi %add3A_1524, %add3A_1509 : vector<16xi32>
      %add3A_1526 = arith.constant 1 : i32
      %add3A_1527 = vector.broadcast %add3A_1526 : i32 to vector<16xi32>
      %add3A_1528 = arith.addi %add3A_1525, %add3A_1527 : vector<16xi32>
      %convert_element_type3A_1529 = arith.sitofp %add3A_1528 : vector<16xi32> to vector<16xf32>
      %shift_right_logical3A_1530 = arith.constant 7 : i32
      %shift_right_logical3A_1531 = vector.broadcast %shift_right_logical3A_1530 : i32 to vector<16xi32>
      %shift_right_logical3A_1532 = arith.shrui %get3A_1511, %shift_right_logical3A_1531 : vector<16xi32>
      %and3A_1533 = arith.constant 127 : i32
      %and3A_1534 = vector.broadcast %and3A_1533 : i32 to vector<16xi32>
      %and3A_1535 = arith.andi %get3A_1511, %and3A_1534 : vector<16xi32>
      tpu.vector_store_idx %arg13[%shift_right_logical3A_1532, %and3A_1535], %convert_element_type3A_1529 masked %ne3A_1523 : memref<16x128xf32, #tpu.memory_space<vmem>>[vector<16xi32>, vector<16xi32>], vector<16xf32>, vector<16xi1>
      %dma_wait3A_1536 = arith.constant 0 : i32
      %dma_wait3A_1537 = arith.constant 0 : i32
      %dma_wait3A_1538 = arith.constant 0 : i32
      %dma_wait3A_1539 = tpu.memref_slice %arg9[%dma_wait3A_1536, %dma_wait3A_1537, %dma_wait3A_1538] : memref<2x384x128xf32, #tpu.memory_space<vmem>> -> memref<1x384x128xf32, #tpu.memory_space<vmem>>
      %dma_wait3A_1540 = tpu.memref_squeeze %dma_wait3A_1539 : memref<1x384x128xf32, #tpu.memory_space<vmem>> -> memref<384x128xf32, #tpu.memory_space<vmem>>
      %dma_wait3A_1541 = arith.constant 0 : i32
      %dma_wait3A_1542 = arith.constant 0 : i32
      %dma_wait3A_1543 = tpu.memref_slice %arg7[%dma_wait3A_1541, %dma_wait3A_1542] : memref<2048x128xf32, #tpu.memory_space<vmem_shared>> -> memref<2048x128xf32, #tpu.memory_space<vmem_shared>>
      tpu.wait_indirect_dma semaphore(%arg20 : memref<!tpu.dma_semaphore, #tpu.memory_space<semaphore_mem>>) src(%dma_wait3A_1540 : memref<384x128xf32, #tpu.memory_space<vmem>>) dst(%dma_wait3A_1543 : memref<2048x128xf32, #tpu.memory_space<vmem_shared>>)
      %add3A_1544 = arith.constant 1 : i32
      %add3A_1545 = arith.addi %scan3A_58, %add3A_1544 : i32
      %lt3A_1546 = arith.constant 13 : i32
      %lt3A_1547 = arith.cmpi slt, %add3A_1545, %lt3A_1546 : i32
      %convert_element_type3A_1548 = arith.extui %lt3A_1547 : i1 to i32
      %cond3A_1549 = arith.constant 0 : i32
      %cond3A_1550 = arith.cmpi ne, %convert_element_type3A_1548, %cond3A_1549 : i32
      scf.if %cond3A_1550 {
        %add3A_1559 = arith.constant 2 : i32
        %add3A_1560 = arith.addi %mul3A_61, %add3A_1559 : i32
        %mul3A_1561 = arith.constant 384 : i32
        %mul3A_1562 = arith.muli %add3A_1560, %mul3A_1561 : i32
        %add3A_1563 = arith.addi %mul3A_11, %mul3A_1562 : i32
        %multiple_of3A_1564 = tpu.assume_multiple %add3A_1563, 128 : i32
        %dma_start3A_1565 = arith.constant 0 : i32
        %dma_start3A_1566 = arith.constant 0 : i32
        %dma_start3A_1567 = arith.constant 0 : i32
        %dma_start3A_1568 = tpu.memref_slice %arg9[%dma_start3A_1565, %dma_start3A_1566, %dma_start3A_1567] : memref<2x384x128xf32, #tpu.memory_space<vmem>> -> memref<1x384x128xf32, #tpu.memory_space<vmem>>
        %dma_start3A_1569 = tpu.memref_squeeze %dma_start3A_1568 : memref<1x384x128xf32, #tpu.memory_space<vmem>> -> memref<384x128xf32, #tpu.memory_space<vmem>>
        %dma_start3A_1570 = arith.constant 0 : i32
        %dma_start3A_1571 = tpu.memref_slice %arg2[%multiple_of3A_1564, %dma_start3A_1570] : memref<320000x128xf32, #tpu.memory_space<hbm>> -> memref<384x128xf32, #tpu.memory_space<hbm>>
        %dma_start3A_1572 = arith.constant 0 : i32
        %dma_start3A_1573 = arith.constant 0 : i32
        %dma_start3A_1574 = tpu.memref_slice %arg9[%dma_start3A_1565, %dma_start3A_1572, %dma_start3A_1573] : memref<2x384x128xf32, #tpu.memory_space<vmem>> -> memref<1x384x128xf32, #tpu.memory_space<vmem>>
        %dma_start3A_1575 = tpu.memref_squeeze %dma_start3A_1574 : memref<1x384x128xf32, #tpu.memory_space<vmem>> -> memref<384x128xf32, #tpu.memory_space<vmem>>
        %dma_start3A_1576 = arith.constant 0 : i32
        %dma_start3A_1577 = tpu.memref_slice %arg2[%multiple_of3A_1564, %dma_start3A_1576] : memref<320000x128xf32, #tpu.memory_space<hbm>> -> memref<384x128xf32, #tpu.memory_space<hbm>>
        tpu.enqueue_dma source(%dma_start3A_1577 : memref<384x128xf32, #tpu.memory_space<hbm>>) target(%dma_start3A_1575 : memref<384x128xf32, #tpu.memory_space<vmem>>) target_semaphore(%arg16 : memref<!tpu.dma_semaphore, #tpu.memory_space<semaphore_mem>>)
        %dma_start3A_1578 = tpu.memref_slice %arg3[%multiple_of3A_1564] : memref<320000xi32, #tpu.memory_space<hbm>> -> memref<384xi32, #tpu.memory_space<hbm>>
        %dma_start3A_1579 = tpu.memref_slice %arg3[%multiple_of3A_1564] : memref<320000xi32, #tpu.memory_space<hbm>> -> memref<384xi32, #tpu.memory_space<hbm>>
        tpu.enqueue_dma source(%dma_start3A_1579 : memref<384xi32, #tpu.memory_space<hbm>>) target(%arg10 : memref<384xi32, #tpu.memory_space<vmem>>) target_semaphore(%arg18 : memref<!tpu.dma_semaphore, #tpu.memory_space<semaphore_mem>>)
      } else {
      }
      %dma_wait3A_1551 = arith.constant 1 : i32
      %dma_wait3A_1552 = arith.constant 0 : i32
      %dma_wait3A_1553 = arith.constant 0 : i32
      %dma_wait3A_1554 = tpu.memref_slice %arg9[%dma_wait3A_1551, %dma_wait3A_1552, %dma_wait3A_1553] : memref<2x384x128xf32, #tpu.memory_space<vmem>> -> memref<1x384x128xf32, #tpu.memory_space<vmem>>
      %dma_wait3A_1555 = tpu.memref_squeeze %dma_wait3A_1554 : memref<1x384x128xf32, #tpu.memory_space<vmem>> -> memref<384x128xf32, #tpu.memory_space<vmem>>
      %dma_wait3A_1556 = arith.constant 0 : i32
      %dma_wait3A_1557 = arith.constant 0 : i32
      %dma_wait3A_1558 = tpu.memref_slice %arg7[%dma_wait3A_1556, %dma_wait3A_1557] : memref<2048x128xf32, #tpu.memory_space<vmem_shared>> -> memref<2048x128xf32, #tpu.memory_space<vmem_shared>>
      tpu.wait_indirect_dma semaphore(%arg21 : memref<!tpu.dma_semaphore, #tpu.memory_space<semaphore_mem>>) src(%dma_wait3A_1555 : memref<384x128xf32, #tpu.memory_space<vmem>>) dst(%dma_wait3A_1558 : memref<2048x128xf32, #tpu.memory_space<vmem_shared>>)
      scf.yield %gather3A_839 : vector<16xi32>
    }
    %scan3A_40 = arith.constant 13 : i32
    %lt3A = arith.constant 4 : i32
    %lt3A_41 = arith.cmpi slt, %add3A, %lt3A : i32
    %convert_element_type3A_42 = arith.extui %lt3A_41 : i1 to i32
    %cond3A_43 = arith.constant 0 : i32
    %cond3A_44 = arith.cmpi ne, %convert_element_type3A_42, %cond3A_43 : i32
    scf.if %cond3A_44 {
      %add3A_58 = arith.constant 9984 : i32
      %add3A_59 = arith.addi %mul3A_11, %add3A_58 : i32
      %multiple_of3A_60 = tpu.assume_multiple %add3A_59, 128 : i32
      %run_scoped3A = arith.constant 0 : i32
      "tpu.region"() ({
        %run_scoped3A_293 = tpu.sem_alloc : memref<!tpu.dma_semaphore, #tpu.memory_space<semaphore_mem>>
        %dma_start3A_294 = arith.constant 0 : i32
        %dma_start3A_295 = arith.constant 0 : i32
        %dma_start3A_296 = tpu.memref_slice %arg9[%run_scoped3A, %dma_start3A_294, %dma_start3A_295] : memref<2x384x128xf32, #tpu.memory_space<vmem>> -> memref<1x128x128xf32, #tpu.memory_space<vmem>>
        %dma_start3A_297 = tpu.memref_squeeze %dma_start3A_296 : memref<1x128x128xf32, #tpu.memory_space<vmem>> -> memref<128x128xf32, #tpu.memory_space<vmem>>
        %dma_start3A_298 = arith.constant 0 : i32
        %dma_start3A_299 = tpu.memref_slice %arg2[%multiple_of3A_60, %dma_start3A_298] : memref<320000x128xf32, #tpu.memory_space<hbm>> -> memref<128x128xf32, #tpu.memory_space<hbm>>
        %dma_start3A_300 = arith.constant 0 : i32
        %dma_start3A_301 = arith.constant 0 : i32
        %dma_start3A_302 = tpu.memref_slice %arg9[%run_scoped3A, %dma_start3A_300, %dma_start3A_301] : memref<2x384x128xf32, #tpu.memory_space<vmem>> -> memref<1x128x128xf32, #tpu.memory_space<vmem>>
        %dma_start3A_303 = tpu.memref_squeeze %dma_start3A_302 : memref<1x128x128xf32, #tpu.memory_space<vmem>> -> memref<128x128xf32, #tpu.memory_space<vmem>>
        %dma_start3A_304 = arith.constant 0 : i32
        %dma_start3A_305 = tpu.memref_slice %arg2[%multiple_of3A_60, %dma_start3A_304] : memref<320000x128xf32, #tpu.memory_space<hbm>> -> memref<128x128xf32, #tpu.memory_space<hbm>>
        tpu.enqueue_dma source(%dma_start3A_305 : memref<128x128xf32, #tpu.memory_space<hbm>>) target(%dma_start3A_303 : memref<128x128xf32, #tpu.memory_space<vmem>>) target_semaphore(%run_scoped3A_293 : memref<!tpu.dma_semaphore, #tpu.memory_space<semaphore_mem>>)
        %dma_wait3A = arith.constant 0 : i32
        %dma_wait3A_306 = arith.constant 0 : i32
        %dma_wait3A_307 = tpu.memref_slice %arg9[%run_scoped3A, %dma_wait3A, %dma_wait3A_306] : memref<2x384x128xf32, #tpu.memory_space<vmem>> -> memref<1x128x128xf32, #tpu.memory_space<vmem>>
        %dma_wait3A_308 = tpu.memref_squeeze %dma_wait3A_307 : memref<1x128x128xf32, #tpu.memory_space<vmem>> -> memref<128x128xf32, #tpu.memory_space<vmem>>
        %dma_wait3A_309 = arith.constant 0 : i32
        %dma_wait3A_310 = tpu.memref_slice %arg2[%multiple_of3A_60, %dma_wait3A_309] : memref<320000x128xf32, #tpu.memory_space<hbm>> -> memref<128x128xf32, #tpu.memory_space<hbm>>
        %dma_wait3A_311 = arith.constant 0 : i32
        %dma_wait3A_312 = arith.constant 0 : i32
        %dma_wait3A_313 = tpu.memref_slice %arg9[%run_scoped3A, %dma_wait3A_311, %dma_wait3A_312] : memref<2x384x128xf32, #tpu.memory_space<vmem>> -> memref<1x128x128xf32, #tpu.memory_space<vmem>>
        %dma_wait3A_314 = tpu.memref_squeeze %dma_wait3A_313 : memref<1x128x128xf32, #tpu.memory_space<vmem>> -> memref<128x128xf32, #tpu.memory_space<vmem>>
        %dma_wait3A_315 = arith.constant 0 : i32
        %dma_wait3A_316 = tpu.memref_slice %arg2[%multiple_of3A_60, %dma_wait3A_315] : memref<320000x128xf32, #tpu.memory_space<hbm>> -> memref<128x128xf32, #tpu.memory_space<hbm>>
        tpu.wait_dma2 semaphore(%run_scoped3A_293 : memref<!tpu.dma_semaphore, #tpu.memory_space<semaphore_mem>>) src(%dma_wait3A_316 : memref<128x128xf32, #tpu.memory_space<hbm>>) dst(%dma_wait3A_314 : memref<128x128xf32, #tpu.memory_space<vmem>>)
        tpu.yield
      }) : () -> ()
      "tpu.region"() ({
        %run_scoped3A_293 = tpu.sem_alloc : memref<!tpu.dma_semaphore, #tpu.memory_space<semaphore_mem>>
        %dma_start3A_294 = tpu.memref_slice %arg3[%multiple_of3A_60] : memref<320000xi32, #tpu.memory_space<hbm>> -> memref<128xi32, #tpu.memory_space<hbm>>
        %dma_start3A_295 = tpu.memref_slice %arg3[%multiple_of3A_60] : memref<320000xi32, #tpu.memory_space<hbm>> -> memref<128xi32, #tpu.memory_space<hbm>>
        tpu.enqueue_dma source(%dma_start3A_295 : memref<128xi32, #tpu.memory_space<hbm>>) target(%arg12 : memref<128xi32, #tpu.memory_space<vmem>>) target_semaphore(%run_scoped3A_293 : memref<!tpu.dma_semaphore, #tpu.memory_space<semaphore_mem>>)
        %dma_wait3A = tpu.memref_slice %arg3[%multiple_of3A_60] : memref<320000xi32, #tpu.memory_space<hbm>> -> memref<128xi32, #tpu.memory_space<hbm>>
        %dma_wait3A_296 = tpu.memref_slice %arg3[%multiple_of3A_60] : memref<320000xi32, #tpu.memory_space<hbm>> -> memref<128xi32, #tpu.memory_space<hbm>>
        tpu.wait_dma2 semaphore(%run_scoped3A_293 : memref<!tpu.dma_semaphore, #tpu.memory_space<semaphore_mem>>) src(%dma_wait3A_296 : memref<128xi32, #tpu.memory_space<hbm>>) dst(%arg12 : memref<128xi32, #tpu.memory_space<vmem>>)
        tpu.yield
      }) : () -> ()
      %run_scoped3A_61 = arith.constant 0 : i32
      "tpu.region"() ({
        %run_scoped3A_293 = tpu.sem_alloc : memref<!tpu.dma_semaphore, #tpu.memory_space<semaphore_mem>>
        %dma_start3A_294 = arith.constant 0 : i32
        %dma_start3A_295 = arith.constant 0 : i32
        %dma_start3A_296 = tpu.memref_slice %arg9[%run_scoped3A_61, %dma_start3A_294, %dma_start3A_295] : memref<2x384x128xf32, #tpu.memory_space<vmem>> -> memref<1x128x128xf32, #tpu.memory_space<vmem>>
        %dma_start3A_297 = tpu.memref_squeeze %dma_start3A_296 : memref<1x128x128xf32, #tpu.memory_space<vmem>> -> memref<128x128xf32, #tpu.memory_space<vmem>>
        %dma_start3A_298 = arith.constant 0 : i32
        %dma_start3A_299 = arith.constant 0 : i32
        %dma_start3A_300 = tpu.memref_slice %arg7[%dma_start3A_298, %dma_start3A_299] : memref<2048x128xf32, #tpu.memory_space<vmem_shared>> -> memref<2048x128xf32, #tpu.memory_space<vmem_shared>>
        tpu.enqueue_indirect_dma source(%dma_start3A_297 : memref<128x128xf32, #tpu.memory_space<vmem>>) target(%dma_start3A_300 : memref<2048x128xf32, #tpu.memory_space<vmem_shared>>) offsets(%arg12 : memref<128xi32, #tpu.memory_space<vmem>>) semaphore(%run_scoped3A_293 : memref<!tpu.dma_semaphore, #tpu.memory_space<semaphore_mem>>) {add = true}
        %dma_wait3A = arith.constant 0 : i32
        %dma_wait3A_301 = arith.constant 0 : i32
        %dma_wait3A_302 = tpu.memref_slice %arg9[%run_scoped3A_61, %dma_wait3A, %dma_wait3A_301] : memref<2x384x128xf32, #tpu.memory_space<vmem>> -> memref<1x128x128xf32, #tpu.memory_space<vmem>>
        %dma_wait3A_303 = tpu.memref_squeeze %dma_wait3A_302 : memref<1x128x128xf32, #tpu.memory_space<vmem>> -> memref<128x128xf32, #tpu.memory_space<vmem>>
        %dma_wait3A_304 = arith.constant 0 : i32
        %dma_wait3A_305 = arith.constant 0 : i32
        %dma_wait3A_306 = tpu.memref_slice %arg7[%dma_wait3A_304, %dma_wait3A_305] : memref<2048x128xf32, #tpu.memory_space<vmem_shared>> -> memref<2048x128xf32, #tpu.memory_space<vmem_shared>>
        tpu.wait_indirect_dma semaphore(%run_scoped3A_293 : memref<!tpu.dma_semaphore, #tpu.memory_space<semaphore_mem>>) src(%dma_wait3A_303 : memref<128x128xf32, #tpu.memory_space<vmem>>) dst(%dma_wait3A_306 : memref<2048x128xf32, #tpu.memory_space<vmem_shared>>)
        tpu.yield
      }) : () -> ()
      %broadcast_in_dim3A_62 = arith.constant 127 : i32
      %broadcast_in_dim3A_63 = vector.broadcast %broadcast_in_dim3A_62 : i32 to vector<16xi32>
      %gather3A_64 = tpu.vector_load_idx %arg12[%broadcast_in_dim3A_63] : memref<128xi32, #tpu.memory_space<vmem>>[vector<16xi32>], vector<16xi32>,
      %add3A_65 = arith.constant 0 : i32
      %add3A_66 = vector.broadcast %add3A_65 : i32 to vector<16xi32>
      %add3A_67 = arith.addi %iota3A, %add3A_66 : vector<16xi32>
      %get3A = arith.constant 0 : index
      %get3A_68 = tpu.vector_load %arg12[%get3A] {strides = array<i32>} : memref<128xi32, #tpu.memory_space<vmem>>, vector<16xi32>,
      %sub3A_69 = arith.constant 1 : i32
      %sub3A_70 = vector.broadcast %sub3A_69 : i32 to vector<16xi32>
      %sub3A_71 = arith.subi %add3A_67, %sub3A_70 : vector<16xi32>
      %max3A_72 = arith.constant 0 : i32
      %max3A_73 = vector.broadcast %max3A_72 : i32 to vector<16xi32>
      %max3A_74 = arith.maxsi %sub3A_71, %max3A_73 : vector<16xi32>
      %gather3A_75 = tpu.vector_load_idx %arg12[%max3A_74] : memref<128xi32, #tpu.memory_space<vmem>>[vector<16xi32>], vector<16xi32>,
      %eq3A_76 = arith.constant 0 : i32
      %eq3A_77 = vector.broadcast %eq3A_76 : i32 to vector<16xi32>
      %eq3A_78 = arith.cmpi eq, %add3A_67, %eq3A_77 : vector<16xi32>
      %select_n3A_79 = arith.select %eq3A_78, %scan3A_39, %gather3A_75 : vector<16xi1>, vector<16xi32>
      %ne3A = arith.cmpi ne, %get3A_68, %select_n3A_79 : vector<16xi32>
      %add3A_80 = vector.broadcast %multiple_of3A_60 : i32 to vector<16xi32>
      %add3A_81 = arith.addi %add3A_80, %add3A_67 : vector<16xi32>
      %add3A_82 = arith.constant 1 : i32
      %add3A_83 = vector.broadcast %add3A_82 : i32 to vector<16xi32>
      %add3A_84 = arith.addi %add3A_81, %add3A_83 : vector<16xi32>
      %convert_element_type3A_85 = arith.sitofp %add3A_84 : vector<16xi32> to vector<16xf32>
      %shift_right_logical3A = arith.constant 7 : i32
      %shift_right_logical3A_86 = vector.broadcast %shift_right_logical3A : i32 to vector<16xi32>
      %shift_right_logical3A_87 = arith.shrui %get3A_68, %shift_right_logical3A_86 : vector<16xi32>
      %and3A = arith.constant 127 : i32
      %and3A_88 = vector.broadcast %and3A : i32 to vector<16xi32>
      %and3A_89 = arith.andi %get3A_68, %and3A_88 : vector<16xi32>
      tpu.vector_store_idx %arg13[%shift_right_logical3A_87, %and3A_89], %convert_element_type3A_85 masked %ne3A : memref<16x128xf32, #tpu.memory_space<vmem>>[vector<16xi32>, vector<16xi32>], vector<16xf32>, vector<16xi1>
      %add3A_90 = arith.constant 16 : i32
      %add3A_91 = vector.broadcast %add3A_90 : i32 to vector<16xi32>
      %add3A_92 = arith.addi %iota3A, %add3A_91 : vector<16xi32>
      %get3A_93 = arith.constant 16 : index
      %get3A_94 = tpu.vector_load %arg12[%get3A_93] {strides = array<i32>} : memref<128xi32, #tpu.memory_space<vmem>>, vector<16xi32>,
      %sub3A_95 = arith.constant 1 : i32
      %sub3A_96 = vector.broadcast %sub3A_95 : i32 to vector<16xi32>
      %sub3A_97 = arith.subi %add3A_92, %sub3A_96 : vector<16xi32>
      %max3A_98 = arith.constant 0 : i32
      %max3A_99 = vector.broadcast %max3A_98 : i32 to vector<16xi32>
      %max3A_100 = arith.maxsi %sub3A_97, %max3A_99 : vector<16xi32>
      %gather3A_101 = tpu.vector_load_idx %arg12[%max3A_100] : memref<128xi32, #tpu.memory_space<vmem>>[vector<16xi32>], vector<16xi32>,
      %eq3A_102 = arith.constant 0 : i32
      %eq3A_103 = vector.broadcast %eq3A_102 : i32 to vector<16xi32>
      %eq3A_104 = arith.cmpi eq, %add3A_92, %eq3A_103 : vector<16xi32>
      %select_n3A_105 = arith.select %eq3A_104, %scan3A_39, %gather3A_101 : vector<16xi1>, vector<16xi32>
      %ne3A_106 = arith.cmpi ne, %get3A_94, %select_n3A_105 : vector<16xi32>
      %add3A_107 = vector.broadcast %multiple_of3A_60 : i32 to vector<16xi32>
      %add3A_108 = arith.addi %add3A_107, %add3A_92 : vector<16xi32>
      %add3A_109 = arith.constant 1 : i32
      %add3A_110 = vector.broadcast %add3A_109 : i32 to vector<16xi32>
      %add3A_111 = arith.addi %add3A_108, %add3A_110 : vector<16xi32>
      %convert_element_type3A_112 = arith.sitofp %add3A_111 : vector<16xi32> to vector<16xf32>
      %shift_right_logical3A_113 = arith.constant 7 : i32
      %shift_right_logical3A_114 = vector.broadcast %shift_right_logical3A_113 : i32 to vector<16xi32>
      %shift_right_logical3A_115 = arith.shrui %get3A_94, %shift_right_logical3A_114 : vector<16xi32>
      %and3A_116 = arith.constant 127 : i32
      %and3A_117 = vector.broadcast %and3A_116 : i32 to vector<16xi32>
      %and3A_118 = arith.andi %get3A_94, %and3A_117 : vector<16xi32>
      tpu.vector_store_idx %arg13[%shift_right_logical3A_115, %and3A_118], %convert_element_type3A_112 masked %ne3A_106 : memref<16x128xf32, #tpu.memory_space<vmem>>[vector<16xi32>, vector<16xi32>], vector<16xf32>, vector<16xi1>
      %add3A_119 = arith.constant 32 : i32
      %add3A_120 = vector.broadcast %add3A_119 : i32 to vector<16xi32>
      %add3A_121 = arith.addi %iota3A, %add3A_120 : vector<16xi32>
      %get3A_122 = arith.constant 32 : index
      %get3A_123 = tpu.vector_load %arg12[%get3A_122] {strides = array<i32>} : memref<128xi32, #tpu.memory_space<vmem>>, vector<16xi32>,
      %sub3A_124 = arith.constant 1 : i32
      %sub3A_125 = vector.broadcast %sub3A_124 : i32 to vector<16xi32>
      %sub3A_126 = arith.subi %add3A_121, %sub3A_125 : vector<16xi32>
      %max3A_127 = arith.constant 0 : i32
      %max3A_128 = vector.broadcast %max3A_127 : i32 to vector<16xi32>
      %max3A_129 = arith.maxsi %sub3A_126, %max3A_128 : vector<16xi32>
      %gather3A_130 = tpu.vector_load_idx %arg12[%max3A_129] : memref<128xi32, #tpu.memory_space<vmem>>[vector<16xi32>], vector<16xi32>,
      %eq3A_131 = arith.constant 0 : i32
      %eq3A_132 = vector.broadcast %eq3A_131 : i32 to vector<16xi32>
      %eq3A_133 = arith.cmpi eq, %add3A_121, %eq3A_132 : vector<16xi32>
      %select_n3A_134 = arith.select %eq3A_133, %scan3A_39, %gather3A_130 : vector<16xi1>, vector<16xi32>
      %ne3A_135 = arith.cmpi ne, %get3A_123, %select_n3A_134 : vector<16xi32>
      %add3A_136 = vector.broadcast %multiple_of3A_60 : i32 to vector<16xi32>
      %add3A_137 = arith.addi %add3A_136, %add3A_121 : vector<16xi32>
      %add3A_138 = arith.constant 1 : i32
      %add3A_139 = vector.broadcast %add3A_138 : i32 to vector<16xi32>
      %add3A_140 = arith.addi %add3A_137, %add3A_139 : vector<16xi32>
      %convert_element_type3A_141 = arith.sitofp %add3A_140 : vector<16xi32> to vector<16xf32>
      %shift_right_logical3A_142 = arith.constant 7 : i32
      %shift_right_logical3A_143 = vector.broadcast %shift_right_logical3A_142 : i32 to vector<16xi32>
      %shift_right_logical3A_144 = arith.shrui %get3A_123, %shift_right_logical3A_143 : vector<16xi32>
      %and3A_145 = arith.constant 127 : i32
      %and3A_146 = vector.broadcast %and3A_145 : i32 to vector<16xi32>
      %and3A_147 = arith.andi %get3A_123, %and3A_146 : vector<16xi32>
      tpu.vector_store_idx %arg13[%shift_right_logical3A_144, %and3A_147], %convert_element_type3A_141 masked %ne3A_135 : memref<16x128xf32, #tpu.memory_space<vmem>>[vector<16xi32>, vector<16xi32>], vector<16xf32>, vector<16xi1>
      %add3A_148 = arith.constant 48 : i32
      %add3A_149 = vector.broadcast %add3A_148 : i32 to vector<16xi32>
      %add3A_150 = arith.addi %iota3A, %add3A_149 : vector<16xi32>
      %get3A_151 = arith.constant 48 : index
      %get3A_152 = tpu.vector_load %arg12[%get3A_151] {strides = array<i32>} : memref<128xi32, #tpu.memory_space<vmem>>, vector<16xi32>,
      %sub3A_153 = arith.constant 1 : i32
      %sub3A_154 = vector.broadcast %sub3A_153 : i32 to vector<16xi32>
      %sub3A_155 = arith.subi %add3A_150, %sub3A_154 : vector<16xi32>
      %max3A_156 = arith.constant 0 : i32
      %max3A_157 = vector.broadcast %max3A_156 : i32 to vector<16xi32>
      %max3A_158 = arith.maxsi %sub3A_155, %max3A_157 : vector<16xi32>
      %gather3A_159 = tpu.vector_load_idx %arg12[%max3A_158] : memref<128xi32, #tpu.memory_space<vmem>>[vector<16xi32>], vector<16xi32>,
      %eq3A_160 = arith.constant 0 : i32
      %eq3A_161 = vector.broadcast %eq3A_160 : i32 to vector<16xi32>
      %eq3A_162 = arith.cmpi eq, %add3A_150, %eq3A_161 : vector<16xi32>
      %select_n3A_163 = arith.select %eq3A_162, %scan3A_39, %gather3A_159 : vector<16xi1>, vector<16xi32>
      %ne3A_164 = arith.cmpi ne, %get3A_152, %select_n3A_163 : vector<16xi32>
      %add3A_165 = vector.broadcast %multiple_of3A_60 : i32 to vector<16xi32>
      %add3A_166 = arith.addi %add3A_165, %add3A_150 : vector<16xi32>
      %add3A_167 = arith.constant 1 : i32
      %add3A_168 = vector.broadcast %add3A_167 : i32 to vector<16xi32>
      %add3A_169 = arith.addi %add3A_166, %add3A_168 : vector<16xi32>
      %convert_element_type3A_170 = arith.sitofp %add3A_169 : vector<16xi32> to vector<16xf32>
      %shift_right_logical3A_171 = arith.constant 7 : i32
      %shift_right_logical3A_172 = vector.broadcast %shift_right_logical3A_171 : i32 to vector<16xi32>
      %shift_right_logical3A_173 = arith.shrui %get3A_152, %shift_right_logical3A_172 : vector<16xi32>
      %and3A_174 = arith.constant 127 : i32
      %and3A_175 = vector.broadcast %and3A_174 : i32 to vector<16xi32>
      %and3A_176 = arith.andi %get3A_152, %and3A_175 : vector<16xi32>
      tpu.vector_store_idx %arg13[%shift_right_logical3A_173, %and3A_176], %convert_element_type3A_170 masked %ne3A_164 : memref<16x128xf32, #tpu.memory_space<vmem>>[vector<16xi32>, vector<16xi32>], vector<16xf32>, vector<16xi1>
      %add3A_177 = arith.constant 64 : i32
      %add3A_178 = vector.broadcast %add3A_177 : i32 to vector<16xi32>
      %add3A_179 = arith.addi %iota3A, %add3A_178 : vector<16xi32>
      %get3A_180 = arith.constant 64 : index
      %get3A_181 = tpu.vector_load %arg12[%get3A_180] {strides = array<i32>} : memref<128xi32, #tpu.memory_space<vmem>>, vector<16xi32>,
      %sub3A_182 = arith.constant 1 : i32
      %sub3A_183 = vector.broadcast %sub3A_182 : i32 to vector<16xi32>
      %sub3A_184 = arith.subi %add3A_179, %sub3A_183 : vector<16xi32>
      %max3A_185 = arith.constant 0 : i32
      %max3A_186 = vector.broadcast %max3A_185 : i32 to vector<16xi32>
      %max3A_187 = arith.maxsi %sub3A_184, %max3A_186 : vector<16xi32>
      %gather3A_188 = tpu.vector_load_idx %arg12[%max3A_187] : memref<128xi32, #tpu.memory_space<vmem>>[vector<16xi32>], vector<16xi32>,
      %eq3A_189 = arith.constant 0 : i32
      %eq3A_190 = vector.broadcast %eq3A_189 : i32 to vector<16xi32>
      %eq3A_191 = arith.cmpi eq, %add3A_179, %eq3A_190 : vector<16xi32>
      %select_n3A_192 = arith.select %eq3A_191, %scan3A_39, %gather3A_188 : vector<16xi1>, vector<16xi32>
      %ne3A_193 = arith.cmpi ne, %get3A_181, %select_n3A_192 : vector<16xi32>
      %add3A_194 = vector.broadcast %multiple_of3A_60 : i32 to vector<16xi32>
      %add3A_195 = arith.addi %add3A_194, %add3A_179 : vector<16xi32>
      %add3A_196 = arith.constant 1 : i32
      %add3A_197 = vector.broadcast %add3A_196 : i32 to vector<16xi32>
      %add3A_198 = arith.addi %add3A_195, %add3A_197 : vector<16xi32>
      %convert_element_type3A_199 = arith.sitofp %add3A_198 : vector<16xi32> to vector<16xf32>
      %shift_right_logical3A_200 = arith.constant 7 : i32
      %shift_right_logical3A_201 = vector.broadcast %shift_right_logical3A_200 : i32 to vector<16xi32>
      %shift_right_logical3A_202 = arith.shrui %get3A_181, %shift_right_logical3A_201 : vector<16xi32>
      %and3A_203 = arith.constant 127 : i32
      %and3A_204 = vector.broadcast %and3A_203 : i32 to vector<16xi32>
      %and3A_205 = arith.andi %get3A_181, %and3A_204 : vector<16xi32>
      tpu.vector_store_idx %arg13[%shift_right_logical3A_202, %and3A_205], %convert_element_type3A_199 masked %ne3A_193 : memref<16x128xf32, #tpu.memory_space<vmem>>[vector<16xi32>, vector<16xi32>], vector<16xf32>, vector<16xi1>
      %add3A_206 = arith.constant 80 : i32
      %add3A_207 = vector.broadcast %add3A_206 : i32 to vector<16xi32>
      %add3A_208 = arith.addi %iota3A, %add3A_207 : vector<16xi32>
      %get3A_209 = arith.constant 80 : index
      %get3A_210 = tpu.vector_load %arg12[%get3A_209] {strides = array<i32>} : memref<128xi32, #tpu.memory_space<vmem>>, vector<16xi32>,
      %sub3A_211 = arith.constant 1 : i32
      %sub3A_212 = vector.broadcast %sub3A_211 : i32 to vector<16xi32>
      %sub3A_213 = arith.subi %add3A_208, %sub3A_212 : vector<16xi32>
      %max3A_214 = arith.constant 0 : i32
      %max3A_215 = vector.broadcast %max3A_214 : i32 to vector<16xi32>
      %max3A_216 = arith.maxsi %sub3A_213, %max3A_215 : vector<16xi32>
      %gather3A_217 = tpu.vector_load_idx %arg12[%max3A_216] : memref<128xi32, #tpu.memory_space<vmem>>[vector<16xi32>], vector<16xi32>,
      %eq3A_218 = arith.constant 0 : i32
      %eq3A_219 = vector.broadcast %eq3A_218 : i32 to vector<16xi32>
      %eq3A_220 = arith.cmpi eq, %add3A_208, %eq3A_219 : vector<16xi32>
      %select_n3A_221 = arith.select %eq3A_220, %scan3A_39, %gather3A_217 : vector<16xi1>, vector<16xi32>
      %ne3A_222 = arith.cmpi ne, %get3A_210, %select_n3A_221 : vector<16xi32>
      %add3A_223 = vector.broadcast %multiple_of3A_60 : i32 to vector<16xi32>
      %add3A_224 = arith.addi %add3A_223, %add3A_208 : vector<16xi32>
      %add3A_225 = arith.constant 1 : i32
      %add3A_226 = vector.broadcast %add3A_225 : i32 to vector<16xi32>
      %add3A_227 = arith.addi %add3A_224, %add3A_226 : vector<16xi32>
      %convert_element_type3A_228 = arith.sitofp %add3A_227 : vector<16xi32> to vector<16xf32>
      %shift_right_logical3A_229 = arith.constant 7 : i32
      %shift_right_logical3A_230 = vector.broadcast %shift_right_logical3A_229 : i32 to vector<16xi32>
      %shift_right_logical3A_231 = arith.shrui %get3A_210, %shift_right_logical3A_230 : vector<16xi32>
      %and3A_232 = arith.constant 127 : i32
      %and3A_233 = vector.broadcast %and3A_232 : i32 to vector<16xi32>
      %and3A_234 = arith.andi %get3A_210, %and3A_233 : vector<16xi32>
      tpu.vector_store_idx %arg13[%shift_right_logical3A_231, %and3A_234], %convert_element_type3A_228 masked %ne3A_222 : memref<16x128xf32, #tpu.memory_space<vmem>>[vector<16xi32>, vector<16xi32>], vector<16xf32>, vector<16xi1>
      %add3A_235 = arith.constant 96 : i32
      %add3A_236 = vector.broadcast %add3A_235 : i32 to vector<16xi32>
      %add3A_237 = arith.addi %iota3A, %add3A_236 : vector<16xi32>
      %get3A_238 = arith.constant 96 : index
      %get3A_239 = tpu.vector_load %arg12[%get3A_238] {strides = array<i32>} : memref<128xi32, #tpu.memory_space<vmem>>, vector<16xi32>,
      %sub3A_240 = arith.constant 1 : i32
      %sub3A_241 = vector.broadcast %sub3A_240 : i32 to vector<16xi32>
      %sub3A_242 = arith.subi %add3A_237, %sub3A_241 : vector<16xi32>
      %max3A_243 = arith.constant 0 : i32
      %max3A_244 = vector.broadcast %max3A_243 : i32 to vector<16xi32>
      %max3A_245 = arith.maxsi %sub3A_242, %max3A_244 : vector<16xi32>
      %gather3A_246 = tpu.vector_load_idx %arg12[%max3A_245] : memref<128xi32, #tpu.memory_space<vmem>>[vector<16xi32>], vector<16xi32>,
      %eq3A_247 = arith.constant 0 : i32
      %eq3A_248 = vector.broadcast %eq3A_247 : i32 to vector<16xi32>
      %eq3A_249 = arith.cmpi eq, %add3A_237, %eq3A_248 : vector<16xi32>
      %select_n3A_250 = arith.select %eq3A_249, %scan3A_39, %gather3A_246 : vector<16xi1>, vector<16xi32>
      %ne3A_251 = arith.cmpi ne, %get3A_239, %select_n3A_250 : vector<16xi32>
      %add3A_252 = vector.broadcast %multiple_of3A_60 : i32 to vector<16xi32>
      %add3A_253 = arith.addi %add3A_252, %add3A_237 : vector<16xi32>
      %add3A_254 = arith.constant 1 : i32
      %add3A_255 = vector.broadcast %add3A_254 : i32 to vector<16xi32>
      %add3A_256 = arith.addi %add3A_253, %add3A_255 : vector<16xi32>
      %convert_element_type3A_257 = arith.sitofp %add3A_256 : vector<16xi32> to vector<16xf32>
      %shift_right_logical3A_258 = arith.constant 7 : i32
      %shift_right_logical3A_259 = vector.broadcast %shift_right_logical3A_258 : i32 to vector<16xi32>
      %shift_right_logical3A_260 = arith.shrui %get3A_239, %shift_right_logical3A_259 : vector<16xi32>
      %and3A_261 = arith.constant 127 : i32
      %and3A_262 = vector.broadcast %and3A_261 : i32 to vector<16xi32>
      %and3A_263 = arith.andi %get3A_239, %and3A_262 : vector<16xi32>
      tpu.vector_store_idx %arg13[%shift_right_logical3A_260, %and3A_263], %convert_element_type3A_257 masked %ne3A_251 : memref<16x128xf32, #tpu.memory_space<vmem>>[vector<16xi32>, vector<16xi32>], vector<16xf32>, vector<16xi1>
      %add3A_264 = arith.constant 112 : i32
      %add3A_265 = vector.broadcast %add3A_264 : i32 to vector<16xi32>
      %add3A_266 = arith.addi %iota3A, %add3A_265 : vector<16xi32>
      %get3A_267 = arith.constant 112 : index
      %get3A_268 = tpu.vector_load %arg12[%get3A_267] {strides = array<i32>} : memref<128xi32, #tpu.memory_space<vmem>>, vector<16xi32>,
      %sub3A_269 = arith.constant 1 : i32
      %sub3A_270 = vector.broadcast %sub3A_269 : i32 to vector<16xi32>
      %sub3A_271 = arith.subi %add3A_266, %sub3A_270 : vector<16xi32>
      %max3A_272 = arith.constant 0 : i32
      %max3A_273 = vector.broadcast %max3A_272 : i32 to vector<16xi32>
      %max3A_274 = arith.maxsi %sub3A_271, %max3A_273 : vector<16xi32>
      %gather3A_275 = tpu.vector_load_idx %arg12[%max3A_274] : memref<128xi32, #tpu.memory_space<vmem>>[vector<16xi32>], vector<16xi32>,
      %eq3A_276 = arith.constant 0 : i32
      %eq3A_277 = vector.broadcast %eq3A_276 : i32 to vector<16xi32>
      %eq3A_278 = arith.cmpi eq, %add3A_266, %eq3A_277 : vector<16xi32>
      %select_n3A_279 = arith.select %eq3A_278, %scan3A_39, %gather3A_275 : vector<16xi1>, vector<16xi32>
      %ne3A_280 = arith.cmpi ne, %get3A_268, %select_n3A_279 : vector<16xi32>
      %add3A_281 = vector.broadcast %multiple_of3A_60 : i32 to vector<16xi32>
      %add3A_282 = arith.addi %add3A_281, %add3A_266 : vector<16xi32>
      %add3A_283 = arith.constant 1 : i32
      %add3A_284 = vector.broadcast %add3A_283 : i32 to vector<16xi32>
      %add3A_285 = arith.addi %add3A_282, %add3A_284 : vector<16xi32>
      %convert_element_type3A_286 = arith.sitofp %add3A_285 : vector<16xi32> to vector<16xf32>
      %shift_right_logical3A_287 = arith.constant 7 : i32
      %shift_right_logical3A_288 = vector.broadcast %shift_right_logical3A_287 : i32 to vector<16xi32>
      %shift_right_logical3A_289 = arith.shrui %get3A_268, %shift_right_logical3A_288 : vector<16xi32>
      %and3A_290 = arith.constant 127 : i32
      %and3A_291 = vector.broadcast %and3A_290 : i32 to vector<16xi32>
      %and3A_292 = arith.andi %get3A_268, %and3A_291 : vector<16xi32>
      tpu.vector_store_idx %arg13[%shift_right_logical3A_289, %and3A_292], %convert_element_type3A_286 masked %ne3A_280 : memref<16x128xf32, #tpu.memory_space<vmem>>[vector<16xi32>, vector<16xi32>], vector<16xf32>, vector<16xi1>
    } else {
    }
    "tpu.region"() ({
      %run_scoped3A = tpu.sem_alloc : memref<!tpu.dma_semaphore, #tpu.memory_space<semaphore_mem>>
      %dma_start3A_58 = arith.constant 0 : i32
      %dma_start3A_59 = arith.constant 0 : i32
      %dma_start3A_60 = tpu.memref_slice %arg8[%dma_start3A_58, %dma_start3A_59] : memref<16x128xf32, #tpu.memory_space<vmem_shared>> -> memref<16x128xf32, #tpu.memory_space<vmem_shared>>
      tpu.enqueue_indirect_dma source(%arg13 : memref<16x128xf32, #tpu.memory_space<vmem>>) target(%dma_start3A_60 : memref<16x128xf32, #tpu.memory_space<vmem_shared>>) offsets(%arg15 : memref<16xi32, #tpu.memory_space<vmem>>) semaphore(%run_scoped3A : memref<!tpu.dma_semaphore, #tpu.memory_space<semaphore_mem>>) {add = true}
      %dma_wait3A = arith.constant 0 : i32
      %dma_wait3A_61 = arith.constant 0 : i32
      %dma_wait3A_62 = tpu.memref_slice %arg8[%dma_wait3A, %dma_wait3A_61] : memref<16x128xf32, #tpu.memory_space<vmem_shared>> -> memref<16x128xf32, #tpu.memory_space<vmem_shared>>
      tpu.wait_indirect_dma semaphore(%run_scoped3A : memref<!tpu.dma_semaphore, #tpu.memory_space<semaphore_mem>>) src(%arg13 : memref<16x128xf32, #tpu.memory_space<vmem>>) dst(%dma_wait3A_62 : memref<16x128xf32, #tpu.memory_space<vmem_shared>>)
      tpu.yield
    }) : () -> ()
    %barrier3A_45 = arith.constant 0 : index
    tpu.barrier barrier_id(%barrier3A_45)
    %mul3A_46 = arith.constant 2048 : i32
    %mul3A_47 = arith.muli %arg0, %mul3A_46 : i32
    %mul3A_48 = arith.constant 128 : i32
    %mul3A_49 = arith.muli %arg1, %mul3A_48 : i32
    %add3A_50 = arith.addi %mul3A_47, %mul3A_49 : i32
    %mul3A_51 = arith.constant 128 : i32
    %mul3A_52 = arith.muli %arg1, %mul3A_51 : i32
    "tpu.region"() ({
      %run_scoped3A = tpu.sem_alloc : memref<!tpu.dma_semaphore, #tpu.memory_space<semaphore_mem>>
      %dma_start3A_58 = arith.constant 0 : i32
      %dma_start3A_59 = tpu.memref_slice %arg5[%add3A_50, %dma_start3A_58] : memref<4096x128xf32, #tpu.memory_space<hbm>> -> memref<128x128xf32, #tpu.memory_space<hbm>>
      %dma_start3A_60 = arith.constant 0 : i32
      %dma_start3A_61 = tpu.memref_slice %arg7[%mul3A_52, %dma_start3A_60] : memref<2048x128xf32, #tpu.memory_space<vmem_shared>> -> memref<128x128xf32, #tpu.memory_space<vmem_shared>>
      tpu.enqueue_dma source(%dma_start3A_61 : memref<128x128xf32, #tpu.memory_space<vmem_shared>>) target(%dma_start3A_59 : memref<128x128xf32, #tpu.memory_space<hbm>>) target_semaphore(%run_scoped3A : memref<!tpu.dma_semaphore, #tpu.memory_space<semaphore_mem>>)
      %dma_wait3A = arith.constant 0 : i32
      %dma_wait3A_62 = tpu.memref_slice %arg5[%add3A_50, %dma_wait3A] : memref<4096x128xf32, #tpu.memory_space<hbm>> -> memref<128x128xf32, #tpu.memory_space<hbm>>
      %dma_wait3A_63 = arith.constant 0 : i32
      %dma_wait3A_64 = tpu.memref_slice %arg7[%mul3A_52, %dma_wait3A_63] : memref<2048x128xf32, #tpu.memory_space<vmem_shared>> -> memref<128x128xf32, #tpu.memory_space<vmem_shared>>
      tpu.wait_dma2 semaphore(%run_scoped3A : memref<!tpu.dma_semaphore, #tpu.memory_space<semaphore_mem>>) src(%dma_wait3A_64 : memref<128x128xf32, #tpu.memory_space<vmem_shared>>) dst(%dma_wait3A_62 : memref<128x128xf32, #tpu.memory_space<hbm>>)
      tpu.yield
    }) : () -> ()
    %eq3A_53 = arith.constant 0 : i32
    %eq3A_54 = arith.cmpi eq, %arg1, %eq3A_53 : i32
    %convert_element_type3A_55 = arith.extui %eq3A_54 : i1 to i32
    %cond3A_56 = arith.constant 0 : i32
    %cond3A_57 = arith.cmpi ne, %convert_element_type3A_55, %cond3A_56 : i32
    scf.if %cond3A_57 {
      "tpu.region"() ({
        %run_scoped3A = tpu.sem_alloc : memref<!tpu.dma_semaphore, #tpu.memory_space<semaphore_mem>>
        %dma_start3A_58 = arith.constant 0 : i32
        %dma_start3A_59 = arith.constant 0 : i32
        %dma_start3A_60 = tpu.memref_slice %arg6[%arg0, %dma_start3A_58, %dma_start3A_59] : memref<2x16x128xf32, #tpu.memory_space<hbm>> -> memref<1x16x128xf32, #tpu.memory_space<hbm>>
        %dma_start3A_61 = tpu.memref_squeeze %dma_start3A_60 : memref<1x16x128xf32, #tpu.memory_space<hbm>> -> memref<16x128xf32, #tpu.memory_space<hbm>>
        tpu.enqueue_dma source(%arg8 : memref<16x128xf32, #tpu.memory_space<vmem_shared>>) target(%dma_start3A_61 : memref<16x128xf32, #tpu.memory_space<hbm>>) target_semaphore(%run_scoped3A : memref<!tpu.dma_semaphore, #tpu.memory_space<semaphore_mem>>)
        %dma_wait3A = arith.constant 0 : i32
        %dma_wait3A_62 = arith.constant 0 : i32
        %dma_wait3A_63 = tpu.memref_slice %arg6[%arg0, %dma_wait3A, %dma_wait3A_62] : memref<2x16x128xf32, #tpu.memory_space<hbm>> -> memref<1x16x128xf32, #tpu.memory_space<hbm>>
        %dma_wait3A_64 = tpu.memref_squeeze %dma_wait3A_63 : memref<1x16x128xf32, #tpu.memory_space<hbm>> -> memref<16x128xf32, #tpu.memory_space<hbm>>
        tpu.wait_dma2 semaphore(%run_scoped3A : memref<!tpu.dma_semaphore, #tpu.memory_space<semaphore_mem>>) src(%arg8 : memref<16x128xf32, #tpu.memory_space<vmem_shared>>) dst(%dma_wait3A_64 : memref<16x128xf32, #tpu.memory_space<hbm>>)
        tpu.yield
      }) : () -> ()
    } else {
    }
    return
  }
}

module attributes {stable_mosaic.version = 14 : i64} {
  func.func @_combine_body(%arg0: memref<4096x128xf32, #tpu.memory_space<vmem>>, %arg1: memref<2048x1xf32, #tpu.memory_space<vmem>>, %arg2: memref<2048x1xf32, #tpu.memory_space<vmem>>, %arg3: memref<2048x16xf32, #tpu.memory_space<vmem>>, %arg4: memref<2048x144xf32, #tpu.memory_space<vmem>>) attributes {dimension_semantics = [], scalar_prefetch = 0 : i64, scratch_operands = 0 : i64, tpu.core_type = #tpu.core_type<tc>} {
    %get3A = arith.constant 0 : index
    %get3A_0 = arith.constant 0 : index
    %get3A_1 = vector.load %arg0[%get3A, %get3A_0] : memref<4096x128xf32, #tpu.memory_space<vmem>>, vector<2048x128xf32>
    %get3A_2 = arith.constant 2048 : index
    %get3A_3 = arith.constant 0 : index
    %get3A_4 = vector.load %arg0[%get3A_2, %get3A_3] : memref<4096x128xf32, #tpu.memory_space<vmem>>, vector<2048x128xf32>
    %add3A = arith.addf %get3A_1, %get3A_4 : vector<2048x128xf32>
    %get3A_5 = arith.constant 0 : index
    %get3A_6 = arith.constant 0 : index
    %get3A_7 = vector.load %arg1[%get3A_5, %get3A_6] : memref<2048x1xf32, #tpu.memory_space<vmem>>, vector<2048x1xf32>
    %get3A_8 = arith.constant 0 : index
    %get3A_9 = arith.constant 0 : index
    %get3A_10 = vector.load %arg2[%get3A_8, %get3A_9] : memref<2048x1xf32, #tpu.memory_space<vmem>>, vector<2048x1xf32>
    %add3A_11 = arith.addf %get3A_7, %get3A_10 : vector<2048x1xf32>
    %gt3A = arith.constant 5.000000e-01 : f32
    %gt3A_12 = vector.broadcast %gt3A : f32 to vector<2048x1xf32>
    %gt3A_13 = arith.cmpf ogt, %add3A_11, %gt3A_12 : vector<2048x1xf32>
    %sub3A = arith.constant 1.000000e+00 : f32
    %sub3A_14 = vector.broadcast %sub3A : f32 to vector<2048x1xf32>
    %sub3A_15 = arith.subf %add3A_11, %sub3A_14 : vector<2048x1xf32>
    %jit3A = arith.constant 1.000000e+09 : f32
    %broadcast_in_dim3A = vector.broadcast %jit3A : f32 to vector<2048x1xf32>
    %select_n3A = arith.select %gt3A_13, %sub3A_15, %broadcast_in_dim3A : vector<2048x1xi1>, vector<2048x1xf32>
    %broadcast_in_dim3A_16 = arith.constant 1.000000e+09 : f32
    %broadcast_in_dim3A_17 = vector.broadcast %broadcast_in_dim3A_16 : f32 to vector<1x1xf32>
    %slice3A = vector.extract_strided_slice %select_n3A {offsets = [1, 0], sizes = [2047, 1], strides = [1, 1]} : vector<2048x1xf32> to vector<2047x1xf32>
    %concatenate3A = tpu.concatenate %slice3A, %broadcast_in_dim3A_17 in 0 : vector<2047x1xf32>, vector<1x1xf32> -> vector<2048x1xf32>
    %min3A = arith.minimumf %select_n3A, %concatenate3A : vector<2048x1xf32>
    %broadcast_in_dim3A_18 = arith.constant 1.000000e+09 : f32
    %broadcast_in_dim3A_19 = vector.broadcast %broadcast_in_dim3A_18 : f32 to vector<2x1xf32>
    %slice3A_20 = vector.extract_strided_slice %min3A {offsets = [2, 0], sizes = [2046, 1], strides = [1, 1]} : vector<2048x1xf32> to vector<2046x1xf32>
    %concatenate3A_21 = tpu.concatenate %slice3A_20, %broadcast_in_dim3A_19 in 0 : vector<2046x1xf32>, vector<2x1xf32> -> vector<2048x1xf32>
    %min3A_22 = arith.minimumf %min3A, %concatenate3A_21 : vector<2048x1xf32>
    %broadcast_in_dim3A_23 = arith.constant 1.000000e+09 : f32
    %broadcast_in_dim3A_24 = vector.broadcast %broadcast_in_dim3A_23 : f32 to vector<4x1xf32>
    %slice3A_25 = vector.extract_strided_slice %min3A_22 {offsets = [4, 0], sizes = [2044, 1], strides = [1, 1]} : vector<2048x1xf32> to vector<2044x1xf32>
    %concatenate3A_26 = tpu.concatenate %slice3A_25, %broadcast_in_dim3A_24 in 0 : vector<2044x1xf32>, vector<4x1xf32> -> vector<2048x1xf32>
    %min3A_27 = arith.minimumf %min3A_22, %concatenate3A_26 : vector<2048x1xf32>
    %broadcast_in_dim3A_28 = arith.constant 1.000000e+09 : f32
    %broadcast_in_dim3A_29 = vector.broadcast %broadcast_in_dim3A_28 : f32 to vector<8x1xf32>
    %slice3A_30 = vector.extract_strided_slice %min3A_27 {offsets = [8, 0], sizes = [2040, 1], strides = [1, 1]} : vector<2048x1xf32> to vector<2040x1xf32>
    %concatenate3A_31 = tpu.concatenate %slice3A_30, %broadcast_in_dim3A_29 in 0 : vector<2040x1xf32>, vector<8x1xf32> -> vector<2048x1xf32>
    %min3A_32 = arith.minimumf %min3A_27, %concatenate3A_31 : vector<2048x1xf32>
    %broadcast_in_dim3A_33 = arith.constant 1.000000e+09 : f32
    %broadcast_in_dim3A_34 = vector.broadcast %broadcast_in_dim3A_33 : f32 to vector<16x1xf32>
    %slice3A_35 = vector.extract_strided_slice %min3A_32 {offsets = [16, 0], sizes = [2032, 1], strides = [1, 1]} : vector<2048x1xf32> to vector<2032x1xf32>
    %concatenate3A_36 = tpu.concatenate %slice3A_35, %broadcast_in_dim3A_34 in 0 : vector<2032x1xf32>, vector<16x1xf32> -> vector<2048x1xf32>
    %min3A_37 = arith.minimumf %min3A_32, %concatenate3A_36 : vector<2048x1xf32>
    %broadcast_in_dim3A_38 = arith.constant 1.000000e+09 : f32
    %broadcast_in_dim3A_39 = vector.broadcast %broadcast_in_dim3A_38 : f32 to vector<32x1xf32>
    %slice3A_40 = vector.extract_strided_slice %min3A_37 {offsets = [32, 0], sizes = [2016, 1], strides = [1, 1]} : vector<2048x1xf32> to vector<2016x1xf32>
    %concatenate3A_41 = tpu.concatenate %slice3A_40, %broadcast_in_dim3A_39 in 0 : vector<2016x1xf32>, vector<32x1xf32> -> vector<2048x1xf32>
    %min3A_42 = arith.minimumf %min3A_37, %concatenate3A_41 : vector<2048x1xf32>
    %broadcast_in_dim3A_43 = arith.constant 1.000000e+09 : f32
    %broadcast_in_dim3A_44 = vector.broadcast %broadcast_in_dim3A_43 : f32 to vector<64x1xf32>
    %slice3A_45 = vector.extract_strided_slice %min3A_42 {offsets = [64, 0], sizes = [1984, 1], strides = [1, 1]} : vector<2048x1xf32> to vector<1984x1xf32>
    %concatenate3A_46 = tpu.concatenate %slice3A_45, %broadcast_in_dim3A_44 in 0 : vector<1984x1xf32>, vector<64x1xf32> -> vector<2048x1xf32>
    %min3A_47 = arith.minimumf %min3A_42, %concatenate3A_46 : vector<2048x1xf32>
    %broadcast_in_dim3A_48 = arith.constant 1.000000e+09 : f32
    %broadcast_in_dim3A_49 = vector.broadcast %broadcast_in_dim3A_48 : f32 to vector<128x1xf32>
    %slice3A_50 = vector.extract_strided_slice %min3A_47 {offsets = [128, 0], sizes = [1920, 1], strides = [1, 1]} : vector<2048x1xf32> to vector<1920x1xf32>
    %concatenate3A_51 = tpu.concatenate %slice3A_50, %broadcast_in_dim3A_49 in 0 : vector<1920x1xf32>, vector<128x1xf32> -> vector<2048x1xf32>
    %min3A_52 = arith.minimumf %min3A_47, %concatenate3A_51 : vector<2048x1xf32>
    %broadcast_in_dim3A_53 = arith.constant 1.000000e+09 : f32
    %broadcast_in_dim3A_54 = vector.broadcast %broadcast_in_dim3A_53 : f32 to vector<256x1xf32>
    %slice3A_55 = vector.extract_strided_slice %min3A_52 {offsets = [256, 0], sizes = [1792, 1], strides = [1, 1]} : vector<2048x1xf32> to vector<1792x1xf32>
    %concatenate3A_56 = tpu.concatenate %slice3A_55, %broadcast_in_dim3A_54 in 0 : vector<1792x1xf32>, vector<256x1xf32> -> vector<2048x1xf32>
    %min3A_57 = arith.minimumf %min3A_52, %concatenate3A_56 : vector<2048x1xf32>
    %broadcast_in_dim3A_58 = arith.constant 1.000000e+09 : f32
    %broadcast_in_dim3A_59 = vector.broadcast %broadcast_in_dim3A_58 : f32 to vector<512x1xf32>
    %slice3A_60 = vector.extract_strided_slice %min3A_57 {offsets = [512, 0], sizes = [1536, 1], strides = [1, 1]} : vector<2048x1xf32> to vector<1536x1xf32>
    %concatenate3A_61 = tpu.concatenate %slice3A_60, %broadcast_in_dim3A_59 in 0 : vector<1536x1xf32>, vector<512x1xf32> -> vector<2048x1xf32>
    %min3A_62 = arith.minimumf %min3A_57, %concatenate3A_61 : vector<2048x1xf32>
    %broadcast_in_dim3A_63 = arith.constant 1.000000e+09 : f32
    %broadcast_in_dim3A_64 = vector.broadcast %broadcast_in_dim3A_63 : f32 to vector<1024x1xf32>
    %slice3A_65 = vector.extract_strided_slice %min3A_62 {offsets = [1024, 0], sizes = [1024, 1], strides = [1, 1]} : vector<2048x1xf32> to vector<1024x1xf32>
    %concatenate3A_66 = tpu.concatenate %slice3A_65, %broadcast_in_dim3A_64 in 0 : vector<1024x1xf32>, vector<1024x1xf32> -> vector<2048x1xf32>
    %min3A_67 = arith.minimumf %min3A_62, %concatenate3A_66 : vector<2048x1xf32>
    %slice3A_68 = vector.extract_strided_slice %min3A_67 {offsets = [1, 0], sizes = [2047, 1], strides = [1, 1]} : vector<2048x1xf32> to vector<2047x1xf32>
    %broadcast_in_dim3A_69 = arith.constant 1.000000e+09 : f32
    %broadcast_in_dim3A_70 = vector.broadcast %broadcast_in_dim3A_69 : f32 to vector<1x1xf32>
    %concatenate3A_71 = tpu.concatenate %slice3A_68, %broadcast_in_dim3A_70 in 0 : vector<2047x1xf32>, vector<1x1xf32> -> vector<2048x1xf32>
    %min3A_72 = arith.constant 3.200000e+05 : f32
    %min3A_73 = vector.broadcast %min3A_72 : f32 to vector<2048x1xf32>
    %min3A_74 = arith.minimumf %concatenate3A_71, %min3A_73 : vector<2048x1xf32>
    %sub3A_75 = arith.subf %min3A_74, %sub3A_15 : vector<2048x1xf32>
    %jit3A_76 = arith.constant 0.000000e+00 : f32
    %broadcast_in_dim3A_77 = vector.broadcast %jit3A_76 : f32 to vector<2048x1xf32>
    %select_n3A_78 = arith.select %gt3A_13, %sub3A_75, %broadcast_in_dim3A_77 : vector<2048x1xi1>, vector<2048x1xf32>
    %max3A = arith.constant 1.000000e+00 : f32
    %max3A_79 = vector.broadcast %max3A : f32 to vector<2048x1xf32>
    %max3A_80 = arith.maximumf %select_n3A_78, %max3A_79 : vector<2048x1xf32>
    %div3A = vector.broadcast %max3A_80 : vector<2048x1xf32> to vector<2048x128xf32>
    %div3A_81 = arith.divf %add3A, %div3A : vector<2048x128xf32>
    %get3A_82 = arith.constant 0 : index
    %get3A_83 = arith.constant 0 : index
    %get3A_84 = vector.load %arg3[%get3A_82, %get3A_83] : memref<2048x16xf32, #tpu.memory_space<vmem>>, vector<2048x16xf32>
    %concatenate3A_85 = tpu.concatenate %div3A_81, %get3A_84 in 1 : vector<2048x128xf32>, vector<2048x16xf32> -> vector<2048x144xf32>
    %swap3A = arith.constant 0 : index
    %swap3A_86 = arith.constant 0 : index
    %swap3A_87 = vector.load %arg4[%swap3A, %swap3A_86] : memref<2048x144xf32, #tpu.memory_space<vmem>>, vector<2048x144xf32>
    tpu.vector_store %arg4[%swap3A, %swap3A_86], %concatenate3A_85 {strides = array<i32>} : memref<2048x144xf32, #tpu.memory_space<vmem>>, vector<2048x144xf32>,
    return
  }
}

</mosaic_0001>

<sc_bundles>
// kernel: kernel.4.cloned.1.call-start
scs
__scs_entry_jumppad:
0x0: {  	(pc) =	sbr.rel $0x88, $3  }
0x1: {  	(tag) =	ssettag $0x0;
	lr =	simm.s32 $0x1  }
0x2: {  	[smem:$0x3F9E] =	sst lr;
	_ =	strace $0xD0000000  }
0x3: {  	_ = 	snop  }
0x4: {  	_ = 	snop  }
0x5: {  	_ = 	snop  }
0x6: {  	_ = 	snop  }
0x7: {  	_ = 	snop  }
__scs_overlays_trampoline_lowered:
0x8: {  	[smem:$0x3FAD] =	sst s0  }
0x9: {  	[smem:$0x3FAE] =	sst s1  }
0xa: {  	[smem:$0x3FAF] =	sst s2  }
0xb: {  	[smem:$0x3FB0] =	sst s3  }
0xc: {  	[smem:$0x3FB1] =	sst s4  }
0xd: {  	[smem:$0x3FB2] =	sst s5  }
0xe: {  	[smem:$0x3FB3] =	sst s6  }
0xf: {  	[smem:$0x3FB4] =	sst s7  }
0x10: {  	[smem:$0x3FB5] =	sst s8  }
0x11: {  	[smem:$0x3FB6] =	sst s9;
	s0 =	simm.s32 @!p0 $0x0  }
0x12: {  	s1 =	sld [smem:$0x3F9C];
	s0 =	simm.s32 @p0 $0x1  }
0x13: {  	[smem:$0x3FB7] =	sst s0;
	s0 =	simm.s32 @!p1 $0x0  }
0x14: {  	s2 =	sld [smem:$0x3F9B];
	s0 =	simm.s32 @p1 $0x1  }
0x15: {  	[smem:$0x3FB8] =	sst s0;
	s0 =	simm.s32 @!p2 $0x0  }
0x16: {  	s3 =	sld [smem:$0x3FDB];
	s0 =	simm.s32 @p2 $0x1  }
0x17: {  	s4 =	simm.s32 $0x1BF5;
	[smem:$0x3FBA] =	sst s0  }
0x18: {  	s0 =	sld [smem:$0x3F9D];
	_ =	swait.ge [sflag:s4], $0x0  }
0x19: {  	s7 =	sld [smem:$0x3F9E]  }
0x1a: {  	s8 =	sadd.s32 $0xFFFFE003, lr  }
0x1b: {  	s9 =	sadd.s32 $0xFFFFFEF7, lr;
	s5 =	simm.s32 $0xFFFFFFFF;
	p2 =	slt.u32 s8, $0xFFFFF086  }
0x1c: {  	p1 =	slt.u32 s9, $0xF7A;
	s5 =	simm.s32 @!p2 $0x0  }
0x1d: {  	s5 =	simm.s32 @p1 $0x1;
	p0 =	seq.s32 s7, s2  }
0x1e: {  	s7 =	smul.u32 @!p0 $0xF7A, s2;
	p2 =	seq.s32 @!p0 s5, $0x0  }
0x1f: {  	s9 =	smul.u32 $0xF7A, s1;
	s8 =	simm.s32 @!p0 $0x1BF5;
	p2 =	por !p2, p0  }
0x20: {  	[sflag:s8] =	ssyncset.s32 @!p0 $0xFFFFF086;
	s6 =	sadd.s32 @!p0 s3, s7;
	s7 =	simm.s32 @!p0 $0x108  }
0x21: {  	s3 =	sadd.s32 s3, s9;
	s6 =	sadd.s32 @!p0 $0x88, s6;
	s7 =	simm.s32 @p2 $0x1082  }
0x22: {  	[simem:s7], [sflag:s8] =	dma.local @!p0 [hbm:s6], $0xF7A  }
0x23: {  	s9 =	sor.u32 $0xD0000000, s2;
	s6 =	simm.s32 $0x108;
	_ =	swait.ge @!p0 [sflag:s8], $0x0  }
0x24: {  	s3 =	sadd.s32 $0x88, s3;
	s6 =	simm.s32 @!p1 $0x1082;
	[sflag:s4] =	ssyncset.s32 $0xFFFFF086  }
0x25: {  	[simem:s6], [sflag:s4] =	dma.local [hbm:s3], $0xF7A  }
0x26: {  	[smem:$0x3F9E] =	sst s1;
	(tag) =	ssettag s2;
	_ =	strace s9  }
0x27: {  	s1 =	sld [smem:$0x3FAE]  }
0x28: {  	s2 =	sld [smem:$0x3FAF]  }
0x29: {  	s4 =	sld [smem:$0x3FB1]  }
0x2a: {  	p0 =	seq.s32 s5, $0x0;
	s5 =	sld [smem:$0x3FB2]  }
0x2b: {  	s6 =	sld [smem:$0x3FB3]  }
0x2c: {  	s7 =	sld [smem:$0x3FB4]  }
0x2d: {  	s3 =	simm.s32 $0x108;
	s8 =	sld [smem:$0x3FB5]  }
0x2e: {  	s3 =	simm.s32 @!p0 $0x1082;
	s9 =	sld [smem:$0x3FB6]  }
0x2f: {  	lr =	sadd.s32 s0, s3;
	s0 =	sld [smem:$0x3FAD]  }
0x30: {  	s3 =	sld [smem:$0x3FB0]  }
0x31: {  	[smem:$0x3FB9] =	sst s10  }
0x32: {  	s10 =	sld [smem:$0x3FB7];
	_ =	sdelay $0x3  }
0x33: {  	p0 =	seq.s32 s10, $0x1;
	s10 =	sld [smem:$0x3FB9];
	_ =	sdelay $0x3  }
0x34: {  	[smem:$0x3FB9] =	sst s10  }
0x35: {  	s10 =	sld [smem:$0x3FB8];
	_ =	sdelay $0x3  }
0x36: {  	p1 =	seq.s32 s10, $0x1;
	s10 =	sld [smem:$0x3FB9];
	_ =	sdelay $0x3  }
0x37: {  	[smem:$0x3FB9] =	sst s10  }
0x38: {  	s10 =	sld [smem:$0x3FBA]  }
0x39: {  	_ = 	snop;
	(pc) =	sbr.ind lr, $3  }
0x3a: {  	_ = 	snop  }
0x3b: {  	_ = 	snop  }
0x3c: {  	p2 =	seq.s32 s10, $0x1;
	s10 =	sld [smem:$0x3FB9]  }
0x3d: {  	_ =	shalt  }
0x3e: {  	_ =	shalt  }
0x3f: {  	_ =	shalt  }
0x40: {  	_ =	shalt  }
0x41: {  	_ =	shalt  }
0x42: {  	_ =	shalt  }
0x43: {  	_ =	shalt  }
0x44: {  	_ =	shalt  }
0x45: {  	_ =	shalt  }
0x46: {  	_ =	shalt  }
0x47: {  	_ =	shalt  }
0x48: {  	_ =	shalt  }
0x49: {  	_ =	shalt  }
0x4a: {  	_ =	shalt  }
0x4b: {  	_ =	shalt  }
0x4c: {  	_ =	shalt  }
0x4d: {  	_ =	shalt  }
0x4e: {  	_ =	shalt  }
0x4f: {  	_ =	shalt  }
0x50: {  	_ =	shalt  }
0x51: {  	_ =	shalt  }
0x52: {  	_ =	shalt  }
0x53: {  	_ =	shalt  }
0x54: {  	_ =	shalt  }
0x55: {  	_ =	shalt  }
0x56: {  	_ =	shalt  }
0x57: {  	_ =	shalt  }
0x58: {  	_ =	shalt  }
0x59: {  	_ =	shalt  }
0x5a: {  	_ =	shalt  }
0x5b: {  	_ =	shalt  }
0x5c: {  	_ =	shalt  }
0x5d: {  	_ =	shalt  }
0x5e: {  	_ =	shalt  }
0x5f: {  	_ =	shalt  }
0x60: {  	_ =	shalt  }
0x61: {  	_ =	shalt  }
0x62: {  	_ =	shalt  }
0x63: {  	_ =	shalt  }
0x64: {  	_ =	shalt  }
0x65: {  	_ =	shalt  }
0x66: {  	_ =	shalt  }
0x67: {  	_ =	shalt  }
0x68: {  	_ =	shalt  }
0x69: {  	_ =	shalt  }
0x6a: {  	_ =	shalt  }
0x6b: {  	_ =	shalt  }
0x6c: {  	_ =	shalt  }
0x6d: {  	_ =	shalt  }
0x6e: {  	_ =	shalt  }
0x6f: {  	_ =	shalt  }
0x70: {  	_ =	shalt  }
0x71: {  	_ =	shalt  }
0x72: {  	_ =	shalt  }
0x73: {  	_ =	shalt  }
0x74: {  	_ =	shalt  }
0x75: {  	_ =	shalt  }
0x76: {  	_ =	shalt  }
0x77: {  	_ =	shalt  }
0x78: {  	_ =	shalt  }
0x79: {  	_ =	shalt  }
0x7a: {  	_ =	shalt  }
0x7b: {  	_ =	shalt  }
0x7c: {  	_ =	shalt  }
0x7d: {  	_ =	shalt  }
0x7e: {  	_ =	shalt  }
0x7f: {  	_ =	shalt  }
0x80: {  	_ =	shalt  }
0x81: {  	_ =	shalt  }
0x82: {  	_ =	shalt  }
0x83: {  	_ =	shalt  }
0x84: {  	_ =	shalt  }
0x85: {  	_ =	shalt  }
0x86: {  	_ =	shalt  }
0x87: {  	_ =	shalt  }
.Lfunc_end0:
.L_simem_size_0:
called_computation_lowered:
.L_overlay_start_0:
0x88: {  	s2 =	sld [smem:$0x3FD9]  }
0x89: {  	s3 =	sld [smem:$0x3FFE];
	_ =	sdelay $0x1  }
0x8a: {  	s1 =	srdreg.scid  }
0x8b: {  	s0 =	sand.u32 $0x1, s1  }
0x8c: {  	s17 =	sshll.u32 s0, $0xA;
	s2 =	sadd.s32 s3, s2  }
0x8d: {  	s2 =	sadd.s32 s2, s17  }
0x8e: {  	[smem:$0x3FC5] =	sst s2  }
0x8f: {  	_ = 	snop  }
0x90: {  	s2 =	sld [smem:$0x3FC9]  }
0x91: {  	s18 =	sld [smem:$0x3FC8]  }
0x92: {  	s4 =	sld [smem:$0x3FD0];
	(tm) =	ssettm $0x1  }
0x93: {  	s5 =	sld [smem:$0x3FFB];
	_ =	sdelay $0x3  }
0x94: {  	_ =	strace s5  }
0x95: {  	s5 =	sld [smem:$0x3FFC];
	_ =	sdelay $0x3  }
0x96: {  	_ =	strace s5  }
0x97: {  	s5 =	sld [smem:$0x3FFD];
	_ =	sdelay $0x3  }
0x98: {  	_ =	strace s5  }
0x99: {  	_ =	strace $0x8FFFFFFF  }
0x9a: {  	s19 =	sld [smem:$0x3FDB];
	_ =	sdelay $0x1  }
0x9b: {  	s6 =	simm.s32 $_scs_section_size  }
0x9c: {  	s7 =	simm.s32 $_size__tile_overlayer_lowered;
	s8 =	simm.s32 $_tile_overlayer_lowered  }
0x9d: {  	s22 =	simm.s32 $0x1BFF;
	s21 =	sshll.u32 s8, $0x1;
	s5 =	sadd.s32 s6, s19  }
0x9e: {  	s9 =	simm.s32 $0x0;
	s20 =	sshll.u32 s7, $0x1;
	s7 =	sadd.s32 s21, s5  }
0x9f: {  	[timem:s9], [sflag:s22] =	dma.local [hbm:s7], s20  }
0xa0: {  	_ =	swait.ge [sflag:s22], s20  }
0xa1: {  	s6 =	ssub.s32 $0x0, s20;
	[sflag:s22] =	ssyncset.done $0x0  }
0xa2: {  	[sflag:s22] =	ssyncadd.s32 s6;
	_ =	sdelay $0x1  }
0xa3: {  	s23 =	simm.s32 $0x1B8B  }
0xa4: {  	_ =	swait.ge [sflag:s23], $0x1  }
0xa5: {  	[sflag:s23] =	ssyncset.done $0x0  }
0xa6: {  	s25 =	simm.s32 $0x1B8E;
	s24 =	sld [smem:$0x3FFE];
	[sflag:s23] =	ssyncadd.s32 $0xFFFFFFFF  }
0xa7: {  	s26 =	simm.s32 $execute0_lowered;
	[smem:$0x3FD2] =	sst s25  }
0xa8: {  	s7 =	sshll.u32 s26, $0x1;
	_ =	strace $0x80000046;
	[dreg:$0x1] =	wrdreg $0xFFFFFFFF  }
0xa9: {  	s28 =	simm.s32 $_size_execute0_lowered;
	s5 =	sadd.s32 s5, s7;
	[dreg:$0x0] =	wrdreg $0x0  }
0xaa: {  	s7 =	sshll.u32 s28, $0x1;
	[dreg:$0x2] =	wrdreg s5  }
0xab: {  	[dreg:$0x3] =	wrdreg s7  }
0xac: {  	[dreg:$0x4] =	wrdreg $0xC0  }
0xad: {  	_ =	task [dreg:s9], $0x5FFFF  }
0xae: {  	[dreg:$0x1] =	wrdreg $0xFFFFFFFF  }
0xaf: {  	[dreg:$0x0] =	wrdreg $0x60  }
0xb0: {  	[dreg:$0x2] =	wrdreg s2  }
0xb1: {  	[dreg:$0x3] =	wrdreg s18  }
0xb2: {  	[dreg:$0x4] =	wrdreg s4  }
0xb3: {  	[dreg:$0x5] =	wrdreg s24  }
0xb4: {  	[dreg:$0x6] =	wrdreg $0x0  }
0xb5: {  	[dreg:$0x7] =	wrdreg $0x40000  }
0xb6: {  	[dreg:$0x8] =	wrdreg $0x9  }
0xb7: {  	_ =	task.clear_ibuf [dreg:s9], $0x9FFFF;
	_ =	strace $0x90000046  }
0xb8: {  	s29 =	simm.s32 $0x9;
	_ =	strace $0x80000048  }
0xb9: {  	_ =	swait.ge [sflag:s29], $0x1  }
0xba: {  	[sflag:s29] =	ssyncadd.s32 $0xFFFFFFFF  }
0xbb: {  	_ =	strace $0x90000048  }
0xbc: {  	_ =	sfence  }
0xbd: {  	s30 =	sld [smem:$0x0];
	_ =	sdelay $0x2  }
0xbe: {  	s31 =	sshll.u32 s1, $0xD;
	s1 =	sshrl.u32 s1, $0x2  }
0xbf: {  	s3 =	sand.u32 $0x4000, s31;
	s1 =	sadd.s32 s1, s30  }
0xc0: {  	s0 =	sor.u32 s3, s0;
	s1 =	sshll.u32 s1, $0x11  }
0xc1: {  	s0 =	sor.u32 s1, s0  }
0xc2: {  	s0 =	sadd.s32 $0x8F2B, s0  }
0xc3: {  	[sflag:s0] =	ssyncadd.remote.s32 $0x1  }
0xc4: {  	_ =	sfence.sel $0xFFFF  }
0xc5: {  	[dreg:$0x0] =	wrdreg $0xFFFFFFFF;
	(pc) =	sbr.abs _section_cstart, $3  }
0xc6: {  	[dreg:$0x1] =	wrdreg $0xFFFFFFFF  }
0xc7: {  	_ =	task.clear_ibuf [dreg:s9], $0x2FFFF;
	_ =	strace $0x9FFFFFFF  }
0xc8: {  	(tm) =	ssettm $0x7FFFFFFF  }
0xc9: {  	_ =	shalt  }
tec
execute0_lowered:
.L_overlay_start_1:
0x0: {  	(tag) =	ssettag $0x1  }
0x1: {  	s6 =	rddreg [dreg:$0x0]  }
0x2: {  	s7 =	rddreg [dreg:$0x1]  }
0x3: {  	s0 =	srdreg.scid;
	s12 =	rddreg [dreg:$0x3]  }
0x4: {  	s2 =	stileid.u32;
	s1 =	rddreg [dreg:$0x4];
	s4 =	simm.s32 $0x0  }
0x5: {  	s28 =	simm.s32 $0x180;
	s29 =	simm.s32 $0x2;
	s30 =	simm.s32 $0x4  }
0x6: {  	s31 =	simm.s32 $0x5;
	s9 =	sand.u32 $0x1, s0;
	s19 =	sshll.u32 s2, $0x1  }
0x7: {  	v0 =	vlaneseq.u32;
	v12 =	vimm.s32 $0xEDCBA987;
	v14 =	vimm.s32 $0x65432100;
	[smem:$0x7FF] =	sst s4;
	s16 =	sshll.u32 s2, $0xE;
	s21 =	sshll.u32 s2, $0x6  }
0x8: {  	vm0 =	vmmov $0x1;
	v1 =	vadd.s32 $0x1, v0;
	v2 =	vadd.s32 $0x11, v0;
	s25 =	smul.u32 $0x9C, s2;
	p0 =	sne.s32 s2, $0x0;
	p2 =	sgt.u32 s2, $0x1  }
0x9: {  	v5 =	vadd.s32 $0x21, v0;
	v6 =	vadd.s32 $0x31, v0;
	v7 =	vadd.s32 $0x41, v0;
	s3 =	sor.u32 s9, s19;
	s19 =	rddreg [dreg:$0x5];
	s13 =	sshll.u32 s9, $0xF  }
0xa: {  	v11 =	vadd.s32 $0x51, v0;
	v15 =	vunpack.c.l.s4.s8 v12;
	v16 =	vunpack.c.l.s4.s8 v14;
	s14 =	sshll.u32 s9, $0x8;
	s20 =	ssub.s32 $0x2, s9;
	s9 =	smul.u32 $0x4E, s9  }
0xb: {  	v14 =	vadd.s32 $0x71, v0;
	v21 =	vadd.s32 $0x1F, v0;
	v22 =	vadd.s32 $0x2F, v0;
	s0 =	smul.u32 $0x4E, s3;
	s8 =	smin.u32 s3, $0x4;
	s13 =	sadd.s32 s13, s12  }
0xc: {  	v23 =	vadd.s32 $0x3F, v0;
	v24 =	vadd.s32 $0x4F, v0;
	v25 =	vadd.s32 $0x5F, v0;
	s12 =	sadd.s32 s14, s12;
	s15 =	sshrl.u32 s20, $0x1;
	p1 =	seq.s32 s3, $0x0  }
0xd: {  	v26 =	vadd.s32 $0x6F, v0;
	v27 =	vadd.s32 $0x7F, v0;
	v28 =	vadd.s32 $0x81, v0;
	s14 =	ssub.s32 s20, s15;
	s15 =	sadd.s32 s16, s1;
	s16 =	sshll.u32 s2, $0xB  }
0xe: {  	v29 =	vadd.s32 $0x8F, v0;
	v30 =	vadd.s32 $0x91, v0;
	v31 =	vadd.s32 $0x9F, v0;
	s2 =	simm.s32 $0x6;
	s11 =	sadd.s32 s8, s0;
	s0 =	rddreg [dreg:$0x2]  }
0xf: {  	v32 =	vadd.s32 $0xA1, v0;
	v33 =	vadd.s32 $0xAF, v0;
	v34 =	vadd.s32 $0xB1, v0;
	_ =	strace $0x80000047;
	s8 =	sadd.s32 s25, s8;
	s5 =	sshll.u32 s11, $0x7  }
0x10: {  	v35 =	vadd.s32 $0xBF, v0;
	v36 =	vadd.s32 $0xC1, v0;
	v37 =	vadd.s32 $0xCF, v0;
	s18 =	sshll.u32 s11, $0xB;
	s11 =	sshll.u32 s11, $0x4;
	s8 =	sadd.s32 s9, s8  }
0x11: {  	v38 =	vadd.s32 $0xD1, v0;
	v39 =	vadd.s32 $0xDF, v0;
	v40 =	vadd.s32 $0xE1, v0;
	s9 =	simm.s32 $0x1C380;
	s10 =	sadd.s32 $0x2700, s5;
	s5 =	smax.u32 s5, $0x80  }
0x12: {  	v41 =	vadd.s32 $0xEF, v0;
	v42 =	vadd.s32 $0xF1, v0;
	v43 =	vadd.s32 $0xFF, v0;
	s23 =	sadd.s32 s6, s18;
	s11 =	sadd.s32 s7, s11;
	s18 =	sadd.s32 s16, s13  }
0x13: {  	v44 =	vadd.s32 $0x101, v0;
	v45 =	vadd.s32 $0x10F, v0;
	v46 =	vadd.s32 $0x111, v0;
	s5 =	sadd.s32 $0xFFFFFF80, s5;
	[dreg:$0x8] =	wrdreg s23;
	s24 =	sshll.u32 s10, $0x4  }
0x14: {  	v47 =	vadd.s32 $0x11F, v0;
	v48 =	vadd.s32 $0x121, v0;
	v49 =	vadd.s32 $0x12F, v0;
	[dreg:$0x9] =	wrdreg s11;
	s20 =	sadd.s32 $0x1000, s18;
	s23 =	smax.u32 s14, $0x1  }
0x15: {  	v50 =	vadd.s32 $0x131, v0;
	v51 =	vadd.s32 $0x13F, v0;
	v52 =	vadd.s32 $0x141, v0;
	s18 =	simm.s32 $0x7;
	s17 =	sshrl.u32 s5, $0x3;
	s5 =	sor.u32 $0x1C07, s21  }
0x16: {  	v53 =	vadd.s32 $0x14F, v0;
	v54 =	vadd.s32 $0x151, v0;
	v18 =	vunpack.c.0.s8.s32 v15;
	s26 =	sadd.s32 s6, s24;
	[dreg:$0xc] =	wrdreg s20;
	s21 =	sadd.s32 $0xE00, s12  }
0x17: {  	v55 =	vadd.s32 $0x15F, v0;
	v56 =	vadd.s32 $0x161, v0;
	v19 =	vunpack.c.0.s8.s32 v16;
	[dreg:$0xe] =	wrdreg s23;
	s24 =	sshll.u32 s8, $0xB;
	s20 =	simm.s32 $0x1CC00  }
0x18: {  	v20 =	vand.u32 $0xF, v18;
	v3 =	vor.u32 s10, v1;
	v13 =	vor.u32 s10, v11;
	s23 =	simm.s32 $0x1;
	s22 =	sadd.s32 s7, s17;
	[dreg:$0xa] =	wrdreg s26  }
0x19: {  	v4 =	vor.u32 s10, v2;
	v12 =	vcvt.s32.f32 v13;
	v13 =	vadd.s32 $0x61, v0;
	[dreg:$0xd] =	wrdreg s21;
	s14 =	sadd.s32 s24, s6;
	s26 =	sshll.u32 s8, $0x7  }
0x1a: {  	v8 =	vor.u32 s10, v5;
	v9 =	vor.u32 s10, v6;
	v17 =	vor.u32 s10, v13;
	s17 =	sshrl.u32 s15, $0x3;
	s21 =	simm.s32 $0x4080;
	s24 =	simm.s32 $0x3  }
0x1b: {  	v10 =	vor.u32 s10, v7;
	[dreg:$0x7] =	wrdreg s22;
	v15 =	vcvt.s32.f32 v17;
	v17 =	vadd.s32 s10, v14;
	s10 =	sshrl.u32 s10, $0x3;
	s22 =	sshll.u32 s8, $0x4  }
0x1c: {  	v57 =	vadd.s32 $0x16F, v0;
	v58 =	vadd.s32 $0x171, v0;
	v19 =	vcombine.low v19, v20;
	s8 =	smov.u32 s19;
	s6 =	sadd.s32 $0x180, s26;
	s19 =	simm.s32 $0x1C400  }
0x1d: {  	v18 =	vimm.s32 $0x17F;
	v3 =	vcvt.s32.f32 v3;
	v4 =	vcvt.s32.f32 v4;
	s26 =	simm.s32 $0x1C200;
	s10 =	sadd.s32 s7, s10;
	s7 =	sadd.s32 s22, s7  }
0x1e: {  	v20 =	vadd.s32 $0xF, v0;
	v8 =	vcvt.s32.f32 v8;
	v9 =	vcvt.s32.f32 v9;
	s22 =	simm.s32 $0x1C080;
	[dreg:$0xb] =	wrdreg s10;
	s25 =	sadd.s32 $0x60, s7  }
0x1f: {  	v10 =	vcvt.s32.f32 v10;
	v16 =	vcvt.s32.f32 v17;
	v17 =	vimm.s32 $0x7F;
	s10 =	simm.s32 $0x0;
	[dreg:$0xf] =	wrdreg s25;
	s25 =	simm.s32 $0x10080  }
.LBB2_1:
0x20: {  	[spmem:s17], [sflag:s5] =	dma.local [hbm:s0], $0x800  }
0x21: {  	_ =	swait.ge [sflag:s18], $0x800  }
0x22: {  	s7 =	smov.u32 s8;
	[sflag:s18] =	ssyncset.done $0x0  }
0x23: {  	s3 =	sshrl.u32 @!p0 s8, $0x3;
	s8 =	simm.s32 @!p0 $0x7;
	[sflag:s18] =	ssyncadd.s32 $0xFFFFF800  }
0x24: {  	[spmem:s3], [sflag:s5] =	dma.local @!p0 [hbm:s0], $0x100  }
0x25: {  	_ =	swait.ge @!p0 [sflag:s8], $0x100  }
0x26: {  	[sflag:s8] =	ssyncset.done @!p0 $0x0  }
0x27: {  	[sflag:s8] =	ssyncadd.s32 @!p0 $0xFFFFFF00  }
0x28: {  	[tilespmem:s19], [sflag:$0x7] =	stream.linear.gather [hbm4b:s0+s4], $0x800, $0x38;
	[tilespmem:$0x1CD00] =	vst v63  }
0x29: {  	_ =	swait.ge [sflag:s18], $0x800  }
0x2a: {  	[sflag:s18] =	ssyncset.done $0x0  }
0x2b: {  	[sflag:s18] =	ssyncadd.s32 $0xFFFFF800  }
0x2c: {  	[tilespmem:$0x1CC80] =	vst v0  }
0x2d: {  	[bflag:$0x0] =	sbarrier.arrive $0xFFFF  }
0x2e: {  	s13 =	rddreg [dreg:$0x7]  }
0x2f: {  	[tilespmem:s20], [sflag:$0x7] =	stream.linear.gather [hbm4b:s13+s4], $0x80, $0x38;
	[tilespmem:$0x1CD00] =	vst v63  }
0x30: {  	_ =	swait.ge [sflag:s18], $0x80  }
0x31: {  	[sflag:s18] =	ssyncset.done $0x0  }
0x32: {  	[sflag:s18] =	ssyncadd.s32 $0xFFFFFF80  }
0x33: {  	v59 =	vld.idx.msk [tilespmem:v17+s20+$0x0], $0xffff  }
0x34: {  	s15 =	rddreg [dreg:$0x8]  }
0x35: {  	[tilespmem:s21], [sflag:$0x1] =	stream.linear.gather [hbm4b:s15+s4], $0xC000, $0x38;
	[tilespmem:$0x1CD00] =	vst v63  }
0x36: {  	s16 =	rddreg [dreg:$0x9]  }
0x37: {  	[tilespmem:s22], [sflag:$0x3] =	stream.linear.gather [hbm4b:s16+s4], $0x180, $0x38;
	[tilespmem:$0x1CD00] =	vst v63  }
0x38: {  	s8 =	simm.s32 $0x0;
	s15 =	rddreg [dreg:$0xf];
	s16 =	smov.u32 s6;
	v59 =	vpsel p1, $0xFFFFFFFF, v59  }
.LBB2_2:
0x39: {  	_ =	swait.ge [sflag:s23], $0xC000  }
0x3a: {  	[sflag:s23] =	ssyncset.done $0x0  }
0x3b: {  	[sflag:s23] =	ssyncadd.s32 $0xFFFF4000  }
0x3c: {  	_ =	swait.ge [sflag:s24], $0x180  }
0x3d: {  	s11 =	sadd.s32 s8, s14;
	[sflag:s24] =	ssyncset.done $0x0  }
0x3e: {  	s11 =	sadd.s32 $0x1800, s11;
	[sflag:s24] =	ssyncadd.s32 $0xFFFFFE80  }
0x3f: {  	[tilespmem:s25], [sflag:$0x2] =	stream.linear.gather [hbm4b:s11+s4], $0xC000, $0x38;
	[tilespmem:$0x1CD00] =	vst v63  }
0x40: {  	s12 =	sadd.s32 $0xFFFFFFD0, s15  }
0x41: {  	[tilespmem:s26], [sflag:$0x4] =	stream.linear.gather [hbm4b:s12+s4], $0x180, $0x38;
	[tilespmem:$0x1CD00] =	vst v63  }
0x42: {  	_ = 	snop  }
0x43: {  	[spmem:s1] =	stream.indirect.scatter.add.f32 [tilespmem:s21], [sflag:$0x5], $0x80, s22, s28, $0xb8;
	[tilespmem:$0x1CD00] =	vst v63  }
0x44: {  	v60 =	vld.idx.msk [tilespmem:v19+s22+$0x0], $0xffff  }
0x45: {  	v61 =	vld [tilespmem:$0x1C080];
	_ =	sdelay $0x3  }
0x46: {  	v59 =	vsel vm0, v59, v60  }
0x47: {  	vm1 =	vne.s32 v61, v59;
	_ =	sdelay $0x1  }
0x48: {  	s13 =	sadd.s32 $0xFFFFFE80, s16  }
0x49: {  	v62 =	vor.u32 s13, v1  }
0x4a: {  	v60 =	vcvt.s32.f32 v62;
	_ =	sdelay $0x1  }
0x4b: {  	v59 =	vld.idx.msk [tilespmem:v18+s22+$0x0], $0xffff;
	[tilespmem:v61+s19+$0x0] =	vst.idx.msk vm1, v60  }
0x4c: {  	v60 =	vld [tilespmem:$0x1C090]  }
0x4d: {  	v61 =	vld.idx.msk [tilespmem:v20+s22+$0x0], $0xffff;
	_ =	sdelay $0x4  }
0x4e: {  	vm1 =	vne.s32 v60, v61;
	_ =	sdelay $0x2  }
0x4f: {  	v61 =	vor.u32 s13, v2  }
0x50: {  	v61 =	vcvt.s32.f32 v61;
	_ =	sdelay $0x1  }
0x51: {  	[tilespmem:v60+s19+$0x0] =	vst.idx.msk vm1, v61  }
0x52: {  	v60 =	vld [tilespmem:$0x1C0A0]  }
0x53: {  	v61 =	vld.idx.msk [tilespmem:v21+s22+$0x0], $0xffff;
	_ =	sdelay $0x4  }
0x54: {  	vm1 =	vne.s32 v60, v61;
	_ =	sdelay $0x2  }
0x55: {  	v61 =	vor.u32 s13, v5  }
0x56: {  	v61 =	vcvt.s32.f32 v61;
	_ =	sdelay $0x1  }
0x57: {  	[tilespmem:v60+s19+$0x0] =	vst.idx.msk vm1, v61  }
0x58: {  	v60 =	vld [tilespmem:$0x1C0B0]  }
0x59: {  	v61 =	vld.idx.msk [tilespmem:v22+s22+$0x0], $0xffff;
	_ =	sdelay $0x4  }
0x5a: {  	vm1 =	vne.s32 v60, v61;
	_ =	sdelay $0x2  }
0x5b: {  	v61 =	vor.u32 s13, v6  }
0x5c: {  	v61 =	vcvt.s32.f32 v61;
	_ =	sdelay $0x1  }
0x5d: {  	[tilespmem:v60+s19+$0x0] =	vst.idx.msk vm1, v61  }
0x5e: {  	v60 =	vld [tilespmem:$0x1C0C0]  }
0x5f: {  	v61 =	vld.idx.msk [tilespmem:v23+s22+$0x0], $0xffff;
	_ =	sdelay $0x4  }
0x60: {  	vm1 =	vne.s32 v60, v61;
	_ =	sdelay $0x2  }
0x61: {  	v61 =	vor.u32 s13, v7  }
0x62: {  	v61 =	vcvt.s32.f32 v61;
	_ =	sdelay $0x1  }
0x63: {  	[tilespmem:v60+s19+$0x0] =	vst.idx.msk vm1, v61  }
0x64: {  	v60 =	vld [tilespmem:$0x1C0D0]  }
0x65: {  	v61 =	vld.idx.msk [tilespmem:v24+s22+$0x0], $0xffff;
	_ =	sdelay $0x4  }
0x66: {  	vm1 =	vne.s32 v60, v61;
	_ =	sdelay $0x2  }
0x67: {  	v61 =	vor.u32 s13, v11  }
0x68: {  	v61 =	vcvt.s32.f32 v61;
	_ =	sdelay $0x1  }
0x69: {  	[tilespmem:v60+s19+$0x0] =	vst.idx.msk vm1, v61  }
0x6a: {  	v60 =	vld [tilespmem:$0x1C0E0]  }
0x6b: {  	v61 =	vld.idx.msk [tilespmem:v25+s22+$0x0], $0xffff;
	_ =	sdelay $0x4  }
0x6c: {  	vm1 =	vne.s32 v60, v61;
	_ =	sdelay $0x2  }
0x6d: {  	v61 =	vor.u32 s13, v13  }
0x6e: {  	v61 =	vcvt.s32.f32 v61;
	_ =	sdelay $0x1  }
0x6f: {  	[tilespmem:v60+s19+$0x0] =	vst.idx.msk vm1, v61  }
0x70: {  	v60 =	vld [tilespmem:$0x1C0F0]  }
0x71: {  	v61 =	vld.idx.msk [tilespmem:v26+s22+$0x0], $0xffff;
	_ =	sdelay $0x4  }
0x72: {  	vm1 =	vne.s32 v60, v61;
	_ =	sdelay $0x2  }
0x73: {  	v61 =	vadd.s32 s13, v14  }
0x74: {  	v61 =	vcvt.s32.f32 v61;
	_ =	sdelay $0x1  }
0x75: {  	[tilespmem:v60+s19+$0x0] =	vst.idx.msk vm1, v61  }
0x76: {  	v60 =	vld [tilespmem:$0x1C100]  }
0x77: {  	v61 =	vld.idx.msk [tilespmem:v27+s22+$0x0], $0xffff;
	_ =	sdelay $0x4  }
0x78: {  	vm1 =	vne.s32 v60, v61;
	_ =	sdelay $0x2  }
0x79: {  	v61 =	vadd.s32 s13, v28  }
0x7a: {  	v61 =	vcvt.s32.f32 v61;
	_ =	sdelay $0x1  }
0x7b: {  	[tilespmem:v60+s19+$0x0] =	vst.idx.msk vm1, v61  }
0x7c: {  	v60 =	vld [tilespmem:$0x1C110]  }
0x7d: {  	v61 =	vld.idx.msk [tilespmem:v29+s22+$0x0], $0xffff;
	_ =	sdelay $0x4  }
0x7e: {  	vm1 =	vne.s32 v60, v61;
	_ =	sdelay $0x2  }
0x7f: {  	v61 =	vadd.s32 s13, v30  }
0x80: {  	v61 =	vcvt.s32.f32 v61;
	_ =	sdelay $0x1  }
0x81: {  	[tilespmem:v60+s19+$0x0] =	vst.idx.msk vm1, v61  }
0x82: {  	v60 =	vld [tilespmem:$0x1C120]  }
0x83: {  	v61 =	vld.idx.msk [tilespmem:v31+s22+$0x0], $0xffff;
	_ =	sdelay $0x4  }
0x84: {  	vm1 =	vne.s32 v60, v61;
	_ =	sdelay $0x2  }
0x85: {  	v61 =	vadd.s32 s13, v32  }
0x86: {  	v61 =	vcvt.s32.f32 v61;
	_ =	sdelay $0x1  }
0x87: {  	[tilespmem:v60+s19+$0x0] =	vst.idx.msk vm1, v61  }
0x88: {  	v60 =	vld [tilespmem:$0x1C130]  }
0x89: {  	v61 =	vld.idx.msk [tilespmem:v33+s22+$0x0], $0xffff;
	_ =	sdelay $0x4  }
0x8a: {  	vm1 =	vne.s32 v60, v61;
	_ =	sdelay $0x2  }
0x8b: {  	v61 =	vadd.s32 s13, v34  }
0x8c: {  	v61 =	vcvt.s32.f32 v61;
	_ =	sdelay $0x1  }
0x8d: {  	[tilespmem:v60+s19+$0x0] =	vst.idx.msk vm1, v61  }
0x8e: {  	v60 =	vld [tilespmem:$0x1C140]  }
0x8f: {  	v61 =	vld.idx.msk [tilespmem:v35+s22+$0x0], $0xffff;
	_ =	sdelay $0x4  }
0x90: {  	vm1 =	vne.s32 v60, v61;
	_ =	sdelay $0x2  }
0x91: {  	v61 =	vadd.s32 s13, v36  }
0x92: {  	v61 =	vcvt.s32.f32 v61;
	_ =	sdelay $0x1  }
0x93: {  	[tilespmem:v60+s19+$0x0] =	vst.idx.msk vm1, v61  }
0x94: {  	v60 =	vld [tilespmem:$0x1C150]  }
0x95: {  	v61 =	vld.idx.msk [tilespmem:v37+s22+$0x0], $0xffff;
	_ =	sdelay $0x4  }
0x96: {  	vm1 =	vne.s32 v60, v61;
	_ =	sdelay $0x2  }
0x97: {  	v61 =	vadd.s32 s13, v38  }
0x98: {  	v61 =	vcvt.s32.f32 v61;
	_ =	sdelay $0x1  }
0x99: {  	[tilespmem:v60+s19+$0x0] =	vst.idx.msk vm1, v61  }
0x9a: {  	v60 =	vld [tilespmem:$0x1C160]  }
0x9b: {  	v61 =	vld.idx.msk [tilespmem:v39+s22+$0x0], $0xffff;
	_ =	sdelay $0x4  }
0x9c: {  	vm1 =	vne.s32 v60, v61;
	_ =	sdelay $0x2  }
0x9d: {  	v61 =	vadd.s32 s13, v40  }
0x9e: {  	v61 =	vcvt.s32.f32 v61;
	_ =	sdelay $0x1  }
0x9f: {  	[tilespmem:v60+s19+$0x0] =	vst.idx.msk vm1, v61  }
0xa0: {  	v60 =	vld [tilespmem:$0x1C170]  }
0xa1: {  	v61 =	vld.idx.msk [tilespmem:v41+s22+$0x0], $0xffff;
	_ =	sdelay $0x4  }
0xa2: {  	vm1 =	vne.s32 v60, v61;
	_ =	sdelay $0x2  }
0xa3: {  	v61 =	vadd.s32 s13, v42  }
0xa4: {  	v61 =	vcvt.s32.f32 v61;
	_ =	sdelay $0x1  }
0xa5: {  	[tilespmem:v60+s19+$0x0] =	vst.idx.msk vm1, v61  }
0xa6: {  	v60 =	vld [tilespmem:$0x1C180]  }
0xa7: {  	v61 =	vld.idx.msk [tilespmem:v43+s22+$0x0], $0xffff;
	_ =	sdelay $0x4  }
0xa8: {  	vm1 =	vne.s32 v60, v61;
	_ =	sdelay $0x2  }
0xa9: {  	v61 =	vadd.s32 s13, v44  }
0xaa: {  	v61 =	vcvt.s32.f32 v61;
	_ =	sdelay $0x1  }
0xab: {  	[tilespmem:v60+s19+$0x0] =	vst.idx.msk vm1, v61  }
0xac: {  	v60 =	vld [tilespmem:$0x1C190]  }
0xad: {  	v61 =	vld.idx.msk [tilespmem:v45+s22+$0x0], $0xffff;
	_ =	sdelay $0x4  }
0xae: {  	vm1 =	vne.s32 v60, v61;
	_ =	sdelay $0x2  }
0xaf: {  	v61 =	vadd.s32 s13, v46  }
0xb0: {  	v61 =	vcvt.s32.f32 v61;
	_ =	sdelay $0x1  }
0xb1: {  	[tilespmem:v60+s19+$0x0] =	vst.idx.msk vm1, v61  }
0xb2: {  	v60 =	vld [tilespmem:$0x1C1A0]  }
0xb3: {  	v61 =	vld.idx.msk [tilespmem:v47+s22+$0x0], $0xffff;
	_ =	sdelay $0x4  }
0xb4: {  	vm1 =	vne.s32 v60, v61;
	_ =	sdelay $0x2  }
0xb5: {  	v61 =	vadd.s32 s13, v48  }
0xb6: {  	v61 =	vcvt.s32.f32 v61;
	_ =	sdelay $0x1  }
0xb7: {  	[tilespmem:v60+s19+$0x0] =	vst.idx.msk vm1, v61  }
0xb8: {  	v60 =	vld [tilespmem:$0x1C1B0]  }
0xb9: {  	v61 =	vld.idx.msk [tilespmem:v49+s22+$0x0], $0xffff;
	_ =	sdelay $0x4  }
0xba: {  	vm1 =	vne.s32 v60, v61;
	_ =	sdelay $0x2  }
0xbb: {  	v61 =	vadd.s32 s13, v50  }
0xbc: {  	v61 =	vcvt.s32.f32 v61;
	_ =	sdelay $0x1  }
0xbd: {  	[tilespmem:v60+s19+$0x0] =	vst.idx.msk vm1, v61  }
0xbe: {  	v60 =	vld [tilespmem:$0x1C1C0]  }
0xbf: {  	v61 =	vld.idx.msk [tilespmem:v51+s22+$0x0], $0xffff;
	_ =	sdelay $0x4  }
0xc0: {  	vm1 =	vne.s32 v60, v61;
	_ =	sdelay $0x2  }
0xc1: {  	v61 =	vadd.s32 s13, v52  }
0xc2: {  	v61 =	vcvt.s32.f32 v61;
	_ =	sdelay $0x1  }
0xc3: {  	[tilespmem:v60+s19+$0x0] =	vst.idx.msk vm1, v61  }
0xc4: {  	v60 =	vld [tilespmem:$0x1C1D0]  }
0xc5: {  	v61 =	vld.idx.msk [tilespmem:v53+s22+$0x0], $0xffff;
	_ =	sdelay $0x4  }
0xc6: {  	vm1 =	vne.s32 v60, v61;
	_ =	sdelay $0x2  }
0xc7: {  	v61 =	vadd.s32 s13, v54  }
0xc8: {  	v61 =	vcvt.s32.f32 v61;
	_ =	sdelay $0x1  }
0xc9: {  	[tilespmem:v60+s19+$0x0] =	vst.idx.msk vm1, v61  }
0xca: {  	v60 =	vld [tilespmem:$0x1C1E0]  }
0xcb: {  	v61 =	vld.idx.msk [tilespmem:v55+s22+$0x0], $0xffff;
	_ =	sdelay $0x4  }
0xcc: {  	vm1 =	vne.s32 v60, v61;
	_ =	sdelay $0x2  }
0xcd: {  	v61 =	vadd.s32 s13, v56  }
0xce: {  	v61 =	vcvt.s32.f32 v61;
	_ =	sdelay $0x1  }
0xcf: {  	[tilespmem:v60+s19+$0x0] =	vst.idx.msk vm1, v61  }
0xd0: {  	v60 =	vld [tilespmem:$0x1C1F0]  }
0xd1: {  	v61 =	vld.idx.msk [tilespmem:v57+s22+$0x0], $0xffff;
	_ =	sdelay $0x4  }
0xd2: {  	vm1 =	vne.s32 v60, v61;
	_ =	sdelay $0x2  }
0xd3: {  	v61 =	vadd.s32 s13, v58  }
0xd4: {  	v61 =	vcvt.s32.f32 v61;
	_ =	sdelay $0x1  }
0xd5: {  	[tilespmem:v60+s19+$0x0] =	vst.idx.msk vm1, v61  }
0xd6: {  	_ =	swait.ge [sflag:s29], $0xC000  }
0xd7: {  	[sflag:s29] =	ssyncset.done $0x0  }
0xd8: {  	[sflag:s29] =	ssyncadd.s32 $0xFFFF4000  }
0xd9: {  	_ =	swait.ge [sflag:s30], $0x180  }
0xda: {  	[sflag:s30] =	ssyncset.done $0x0  }
0xdb: {  	[sflag:s30] =	ssyncadd.s32 $0xFFFFFE80  }
0xdc: {  	[spmem:s1] =	stream.indirect.scatter.add.f32 [tilespmem:s25], [sflag:$0x6], $0x80, s26, s28, $0xb8;
	[tilespmem:$0x1CD00] =	vst v63  }
0xdd: {  	v60 =	vld.idx.msk [tilespmem:v19+s26+$0x0], $0xffff  }
0xde: {  	v61 =	vld [tilespmem:$0x1C200];
	_ =	sdelay $0x3  }
0xdf: {  	v59 =	vsel vm0, v59, v60  }
0xe0: {  	vm1 =	vne.s32 v61, v59;
	_ =	sdelay $0x2  }
0xe1: {  	v63 =	vor.u32 s16, v1  }
0xe2: {  	v60 =	vcvt.s32.f32 v63;
	_ =	sdelay $0x1  }
0xe3: {  	v59 =	vld.idx.msk [tilespmem:v18+s26+$0x0], $0xffff;
	[tilespmem:v61+s19+$0x0] =	vst.idx.msk vm1, v60  }
0xe4: {  	v60 =	vld [tilespmem:$0x1C210]  }
0xe5: {  	v61 =	vld.idx.msk [tilespmem:v20+s26+$0x0], $0xffff;
	_ =	sdelay $0x4  }
0xe6: {  	vm1 =	vne.s32 v60, v61;
	_ =	sdelay $0x2  }
0xe7: {  	v61 =	vor.u32 s16, v2  }
0xe8: {  	v61 =	vcvt.s32.f32 v61;
	_ =	sdelay $0x1  }
0xe9: {  	[tilespmem:v60+s19+$0x0] =	vst.idx.msk vm1, v61  }
0xea: {  	v60 =	vld [tilespmem:$0x1C220]  }
0xeb: {  	v61 =	vld.idx.msk [tilespmem:v21+s26+$0x0], $0xffff;
	_ =	sdelay $0x4  }
0xec: {  	vm1 =	vne.s32 v60, v61;
	_ =	sdelay $0x2  }
0xed: {  	v61 =	vor.u32 s16, v5  }
0xee: {  	v61 =	vcvt.s32.f32 v61;
	_ =	sdelay $0x1  }
0xef: {  	[tilespmem:v60+s19+$0x0] =	vst.idx.msk vm1, v61  }
0xf0: {  	v60 =	vld [tilespmem:$0x1C230]  }
0xf1: {  	v61 =	vld.idx.msk [tilespmem:v22+s26+$0x0], $0xffff;
	_ =	sdelay $0x4  }
0xf2: {  	vm1 =	vne.s32 v60, v61;
	_ =	sdelay $0x2  }
0xf3: {  	v61 =	vor.u32 s16, v6  }
0xf4: {  	v61 =	vcvt.s32.f32 v61;
	_ =	sdelay $0x1  }
0xf5: {  	[tilespmem:v60+s19+$0x0] =	vst.idx.msk vm1, v61  }
0xf6: {  	v60 =	vld [tilespmem:$0x1C240]  }
0xf7: {  	v61 =	vld.idx.msk [tilespmem:v23+s26+$0x0], $0xffff;
	_ =	sdelay $0x4  }
0xf8: {  	vm1 =	vne.s32 v60, v61;
	_ =	sdelay $0x2  }
0xf9: {  	v61 =	vor.u32 s16, v7  }
0xfa: {  	v61 =	vcvt.s32.f32 v61;
	_ =	sdelay $0x1  }
0xfb: {  	[tilespmem:v60+s19+$0x0] =	vst.idx.msk vm1, v61  }
0xfc: {  	v60 =	vld [tilespmem:$0x1C250]  }
0xfd: {  	v61 =	vld.idx.msk [tilespmem:v24+s26+$0x0], $0xffff;
	_ =	sdelay $0x4  }
0xfe: {  	vm1 =	vne.s32 v60, v61;
	_ =	sdelay $0x2  }
0xff: {  	v61 =	vor.u32 s16, v11  }
0x100: {  	v61 =	vcvt.s32.f32 v61;
	_ =	sdelay $0x1  }
0x101: {  	[tilespmem:v60+s19+$0x0] =	vst.idx.msk vm1, v61  }
0x102: {  	v60 =	vld [tilespmem:$0x1C260]  }
0x103: {  	v61 =	vld.idx.msk [tilespmem:v25+s26+$0x0], $0xffff;
	_ =	sdelay $0x4  }
0x104: {  	vm1 =	vne.s32 v60, v61;
	_ =	sdelay $0x2  }
0x105: {  	v61 =	vor.u32 s16, v13  }
0x106: {  	v61 =	vcvt.s32.f32 v61;
	_ =	sdelay $0x1  }
0x107: {  	[tilespmem:v60+s19+$0x0] =	vst.idx.msk vm1, v61  }
0x108: {  	v60 =	vld [tilespmem:$0x1C270]  }
0x109: {  	v61 =	vld.idx.msk [tilespmem:v26+s26+$0x0], $0xffff;
	_ =	sdelay $0x4  }
0x10a: {  	vm1 =	vne.s32 v60, v61;
	_ =	sdelay $0x2  }
0x10b: {  	v61 =	vadd.s32 s16, v14  }
0x10c: {  	v61 =	vcvt.s32.f32 v61;
	_ =	sdelay $0x1  }
0x10d: {  	[tilespmem:v60+s19+$0x0] =	vst.idx.msk vm1, v61  }
0x10e: {  	v60 =	vld [tilespmem:$0x1C280]  }
0x10f: {  	v61 =	vld.idx.msk [tilespmem:v27+s26+$0x0], $0xffff;
	_ =	sdelay $0x4  }
0x110: {  	vm1 =	vne.s32 v60, v61;
	_ =	sdelay $0x2  }
0x111: {  	v61 =	vadd.s32 s16, v28  }
0x112: {  	v61 =	vcvt.s32.f32 v61;
	_ =	sdelay $0x1  }
0x113: {  	[tilespmem:v60+s19+$0x0] =	vst.idx.msk vm1, v61  }
0x114: {  	v60 =	vld [tilespmem:$0x1C290]  }
0x115: {  	v61 =	vld.idx.msk [tilespmem:v29+s26+$0x0], $0xffff;
	_ =	sdelay $0x4  }
0x116: {  	vm1 =	vne.s32 v60, v61;
	_ =	sdelay $0x2  }
0x117: {  	v61 =	vadd.s32 s16, v30  }
0x118: {  	v61 =	vcvt.s32.f32 v61;
	_ =	sdelay $0x1  }
0x119: {  	[tilespmem:v60+s19+$0x0] =	vst.idx.msk vm1, v61  }
0x11a: {  	v60 =	vld [tilespmem:$0x1C2A0]  }
0x11b: {  	v61 =	vld.idx.msk [tilespmem:v31+s26+$0x0], $0xffff;
	_ =	sdelay $0x4  }
0x11c: {  	vm1 =	vne.s32 v60, v61;
	_ =	sdelay $0x2  }
0x11d: {  	v61 =	vadd.s32 s16, v32  }
0x11e: {  	v61 =	vcvt.s32.f32 v61;
	_ =	sdelay $0x1  }
0x11f: {  	[tilespmem:v60+s19+$0x0] =	vst.idx.msk vm1, v61  }
0x120: {  	v60 =	vld [tilespmem:$0x1C2B0]  }
0x121: {  	v61 =	vld.idx.msk [tilespmem:v33+s26+$0x0], $0xffff;
	_ =	sdelay $0x4  }
0x122: {  	vm1 =	vne.s32 v60, v61;
	_ =	sdelay $0x2  }
0x123: {  	v61 =	vadd.s32 s16, v34  }
0x124: {  	v61 =	vcvt.s32.f32 v61;
	_ =	sdelay $0x1  }
0x125: {  	[tilespmem:v60+s19+$0x0] =	vst.idx.msk vm1, v61  }
0x126: {  	v60 =	vld [tilespmem:$0x1C2C0]  }
0x127: {  	v61 =	vld.idx.msk [tilespmem:v35+s26+$0x0], $0xffff;
	_ =	sdelay $0x4  }
0x128: {  	vm1 =	vne.s32 v60, v61;
	_ =	sdelay $0x2  }
0x129: {  	v61 =	vadd.s32 s16, v36  }
0x12a: {  	v61 =	vcvt.s32.f32 v61;
	_ =	sdelay $0x1  }
0x12b: {  	[tilespmem:v60+s19+$0x0] =	vst.idx.msk vm1, v61  }
0x12c: {  	v60 =	vld [tilespmem:$0x1C2D0]  }
0x12d: {  	v61 =	vld.idx.msk [tilespmem:v37+s26+$0x0], $0xffff;
	_ =	sdelay $0x4  }
0x12e: {  	vm1 =	vne.s32 v60, v61;
	_ =	sdelay $0x2  }
0x12f: {  	v61 =	vadd.s32 s16, v38  }
0x130: {  	v61 =	vcvt.s32.f32 v61;
	_ =	sdelay $0x1  }
0x131: {  	[tilespmem:v60+s19+$0x0] =	vst.idx.msk vm1, v61  }
0x132: {  	v60 =	vld [tilespmem:$0x1C2E0]  }
0x133: {  	v61 =	vld.idx.msk [tilespmem:v39+s26+$0x0], $0xffff;
	_ =	sdelay $0x4  }
0x134: {  	vm1 =	vne.s32 v60, v61;
	_ =	sdelay $0x2  }
0x135: {  	v61 =	vadd.s32 s16, v40  }
0x136: {  	v61 =	vcvt.s32.f32 v61;
	_ =	sdelay $0x1  }
0x137: {  	[tilespmem:v60+s19+$0x0] =	vst.idx.msk vm1, v61  }
0x138: {  	v60 =	vld [tilespmem:$0x1C2F0]  }
0x139: {  	v61 =	vld.idx.msk [tilespmem:v41+s26+$0x0], $0xffff;
	_ =	sdelay $0x4  }
0x13a: {  	vm1 =	vne.s32 v60, v61;
	_ =	sdelay $0x2  }
0x13b: {  	v61 =	vadd.s32 s16, v42  }
0x13c: {  	v61 =	vcvt.s32.f32 v61;
	_ =	sdelay $0x1  }
0x13d: {  	[tilespmem:v60+s19+$0x0] =	vst.idx.msk vm1, v61  }
0x13e: {  	v60 =	vld [tilespmem:$0x1C300]  }
0x13f: {  	v61 =	vld.idx.msk [tilespmem:v43+s26+$0x0], $0xffff;
	_ =	sdelay $0x4  }
0x140: {  	vm1 =	vne.s32 v60, v61;
	_ =	sdelay $0x2  }
0x141: {  	v61 =	vadd.s32 s16, v44  }
0x142: {  	v61 =	vcvt.s32.f32 v61;
	_ =	sdelay $0x1  }
0x143: {  	[tilespmem:v60+s19+$0x0] =	vst.idx.msk vm1, v61  }
0x144: {  	v60 =	vld [tilespmem:$0x1C310]  }
0x145: {  	v61 =	vld.idx.msk [tilespmem:v45+s26+$0x0], $0xffff;
	_ =	sdelay $0x4  }
0x146: {  	vm1 =	vne.s32 v60, v61;
	_ =	sdelay $0x2  }
0x147: {  	v61 =	vadd.s32 s16, v46  }
0x148: {  	v61 =	vcvt.s32.f32 v61;
	_ =	sdelay $0x1  }
0x149: {  	[tilespmem:v60+s19+$0x0] =	vst.idx.msk vm1, v61  }
0x14a: {  	v60 =	vld [tilespmem:$0x1C320]  }
0x14b: {  	v61 =	vld.idx.msk [tilespmem:v47+s26+$0x0], $0xffff;
	_ =	sdelay $0x4  }
0x14c: {  	vm1 =	vne.s32 v60, v61;
	_ =	sdelay $0x2  }
0x14d: {  	v61 =	vadd.s32 s16, v48  }
0x14e: {  	v61 =	vcvt.s32.f32 v61;
	_ =	sdelay $0x1  }
0x14f: {  	[tilespmem:v60+s19+$0x0] =	vst.idx.msk vm1, v61  }
0x150: {  	v60 =	vld [tilespmem:$0x1C330]  }
0x151: {  	v61 =	vld.idx.msk [tilespmem:v49+s26+$0x0], $0xffff;
	_ =	sdelay $0x4  }
0x152: {  	vm1 =	vne.s32 v60, v61;
	_ =	sdelay $0x2  }
0x153: {  	v61 =	vadd.s32 s16, v50  }
0x154: {  	v61 =	vcvt.s32.f32 v61;
	_ =	sdelay $0x1  }
0x155: {  	[tilespmem:v60+s19+$0x0] =	vst.idx.msk vm1, v61  }
0x156: {  	v60 =	vld [tilespmem:$0x1C340]  }
0x157: {  	v61 =	vld.idx.msk [tilespmem:v51+s26+$0x0], $0xffff;
	_ =	sdelay $0x4  }
0x158: {  	vm1 =	vne.s32 v60, v61;
	_ =	sdelay $0x2  }
0x159: {  	v61 =	vadd.s32 s16, v52  }
0x15a: {  	v61 =	vcvt.s32.f32 v61;
	_ =	sdelay $0x1  }
0x15b: {  	[tilespmem:v60+s19+$0x0] =	vst.idx.msk vm1, v61  }
0x15c: {  	v60 =	vld [tilespmem:$0x1C350]  }
0x15d: {  	v61 =	vld.idx.msk [tilespmem:v53+s26+$0x0], $0xffff;
	_ =	sdelay $0x4  }
0x15e: {  	vm1 =	vne.s32 v60, v61;
	_ =	sdelay $0x2  }
0x15f: {  	v61 =	vadd.s32 s16, v54  }
0x160: {  	v61 =	vcvt.s32.f32 v61;
	_ =	sdelay $0x1  }
0x161: {  	[tilespmem:v60+s19+$0x0] =	vst.idx.msk vm1, v61  }
0x162: {  	v60 =	vld [tilespmem:$0x1C360]  }
0x163: {  	v61 =	vld.idx.msk [tilespmem:v55+s26+$0x0], $0xffff;
	_ =	sdelay $0x4  }
0x164: {  	vm1 =	vne.s32 v60, v61;
	_ =	sdelay $0x2  }
0x165: {  	v61 =	vadd.s32 s16, v56  }
0x166: {  	v61 =	vcvt.s32.f32 v61;
	_ =	sdelay $0x1  }
0x167: {  	[tilespmem:v60+s19+$0x0] =	vst.idx.msk vm1, v61  }
0x168: {  	v60 =	vld [tilespmem:$0x1C370]  }
0x169: {  	v61 =	vld.idx.msk [tilespmem:v57+s26+$0x0], $0xffff;
	_ =	sdelay $0x4  }
0x16a: {  	vm1 =	vne.s32 v60, v61;
	_ =	sdelay $0x2  }
0x16b: {  	v61 =	vadd.s32 s16, v58  }
0x16c: {  	v61 =	vcvt.s32.f32 v61;
	_ =	sdelay $0x1  }
0x16d: {  	p3 =	seq.s32 s8, $0x24000;
	[tilespmem:v60+s19+$0x0] =	vst.idx.msk vm1, v61  }
0x16e: {  	s11 =	sadd.s32 @!p3 s8, s14;
	_ =	swait.ge [sflag:s31], $0xC000  }
0x16f: {  	s11 =	sadd.s32 @!p3 $0x3000, s11;
	[sflag:s31] =	ssyncset.done $0x0  }
0x170: {  	s12 =	simm.s32 @!p3 $0x0;
	s13 =	simm.s32 @!p3 $0x4080;
	[sflag:s31] =	ssyncadd.s32 $0xFFFF4000  }
0x171: {  	[tilespmem:s13], [sflag:$0x1] =	stream.linear.gather @!p3 [hbm4b:s11+s12], $0xC000, $0x38;
	[tilespmem:$0x1CD00] =	vst v63  }
0x172: {  	s8 =	sadd.s32 $0x3000, s8;
	s11 =	simm.s32 @!p3 $0x1C080  }
0x173: {  	[tilespmem:s11], [sflag:$0x3] =	stream.linear.gather @!p3 [hbm4b:s15+s12], $0x180, $0x38;
	[tilespmem:$0x1CD00] =	vst v63  }
0x174: {  	p3 =	sne.s32 s8, $0x27000  }
.Ltmp0:
0x175: {  	_ = 	snop;
	(pc) =	sbr.rel @p3 .LBB2_2-.Ltmp0, $4  }
0x176: {  	_ = 	snop  }
0x177: {  	_ =	swait.ge [sflag:s2], $0xC000  }
0x178: {  	[sflag:s2] =	ssyncset.done $0x0  }
0x179: {  	s16 =	sadd.s32 $0x300, s16;
	s15 =	sadd.s32 $0x60, s15;
	[sflag:s2] =	ssyncadd.s32 $0xFFFF4000  }
0x17a: {  	s8 =	rddreg @!p2 [dreg:$0xa]  }
0x17b: {  	[tilespmem:s21], [sflag:$0x7] =	stream.linear.gather @!p2 [hbm4b:s8+s4], $0x4000, $0x38;
	[tilespmem:$0x1CD00] =	vst v63  }
0x17c: {  	_ =	swait.ge @!p2 [sflag:s18], $0x4000  }
0x17d: {  	[sflag:s18] =	ssyncset.done @!p2 $0x0  }
0x17e: {  	s8 =	rddreg @!p2 [dreg:$0xb];
	[sflag:s18] =	ssyncadd.s32 @!p2 $0xFFFFC000  }
0x17f: {  	[tilespmem:s9], [sflag:$0x7] =	stream.linear.gather @!p2 [hbm4b:s8+s4], $0x80, $0x38;
	[tilespmem:$0x1CD00] =	vst v63  }
0x180: {  	_ =	swait.ge @!p2 [sflag:s18], $0x80  }
0x181: {  	[sflag:s18] =	ssyncset.done @!p2 $0x0  }
0x182: {  	s8 =	simm.s32 @!p2 $0x80;
	[sflag:s18] =	ssyncadd.s32 @!p2 $0xFFFFFF80  }
0x183: {  	[spmem:s1] =	stream.indirect.scatter.add.f32 @!p2 [tilespmem:s21], [sflag:$0x7], $0x80, s9, s8, $0xb8;
	[tilespmem:$0x1CD00] =	vst v63  }
0x184: {  	_ =	swait.ge @!p2 [sflag:s18], $0x4000  }
0x185: {  	[sflag:s18] =	ssyncset.done @!p2 $0x0  }
0x186: {  	[sflag:s18] =	ssyncadd.s32 @!p2 $0xFFFFC000  }
0x187: {  	v60 =	vld.idx.msk @!p2 [tilespmem:v19+s9+$0x0], $0xffff  }
0x188: {  	v61 =	vld @!p2 [tilespmem:$0x1C380];
	_ =	sdelay $0x3  }
0x189: {  	v59 =	vsel @!p2 vm0, v59, v60  }
0x18a: {  	vm1 =	vne.s32 @!p2 v61, v59;
	_ =	sdelay $0x5  }
0x18b: {  	[tilespmem:v61+s19+$0x0] =	vst.idx.msk @!p2 vm1, v3  }
0x18c: {  	v59 =	vld @!p2 [tilespmem:$0x1C390]  }
0x18d: {  	v60 =	vld.idx.msk @!p2 [tilespmem:v20+s9+$0x0], $0xffff;
	_ =	sdelay $0x4  }
0x18e: {  	vm1 =	vne.s32 @!p2 v59, v60;
	_ =	sdelay $0x5  }
0x18f: {  	[tilespmem:v59+s19+$0x0] =	vst.idx.msk @!p2 vm1, v4  }
0x190: {  	v59 =	vld @!p2 [tilespmem:$0x1C3A0]  }
0x191: {  	v60 =	vld.idx.msk @!p2 [tilespmem:v21+s9+$0x0], $0xffff;
	_ =	sdelay $0x4  }
0x192: {  	vm1 =	vne.s32 @!p2 v59, v60;
	_ =	sdelay $0x5  }
0x193: {  	[tilespmem:v59+s19+$0x0] =	vst.idx.msk @!p2 vm1, v8  }
0x194: {  	v59 =	vld @!p2 [tilespmem:$0x1C3B0]  }
0x195: {  	v60 =	vld.idx.msk @!p2 [tilespmem:v22+s9+$0x0], $0xffff;
	_ =	sdelay $0x4  }
0x196: {  	vm1 =	vne.s32 @!p2 v59, v60;
	_ =	sdelay $0x5  }
0x197: {  	[tilespmem:v59+s19+$0x0] =	vst.idx.msk @!p2 vm1, v9  }
0x198: {  	v59 =	vld @!p2 [tilespmem:$0x1C3C0]  }
0x199: {  	v60 =	vld.idx.msk @!p2 [tilespmem:v23+s9+$0x0], $0xffff;
	_ =	sdelay $0x4  }
0x19a: {  	vm1 =	vne.s32 @!p2 v59, v60;
	_ =	sdelay $0x5  }
0x19b: {  	[tilespmem:v59+s19+$0x0] =	vst.idx.msk @!p2 vm1, v10  }
0x19c: {  	v59 =	vld @!p2 [tilespmem:$0x1C3D0]  }
0x19d: {  	v60 =	vld.idx.msk @!p2 [tilespmem:v24+s9+$0x0], $0xffff;
	_ =	sdelay $0x4  }
0x19e: {  	vm1 =	vne.s32 @!p2 v59, v60;
	_ =	sdelay $0x5  }
0x19f: {  	[tilespmem:v59+s19+$0x0] =	vst.idx.msk @!p2 vm1, v12  }
0x1a0: {  	v59 =	vld @!p2 [tilespmem:$0x1C3E0]  }
0x1a1: {  	v60 =	vld.idx.msk @!p2 [tilespmem:v25+s9+$0x0], $0xffff;
	_ =	sdelay $0x4  }
0x1a2: {  	vm1 =	vne.s32 @!p2 v59, v60;
	_ =	sdelay $0x5  }
0x1a3: {  	[tilespmem:v59+s19+$0x0] =	vst.idx.msk @!p2 vm1, v15  }
0x1a4: {  	v59 =	vld @!p2 [tilespmem:$0x1C3F0]  }
0x1a5: {  	v60 =	vld.idx.msk @!p2 [tilespmem:v26+s9+$0x0], $0xffff;
	_ =	sdelay $0x4  }
0x1a6: {  	vm1 =	vne.s32 @!p2 v59, v60;
	_ =	sdelay $0x5  }
0x1a7: {  	s13 =	simm.s32 $0x10;
	s11 =	simm.s32 $0x1CC80;
	s8 =	smov.u32 s7;
	[tilespmem:v59+s19+$0x0] =	vst.idx.msk @!p2 vm1, v16  }
0x1a8: {  	[spmem:s8] =	stream.indirect.scatter.add.f32 [tilespmem:s19], [sflag:$0x7], $0x80, s11, s13, $0xb8;
	[tilespmem:$0x1CD00] =	vst v63  }
0x1a9: {  	_ =	swait.ge [sflag:s18], $0x800  }
0x1aa: {  	[sflag:s18] =	ssyncset.done $0x0  }
0x1ab: {  	[sflag:s18] =	ssyncadd.s32 $0xFFFFF800  }
0x1ac: {  	[bflag:$0x0] =	sbarrier.arrive $0xFFFF  }
0x1ad: {  	s15 =	rddreg [dreg:$0xc]  }
0x1ae: {  	[hbm:s15], [sflag:s5] =	dma.local [spmem:s17], $0x800  }
0x1af: {  	_ =	swait.ge [sflag:s18], $0x800  }
0x1b0: {  	[sflag:s18] =	ssyncset.done $0x0  }
0x1b1: {  	s7 =	rddreg [dreg:$0xd];
	[sflag:s18] =	ssyncadd.s32 $0xFFFFF800  }
0x1b2: {  	[hbm:s7], [sflag:s5] =	dma.local @!p0 [spmem:s3], $0x100  }
0x1b3: {  	s3 =	simm.s32 @!p0 $0x7  }
0x1b4: {  	_ =	swait.ge @!p0 [sflag:s3], $0x100  }
0x1b5: {  	s10 =	sadd.s32 $0x1, s10;
	s16 =	rddreg [dreg:$0xe]  }
0x1b6: {  	p3 =	sne.s32 s10, s16  }
.Ltmp1:
0x1b7: {  	_ = 	snop;
	(pc) =	sbr.rel @p3 .LBB2_1-.Ltmp1, $3  }
0x1b8: {  	_ =	sdelay $0x1  }
0x1b9: {  	[sflag:s3] =	ssyncset.done @!p0 $0x0  }
0x1ba: {  	[sflag:s3] =	ssyncadd.s32 @!p0 $0xFFFFFF00  }
0x1bb: {  	_ =	sfence.sel $0x180000  }
0x1bc: {  	[bflag:$0x0] =	sbarrier.arrive $0xFFFF  }
0x1bd: {  	_ =	strace $0x90000047  }
0x1be: {  	[bflag:$0x2] =	sbarrier.arrive $0xFFFF  }
0x1bf: {  	s0 =	rddreg [dreg:$0x6]  }
0x1c0: {  	s0 =	sadd.s32 @!p0 $0x100000, s0  }
0x1c1: {  	[sflag:s0] =	ssyncadd.tile.s32 @!p0 $0x1;
	_ =	shalt  }
.Lfunc_end2:
_tile_overlayer_lowered:
.L_overlay_start_2:
0x1c2: {  	(tag) =	ssettag $0x2  }
0x1c3: {  	s0 =	rddreg [dreg:$0x0];
	s2 =	stileid.u32  }
0x1c4: {  	s1 =	rddreg [dreg:$0x1];
	p0 =	sne.s32 s2, $0x0  }
0x1c5: {  	s3 =	rddreg [dreg:$0x2];
	[bflag:$0x3] =	sbarrier.arrive $0xFFFF;
	s2 =	simm.s32 @!p0 $0x1C07  }
0x1c6: {  	[timem:s3], [sflag:s2] =	dma.local @!p0 [hbm:s0], s1  }
0x1c7: {  	s0 =	simm.s32 @!p0 $0x7  }
0x1c8: {  	_ =	swait.ge @!p0 [sflag:s0], s1  }
0x1c9: {  	s1 =	ssub.s32 @!p0 $0x0, s1;
	[sflag:s0] =	ssyncset.done @!p0 $0x0  }
0x1ca: {  	[sflag:s0] =	ssyncadd.s32 @!p0 s1  }
0x1cb: {  	[bflag:$0x3] =	sbarrier.arrive $0xFFFF  }
0x1cc: {  	_ =	shalt  }

</sc_bundles>
